<compile_context>
chip_gen: v7x
topology: tpu7x:2x2x1
jax: 0.10.2.dev20260603
libtpu: 0.0.44.dev20260713+nightly
codegen_flags: <defaults>
</compile_context>

<pallas_src>
import functools

import jax
import jax.numpy as jnp
from jax import lax
from jax.experimental import pallas as pl
from jax.experimental.pallas import tpu as pltpu
from jax.experimental.pallas import tpu_sc as plsc

_B, _N, _D, _H = 2, 2048, 256, 4
_HD = _D // _H
_K = _N // 2
_BLK = 256
_NBLK = _N // _BLK

_NSUB = 16
_NCORE = 2
_NW = _NCORE * _NSUB
_SLICE = 65536
_ECHUNK = 4096


def _edge_scatter_body(edge_hbm, mask_hbm, buf, flat_v, row_v, col_v,
                       sem, esem):
    cid = lax.axis_index("c")
    sid = lax.axis_index("s")
    wid = sid * _NCORE + cid
    nchunk = edge_hbm.shape[1]
    n_edges = nchunk * _ECHUNK

    def _zero_buf():
        @plsc.parallel_loop(0, _SLICE, step=16, unroll=8)
        def _z(i):
            buf[pl.ds(i, 16)] = jnp.zeros((16,), jnp.float32)

    base0 = pl.multiple_of(wid * _SLICE, _SLICE)
    _zero_buf()
    cps = [pltpu.async_copy(edge_hbm.at[0, 0], row_v.at[0], esem),
           pltpu.async_copy(edge_hbm.at[1, 0], col_v.at[0], esem)]
    for c in range(nchunk):
        for cp in cps:
            cp.wait()
        if c + 1 < nchunk:
            nb = (c + 1) % 2
            cps = [pltpu.async_copy(edge_hbm.at[0, c + 1], row_v.at[nb], esem),
                   pltpu.async_copy(edge_hbm.at[1, c + 1], col_v.at[nb], esem)]
        pb = c % 2
        cbase = c * _ECHUNK

        @plsc.parallel_loop(0, _ECHUNK, step=16, unroll=8)
        def _scat0(i):
            r = row_v[pb, pl.ds(i, 16)]
            cc = col_v[pb, pl.ds(i, 16)]
            f = r * _N + cc
            flat_v[pl.ds(cbase + i, 16)] = f
            li = f - base0
            m = (li >= 0) & (li < _SLICE)
            plsc.store_scatter(buf, [jnp.where(m, li, 0)],
                               jnp.ones((16,), jnp.float32), mask=m)

    pltpu.async_copy(buf, mask_hbm.at[pl.ds(base0, _SLICE)], sem).wait()

    base1 = pl.multiple_of((_NW + wid) * _SLICE, _SLICE)
    _zero_buf()

    @plsc.parallel_loop(0, n_edges, step=16, unroll=8)
    def _scat1(i):
        f = flat_v[pl.ds(i, 16)]
        li = f - base1
        m = (li >= 0) & (li < _SLICE)
        plsc.store_scatter(buf, [jnp.where(m, li, 0)],
                           jnp.ones((16,), jnp.float32), mask=m)

    pltpu.async_copy(buf, mask_hbm.at[pl.ds(base1, _SLICE)], sem).wait()


def _edge_mask(edge_index):
    e = edge_index.shape[1]
    edge3 = edge_index.reshape(2, e // _ECHUNK, _ECHUNK)
    mesh = plsc.VectorSubcoreMesh(core_axis_name="c", subcore_axis_name="s")
    call = functools.partial(
        pl.kernel,
        mesh=mesh,
        compiler_params=pltpu.CompilerParams(needs_layout_passes=False),
        out_type=jax.ShapeDtypeStruct((_N * _N,), jnp.float32),
        scratch_types=[
            pltpu.VMEM((_SLICE,), jnp.float32),
            pltpu.VMEM((e,), jnp.int32),
            pltpu.VMEM((2, _ECHUNK), jnp.int32),
            pltpu.VMEM((2, _ECHUNK), jnp.int32),
            pltpu.SemaphoreType.DMA,
            pltpu.SemaphoreType.DMA,
        ],
    )(_edge_scatter_body)
    return call(edge3).reshape(_N, _N)


def _proj_body(x_ref, wq_ref, bq_ref, wk_ref, bk_ref, wv_ref, bv_ref,
               wg1_ref, bg1_ref, wg2_ref, bg2_ref,
               q_ref, k_ref, v_ref, cm_ref):
    x = x_ref[0]
    f32 = jnp.float32
    dot = functools.partial(lax.dot_general, preferred_element_type=f32)
    ct = (((1,), (1,)), ((), ()))
    q_ref[0] = dot(x, wq_ref[...], ct) + bq_ref[...]
    k_ref[0] = dot(x, wk_ref[...], ct) + bk_ref[...]
    v_ref[0] = dot(x, wv_ref[...], ct) + bv_ref[...]
    h = jnp.maximum(dot(x, wg1_ref[...], ct) + bg1_ref[...], 0.0)
    scores = dot(wg2_ref[...], h, ct) + bg2_ref[...][:, :1]

    u = lax.bitcast_convert_type(scores, jnp.int32)
    key = jnp.where(u < 0, u ^ jnp.int32(0x7FFFFFFF), u)
    cnt_pos = jnp.sum((key >= 0).astype(jnp.int32))
    base = jnp.where(cnt_pos >= _K, jnp.int32(0), jnp.int32(-2**31))

    def _bit_step(t, b):
        cand = b | (jnp.int32(1) << (30 - t))
        c = jnp.sum((key >= cand).astype(jnp.int32))
        return jnp.where(c >= _K, cand, b)

    thr = lax.fori_loop(0, 31, _bit_step, base)
    cnt_gt = jnp.sum((key > thr).astype(jnp.int32))
    need = _K - cnt_gt
    ties = key == thr
    idx = lax.broadcasted_iota(jnp.int32, (1, _N), 1)

    def _j_step(t, lh):
        lo, hi = lh
        mid = (lo + hi) // 2
        c = jnp.sum((ties & (idx < mid)).astype(jnp.int32))
        ge = c >= need
        return (jnp.where(ge, lo, mid + 1), jnp.where(ge, mid, hi))

    jt, _ = lax.fori_loop(0, 12, _j_step, (jnp.int32(0), jnp.int32(_N)))
    sel = (key > thr) | (ties & (idx < jt))
    cm_ref[0] = sel.astype(f32)


def _proj_call(x, wq, bq, wk, bk, wv, bv, wg1, bg1, wg2, bg2):
    full2 = lambda shape: pl.BlockSpec(shape, lambda b: (0,) * len(shape))
    specs = [
        pl.BlockSpec((1, _N, _D), lambda b: (b, 0, 0)),
        full2((_D, _D)), full2((1, _D)),
        full2((_D, _D)), full2((1, _D)),
        full2((_D, _D)), full2((1, _D)),
        full2((_D // 2, _D)), full2((1, _D // 2)),
        full2((1, _D // 2)), full2((1, 1)),
    ]
    out_specs = [
        pl.BlockSpec((1, _N, _D), lambda b: (b, 0, 0)),
        pl.BlockSpec((1, _N, _D), lambda b: (b, 0, 0)),
        pl.BlockSpec((1, _N, _D), lambda b: (b, 0, 0)),
        pl.BlockSpec((1, 1, _N), lambda b: (b, 0, 0)),
    ]
    out_shapes = [
        jax.ShapeDtypeStruct((_B, _N, _D), jnp.float32),
        jax.ShapeDtypeStruct((_B, _N, _D), jnp.float32),
        jax.ShapeDtypeStruct((_B, _N, _D), jnp.float32),
        jax.ShapeDtypeStruct((_B, 1, _N), jnp.float32),
    ]
    return pl.pallas_call(
        _proj_body,
        grid=(_B,),
        in_specs=specs,
        out_specs=out_specs,
        out_shape=out_shapes,
    )(x, wq, bq.reshape(1, _D), wk, bk.reshape(1, _D), wv, bv.reshape(1, _D),
      wg1, bg1.reshape(1, _D // 2), wg2, bg2.reshape(1, 1))


def _attn_body(q_ref, k_ref, v_ref, e_ref, cm_ref, wo_ref, bo_ref,
               out_ref, m_ref):
    f32 = jnp.float32
    dot = functools.partial(lax.dot_general, preferred_element_type=f32)
    ct = (((1,), (1,)), ((), ()))
    mask = jnp.maximum(e_ref[...], cm_ref[0])
    m_ref[0] = jnp.broadcast_to(mask[None], (_H, _BLK, _N))
    scale = 1.0 / (_HD ** 0.5)
    q = (q_ref[0] * scale).astype(jnp.bfloat16)
    k = k_ref[0].astype(jnp.bfloat16)
    outs = []
    for h in range(_H):
        sl = slice(h * _HD, (h + 1) * _HD)
        s = dot(q[:, sl], k[:, sl], ct)
        p = jnp.exp(s)
        z = jnp.sum(p, axis=1, keepdims=True)
        pm = p * mask
        msum = jnp.sum(pm, axis=1, keepdims=True)
        pv = dot(pm, v_ref[0][:, sl], (((1,), (0,)), ((), ())))
        outs.append(pv / (msum + 1e-8 * z))
    o = jnp.concatenate(outs, axis=1)
    out_ref[0] = dot(o, wo_ref[...], ct) + bo_ref[...]


def _attn_call(q, k, v, edge_mask, col_mask, wo, bo):
    in_specs = [
        pl.BlockSpec((1, _BLK, _D), lambda b, i: (b, i, 0)),
        pl.BlockSpec((1, _N, _D), lambda b, i: (b, 0, 0)),
        pl.BlockSpec((1, _N, _D), lambda b, i: (b, 0, 0)),
        pl.BlockSpec((_BLK, _N), lambda b, i: (i, 0)),
        pl.BlockSpec((1, 1, _N), lambda b, i: (b, 0, 0)),
        pl.BlockSpec((_D, _D), lambda b, i: (0, 0)),
        pl.BlockSpec((1, _D), lambda b, i: (0, 0)),
    ]
    out_specs = [
        pl.BlockSpec((1, _BLK, _D), lambda b, i: (b, i, 0)),
        pl.BlockSpec((1, _H, _BLK, _N), lambda b, i: (b, 0, i, 0)),
    ]
    out_shapes = [
        jax.ShapeDtypeStruct((_B, _N, _D), jnp.float32),
        jax.ShapeDtypeStruct((_B, _H, _N, _N), jnp.float32),
    ]
    return pl.pallas_call(
        _attn_body,
        grid=(_B, _NBLK),
        in_specs=in_specs,
        out_specs=out_specs,
        out_shape=out_shapes,
    )(q, k, v, edge_mask, col_mask, wo, bo.reshape(1, _D))


def kernel(x, Wq, bq, Wk, bk, Wv, bv, Wo, bo, Wg1, bg1, Wg2, bg2, edge_index):
    edge_mask = _edge_mask(edge_index)
    q, k, v, col_mask = _proj_call(x, Wq, bq, Wk, bk, Wv, bv, Wg1, bg1, Wg2, bg2)
    out, sparse_mask = _attn_call(q, k, v, edge_mask, col_mask, Wo, bo)
    return out, sparse_mask

# --- scband reference (transcript-rebuilt; emitter-appended) ---
"""Pipeline reference for scband-topological-attention-layer-3229815407287 (READ-ONLY COPY).

The authoritative reference and input builder live on the scoring server;
editing this copy changes nothing except your own understanding.
"""

import jax, jax.numpy as jnp
import numpy as np

B, N, D, H, E = 2, 2048, 256, 4, 32768
SPARSITY = 0.5


def setup_inputs(seed: int = 0) -> dict:
    key = jax.random.key(seed)
    ks = jax.random.split(key, 9)
    s = 0.02
    return {
        "x": jax.random.normal(ks[0], (B, N, D), dtype=jnp.float32),
        "Wq": jax.random.normal(ks[1], (D, D), dtype=jnp.float32) * s,
        "bq": jnp.zeros((D,), dtype=jnp.float32),
        "Wk": jax.random.normal(ks[2], (D, D), dtype=jnp.float32) * s,
        "bk": jnp.zeros((D,), dtype=jnp.float32),
        "Wv": jax.random.normal(ks[3], (D, D), dtype=jnp.float32) * s,
        "bv": jnp.zeros((D,), dtype=jnp.float32),
        "Wo": jax.random.normal(ks[4], (D, D), dtype=jnp.float32) * s,
        "bo": jnp.zeros((D,), dtype=jnp.float32),
        "Wg1": jax.random.normal(ks[5], (D // 2, D), dtype=jnp.float32) * s,
        "bg1": jnp.zeros((D // 2,), dtype=jnp.float32),
        "Wg2": jax.random.normal(ks[6], (1, D // 2), dtype=jnp.float32) * s,
        "bg2": jnp.zeros((1,), dtype=jnp.float32),
        "edge_index": jax.random.randint(ks[7], (2, E), 0, N, dtype=jnp.int32),
    }


def reference(x, Wq, bq, Wk, bk, Wv, bv, Wo, bo, Wg1, bg1, Wg2, bg2, edge_index):
    b, n, d = x.shape
    hd = d // H
    # topo_gnn: Linear -> ReLU -> Linear, squeeze(-1)
    h = jax.nn.relu(x @ Wg1.T + bg1)
    topo_scores = (h @ Wg2.T + bg2)[..., 0]  # [B, N]
    Q = (x @ Wq.T + bq).reshape(b, n, H, hd)
    K = (x @ Wk.T + bk).reshape(b, n, H, hd)
    V = (x @ Wv.T + bv).reshape(b, n, H, hd)
    content_attn = jnp.einsum('bnhd,bmhd->bhnm', Q, K) / np.sqrt(hd)
    content_attn = jax.nn.softmax(content_attn, axis=-1)
    row, col = edge_index[0], edge_index[1]
    sparse_mask = jnp.zeros((b, n, n), dtype=x.dtype).at[:, row, col].set(1.0)
    k = max(1, int(n * (1 - SPARSITY)))
    _, topk_idx = jax.lax.top_k(topo_scores, k)  # [B, k]
    col_mask = jnp.zeros((b, n), dtype=x.dtype).at[jnp.arange(b)[:, None], topk_idx].set(1.0)
    sparse_mask = jnp.maximum(sparse_mask, col_mask[:, None, :])
    sparse_mask = jnp.broadcast_to(sparse_mask[:, None, :, :], (b, H, n, n))
    sparse_attn = content_attn * sparse_mask
    sparse_attn = sparse_attn / (sparse_attn.sum(axis=-1, keepdims=True) + 1e-08)
    out = jnp.einsum('bhnm,bmhd->bnhd', sparse_attn, V).reshape(b, n, d)
    return (out @ Wo.T + bo, sparse_mask)

if __name__ == "__main__":
    import jax
    _d = setup_inputs()
    print(jax.jit(kernel)(*tuple(_d.values())))

</pallas_src>

<mosaic_0001>
#map = affine_map<(d0, d1) -> (0, 0, 0)>
#map1 = affine_map<(d0, d1) -> (0)>
module attributes {stable_mosaic.version = 14 : i64} {
  func.func @_edge_scatter_body(%arg0: i32, %arg1: i32, %arg2: memref<2x8x4096xi32, #tpu.memory_space<hbm>>, %arg3: memref<4194304xf32, #tpu.memory_space<hbm>>, %arg4: memref<65536xf32, #tpu.memory_space<vmem>>, %arg5: memref<32768xi32, #tpu.memory_space<vmem>>, %arg6: memref<2x4096xi32, #tpu.memory_space<vmem>>, %arg7: memref<2x4096xi32, #tpu.memory_space<vmem>>, %arg8: memref<!tpu.dma_semaphore, #tpu.memory_space<semaphore_mem>>, %arg9: memref<!tpu.dma_semaphore, #tpu.memory_space<semaphore_mem>>) attributes {dimension_semantics = [#tpu.dimension_semantics<core_parallel>, #tpu.dimension_semantics<subcore_parallel>], iteration_bounds = array<i64: 2, 16>, scalar_prefetch = 0 : i64, scratch_operands = 6 : i64, tpu.core_type = #tpu.core_type<sc_vector_subcore>, window_params = [{transform_indices = #map}, {transform_indices = #map1}]} {
    %mul3A = arith.constant 2 : i32
    %mul3A_0 = arith.muli %arg1, %mul3A : i32
    %add3A = arith.addi %mul3A_0, %arg0 : i32
    %mul3A_1 = arith.constant 65536 : i32
    %mul3A_2 = arith.muli %add3A, %mul3A_1 : i32
    %multiple_of3A = tpu.assume_multiple %mul3A_2, 65536 : i32
    %parallel_loop3A = arith.constant 0 : i32
    %parallel_loop3A_3 = arith.constant 65536 : i32
    %parallel_loop3A_4 = arith.constant 16 : i32
    scf.for %parallel_loop3A_526 = %parallel_loop3A to %parallel_loop3A_3 step %parallel_loop3A_4  : i32 {
      %parallel_loop3A_527 = arith.constant 0.000000e+00 : f32
      %parallel_loop3A_528 = vector.broadcast %parallel_loop3A_527 : f32 to vector<16xf32>
      %parallel_loop3A_529 = arith.index_cast %parallel_loop3A_526 : i32 to index
      %parallel_loop3A_530 = tpu.vector_load %arg4[%parallel_loop3A_529] {strides = array<i32>} : memref<65536xf32, #tpu.memory_space<vmem>>, vector<16xf32>,
      tpu.vector_store %arg4[%parallel_loop3A_529], %parallel_loop3A_528 {strides = array<i32>} : memref<65536xf32, #tpu.memory_space<vmem>>, vector<16xf32>,
    } {sc.loop_unroll_factor = 8 : i64, sc.parallel_access}
    %dma_start3A = arith.constant 0 : i32
    %dma_start3A_5 = arith.constant 0 : i32
    %dma_start3A_6 = arith.constant 0 : i32
    %dma_start3A_7 = arith.constant 0 : i32
    %dma_start3A_8 = tpu.memref_slice %arg6[%dma_start3A_6, %dma_start3A_7] : memref<2x4096xi32, #tpu.memory_space<vmem>> -> memref<1x4096xi32, #tpu.memory_space<vmem>>
    %dma_start3A_9 = tpu.memref_squeeze %dma_start3A_8 : memref<1x4096xi32, #tpu.memory_space<vmem>> -> memref<4096xi32, #tpu.memory_space<vmem>>
    %dma_start3A_10 = arith.constant 0 : i32
    %dma_start3A_11 = tpu.memref_slice %arg2[%dma_start3A, %dma_start3A_5, %dma_start3A_10] : memref<2x8x4096xi32, #tpu.memory_space<hbm>> -> memref<1x1x4096xi32, #tpu.memory_space<hbm>>
    %dma_start3A_12 = tpu.memref_squeeze %dma_start3A_11 : memref<1x1x4096xi32, #tpu.memory_space<hbm>> -> memref<4096xi32, #tpu.memory_space<hbm>>
    %dma_start3A_13 = arith.constant 0 : i32
    %dma_start3A_14 = tpu.memref_slice %arg6[%dma_start3A_6, %dma_start3A_13] : memref<2x4096xi32, #tpu.memory_space<vmem>> -> memref<1x4096xi32, #tpu.memory_space<vmem>>
    %dma_start3A_15 = tpu.memref_squeeze %dma_start3A_14 : memref<1x4096xi32, #tpu.memory_space<vmem>> -> memref<4096xi32, #tpu.memory_space<vmem>>
    %dma_start3A_16 = arith.constant 0 : i32
    %dma_start3A_17 = tpu.memref_slice %arg2[%dma_start3A, %dma_start3A_5, %dma_start3A_16] : memref<2x8x4096xi32, #tpu.memory_space<hbm>> -> memref<1x1x4096xi32, #tpu.memory_space<hbm>>
    %dma_start3A_18 = tpu.memref_squeeze %dma_start3A_17 : memref<1x1x4096xi32, #tpu.memory_space<hbm>> -> memref<4096xi32, #tpu.memory_space<hbm>>
    tpu.enqueue_dma source(%dma_start3A_18 : memref<4096xi32, #tpu.memory_space<hbm>>) target(%dma_start3A_15 : memref<4096xi32, #tpu.memory_space<vmem>>) target_semaphore(%arg9 : memref<!tpu.dma_semaphore, #tpu.memory_space<semaphore_mem>>)
    %dma_start3A_19 = arith.constant 1 : i32
    %dma_start3A_20 = arith.constant 0 : i32
    %dma_start3A_21 = arith.constant 0 : i32
    %dma_start3A_22 = arith.constant 0 : i32
    %dma_start3A_23 = tpu.memref_slice %arg7[%dma_start3A_21, %dma_start3A_22] : memref<2x4096xi32, #tpu.memory_space<vmem>> -> memref<1x4096xi32, #tpu.memory_space<vmem>>
    %dma_start3A_24 = tpu.memref_squeeze %dma_start3A_23 : memref<1x4096xi32, #tpu.memory_space<vmem>> -> memref<4096xi32, #tpu.memory_space<vmem>>
    %dma_start3A_25 = arith.constant 0 : i32
    %dma_start3A_26 = tpu.memref_slice %arg2[%dma_start3A_19, %dma_start3A_20, %dma_start3A_25] : memref<2x8x4096xi32, #tpu.memory_space<hbm>> -> memref<1x1x4096xi32, #tpu.memory_space<hbm>>
    %dma_start3A_27 = tpu.memref_squeeze %dma_start3A_26 : memref<1x1x4096xi32, #tpu.memory_space<hbm>> -> memref<4096xi32, #tpu.memory_space<hbm>>
    %dma_start3A_28 = arith.constant 0 : i32
    %dma_start3A_29 = tpu.memref_slice %arg7[%dma_start3A_21, %dma_start3A_28] : memref<2x4096xi32, #tpu.memory_space<vmem>> -> memref<1x4096xi32, #tpu.memory_space<vmem>>
    %dma_start3A_30 = tpu.memref_squeeze %dma_start3A_29 : memref<1x4096xi32, #tpu.memory_space<vmem>> -> memref<4096xi32, #tpu.memory_space<vmem>>
    %dma_start3A_31 = arith.constant 0 : i32
    %dma_start3A_32 = tpu.memref_slice %arg2[%dma_start3A_19, %dma_start3A_20, %dma_start3A_31] : memref<2x8x4096xi32, #tpu.memory_space<hbm>> -> memref<1x1x4096xi32, #tpu.memory_space<hbm>>
    %dma_start3A_33 = tpu.memref_squeeze %dma_start3A_32 : memref<1x1x4096xi32, #tpu.memory_space<hbm>> -> memref<4096xi32, #tpu.memory_space<hbm>>
    tpu.enqueue_dma source(%dma_start3A_33 : memref<4096xi32, #tpu.memory_space<hbm>>) target(%dma_start3A_30 : memref<4096xi32, #tpu.memory_space<vmem>>) target_semaphore(%arg9 : memref<!tpu.dma_semaphore, #tpu.memory_space<semaphore_mem>>)
    %dma_wait3A = arith.constant 0 : i32
    %dma_wait3A_34 = arith.constant 0 : i32
    %dma_wait3A_35 = arith.constant 0 : i32
    %dma_wait3A_36 = arith.constant 0 : i32
    %dma_wait3A_37 = tpu.memref_slice %arg6[%dma_wait3A_35, %dma_wait3A_36] : memref<2x4096xi32, #tpu.memory_space<vmem>> -> memref<1x4096xi32, #tpu.memory_space<vmem>>
    %dma_wait3A_38 = tpu.memref_squeeze %dma_wait3A_37 : memref<1x4096xi32, #tpu.memory_space<vmem>> -> memref<4096xi32, #tpu.memory_space<vmem>>
    %dma_wait3A_39 = arith.constant 0 : i32
    %dma_wait3A_40 = tpu.memref_slice %arg2[%dma_wait3A, %dma_wait3A_34, %dma_wait3A_39] : memref<2x8x4096xi32, #tpu.memory_space<hbm>> -> memref<1x1x4096xi32, #tpu.memory_space<hbm>>
    %dma_wait3A_41 = tpu.memref_squeeze %dma_wait3A_40 : memref<1x1x4096xi32, #tpu.memory_space<hbm>> -> memref<4096xi32, #tpu.memory_space<hbm>>
    %dma_wait3A_42 = arith.constant 0 : i32
    %dma_wait3A_43 = tpu.memref_slice %arg6[%dma_wait3A_35, %dma_wait3A_42] : memref<2x4096xi32, #tpu.memory_space<vmem>> -> memref<1x4096xi32, #tpu.memory_space<vmem>>
    %dma_wait3A_44 = tpu.memref_squeeze %dma_wait3A_43 : memref<1x4096xi32, #tpu.memory_space<vmem>> -> memref<4096xi32, #tpu.memory_space<vmem>>
    %dma_wait3A_45 = arith.constant 0 : i32
    %dma_wait3A_46 = tpu.memref_slice %arg2[%dma_wait3A, %dma_wait3A_34, %dma_wait3A_45] : memref<2x8x4096xi32, #tpu.memory_space<hbm>> -> memref<1x1x4096xi32, #tpu.memory_space<hbm>>
    %dma_wait3A_47 = tpu.memref_squeeze %dma_wait3A_46 : memref<1x1x4096xi32, #tpu.memory_space<hbm>> -> memref<4096xi32, #tpu.memory_space<hbm>>
    tpu.wait_dma2 semaphore(%arg9 : memref<!tpu.dma_semaphore, #tpu.memory_space<semaphore_mem>>) src(%dma_wait3A_47 : memref<4096xi32, #tpu.memory_space<hbm>>) dst(%dma_wait3A_44 : memref<4096xi32, #tpu.memory_space<vmem>>)
    %dma_wait3A_48 = arith.constant 1 : i32
    %dma_wait3A_49 = arith.constant 0 : i32
    %dma_wait3A_50 = arith.constant 0 : i32
    %dma_wait3A_51 = arith.constant 0 : i32
    %dma_wait3A_52 = tpu.memref_slice %arg7[%dma_wait3A_50, %dma_wait3A_51] : memref<2x4096xi32, #tpu.memory_space<vmem>> -> memref<1x4096xi32, #tpu.memory_space<vmem>>
    %dma_wait3A_53 = tpu.memref_squeeze %dma_wait3A_52 : memref<1x4096xi32, #tpu.memory_space<vmem>> -> memref<4096xi32, #tpu.memory_space<vmem>>
    %dma_wait3A_54 = arith.constant 0 : i32
    %dma_wait3A_55 = tpu.memref_slice %arg2[%dma_wait3A_48, %dma_wait3A_49, %dma_wait3A_54] : memref<2x8x4096xi32, #tpu.memory_space<hbm>> -> memref<1x1x4096xi32, #tpu.memory_space<hbm>>
    %dma_wait3A_56 = tpu.memref_squeeze %dma_wait3A_55 : memref<1x1x4096xi32, #tpu.memory_space<hbm>> -> memref<4096xi32, #tpu.memory_space<hbm>>
    %dma_wait3A_57 = arith.constant 0 : i32
    %dma_wait3A_58 = tpu.memref_slice %arg7[%dma_wait3A_50, %dma_wait3A_57] : memref<2x4096xi32, #tpu.memory_space<vmem>> -> memref<1x4096xi32, #tpu.memory_space<vmem>>
    %dma_wait3A_59 = tpu.memref_squeeze %dma_wait3A_58 : memref<1x4096xi32, #tpu.memory_space<vmem>> -> memref<4096xi32, #tpu.memory_space<vmem>>
    %dma_wait3A_60 = arith.constant 0 : i32
    %dma_wait3A_61 = tpu.memref_slice %arg2[%dma_wait3A_48, %dma_wait3A_49, %dma_wait3A_60] : memref<2x8x4096xi32, #tpu.memory_space<hbm>> -> memref<1x1x4096xi32, #tpu.memory_space<hbm>>
    %dma_wait3A_62 = tpu.memref_squeeze %dma_wait3A_61 : memref<1x1x4096xi32, #tpu.memory_space<hbm>> -> memref<4096xi32, #tpu.memory_space<hbm>>
    tpu.wait_dma2 semaphore(%arg9 : memref<!tpu.dma_semaphore, #tpu.memory_space<semaphore_mem>>) src(%dma_wait3A_62 : memref<4096xi32, #tpu.memory_space<hbm>>) dst(%dma_wait3A_59 : memref<4096xi32, #tpu.memory_space<vmem>>)
    %dma_start3A_63 = arith.constant 0 : i32
    %dma_start3A_64 = arith.constant 1 : i32
    %dma_start3A_65 = arith.constant 1 : i32
    %dma_start3A_66 = arith.constant 0 : i32
    %dma_start3A_67 = tpu.memref_slice %arg6[%dma_start3A_65, %dma_start3A_66] : memref<2x4096xi32, #tpu.memory_space<vmem>> -> memref<1x4096xi32, #tpu.memory_space<vmem>>
    %dma_start3A_68 = tpu.memref_squeeze %dma_start3A_67 : memref<1x4096xi32, #tpu.memory_space<vmem>> -> memref<4096xi32, #tpu.memory_space<vmem>>
    %dma_start3A_69 = arith.constant 0 : i32
    %dma_start3A_70 = tpu.memref_slice %arg2[%dma_start3A_63, %dma_start3A_64, %dma_start3A_69] : memref<2x8x4096xi32, #tpu.memory_space<hbm>> -> memref<1x1x4096xi32, #tpu.memory_space<hbm>>
    %dma_start3A_71 = tpu.memref_squeeze %dma_start3A_70 : memref<1x1x4096xi32, #tpu.memory_space<hbm>> -> memref<4096xi32, #tpu.memory_space<hbm>>
    %dma_start3A_72 = arith.constant 0 : i32
    %dma_start3A_73 = tpu.memref_slice %arg6[%dma_start3A_65, %dma_start3A_72] : memref<2x4096xi32, #tpu.memory_space<vmem>> -> memref<1x4096xi32, #tpu.memory_space<vmem>>
    %dma_start3A_74 = tpu.memref_squeeze %dma_start3A_73 : memref<1x4096xi32, #tpu.memory_space<vmem>> -> memref<4096xi32, #tpu.memory_space<vmem>>
    %dma_start3A_75 = arith.constant 0 : i32
    %dma_start3A_76 = tpu.memref_slice %arg2[%dma_start3A_63, %dma_start3A_64, %dma_start3A_75] : memref<2x8x4096xi32, #tpu.memory_space<hbm>> -> memref<1x1x4096xi32, #tpu.memory_space<hbm>>
    %dma_start3A_77 = tpu.memref_squeeze %dma_start3A_76 : memref<1x1x4096xi32, #tpu.memory_space<hbm>> -> memref<4096xi32, #tpu.memory_space<hbm>>
    tpu.enqueue_dma source(%dma_start3A_77 : memref<4096xi32, #tpu.memory_space<hbm>>) target(%dma_start3A_74 : memref<4096xi32, #tpu.memory_space<vmem>>) target_semaphore(%arg9 : memref<!tpu.dma_semaphore, #tpu.memory_space<semaphore_mem>>)
    %dma_start3A_78 = arith.constant 1 : i32
    %dma_start3A_79 = arith.constant 1 : i32
    %dma_start3A_80 = arith.constant 1 : i32
    %dma_start3A_81 = arith.constant 0 : i32
    %dma_start3A_82 = tpu.memref_slice %arg7[%dma_start3A_80, %dma_start3A_81] : memref<2x4096xi32, #tpu.memory_space<vmem>> -> memref<1x4096xi32, #tpu.memory_space<vmem>>
    %dma_start3A_83 = tpu.memref_squeeze %dma_start3A_82 : memref<1x4096xi32, #tpu.memory_space<vmem>> -> memref<4096xi32, #tpu.memory_space<vmem>>
    %dma_start3A_84 = arith.constant 0 : i32
    %dma_start3A_85 = tpu.memref_slice %arg2[%dma_start3A_78, %dma_start3A_79, %dma_start3A_84] : memref<2x8x4096xi32, #tpu.memory_space<hbm>> -> memref<1x1x4096xi32, #tpu.memory_space<hbm>>
    %dma_start3A_86 = tpu.memref_squeeze %dma_start3A_85 : memref<1x1x4096xi32, #tpu.memory_space<hbm>> -> memref<4096xi32, #tpu.memory_space<hbm>>
    %dma_start3A_87 = arith.constant 0 : i32
    %dma_start3A_88 = tpu.memref_slice %arg7[%dma_start3A_80, %dma_start3A_87] : memref<2x4096xi32, #tpu.memory_space<vmem>> -> memref<1x4096xi32, #tpu.memory_space<vmem>>
    %dma_start3A_89 = tpu.memref_squeeze %dma_start3A_88 : memref<1x4096xi32, #tpu.memory_space<vmem>> -> memref<4096xi32, #tpu.memory_space<vmem>>
    %dma_start3A_90 = arith.constant 0 : i32
    %dma_start3A_91 = tpu.memref_slice %arg2[%dma_start3A_78, %dma_start3A_79, %dma_start3A_90] : memref<2x8x4096xi32, #tpu.memory_space<hbm>> -> memref<1x1x4096xi32, #tpu.memory_space<hbm>>
    %dma_start3A_92 = tpu.memref_squeeze %dma_start3A_91 : memref<1x1x4096xi32, #tpu.memory_space<hbm>> -> memref<4096xi32, #tpu.memory_space<hbm>>
    tpu.enqueue_dma source(%dma_start3A_92 : memref<4096xi32, #tpu.memory_space<hbm>>) target(%dma_start3A_89 : memref<4096xi32, #tpu.memory_space<vmem>>) target_semaphore(%arg9 : memref<!tpu.dma_semaphore, #tpu.memory_space<semaphore_mem>>)
    %parallel_loop3A_93 = arith.constant 0 : i32
    %parallel_loop3A_94 = arith.constant 4096 : i32
    %parallel_loop3A_95 = arith.constant 16 : i32
    scf.for %parallel_loop3A_526 = %parallel_loop3A_93 to %parallel_loop3A_94 step %parallel_loop3A_95  : i32 {
      %parallel_loop3A_527 = arith.constant 0 : i32
      %parallel_loop3A_528 = arith.index_cast %parallel_loop3A_527 : i32 to index
      %parallel_loop3A_529 = arith.index_cast %parallel_loop3A_526 : i32 to index
      %parallel_loop3A_530 = tpu.vector_load %arg6[%parallel_loop3A_528, %parallel_loop3A_529] {strides = array<i32>} : memref<2x4096xi32, #tpu.memory_space<vmem>>, vector<16xi32>,
      %parallel_loop3A_531 = arith.constant 0 : i32
      %parallel_loop3A_532 = arith.index_cast %parallel_loop3A_531 : i32 to index
      %parallel_loop3A_533 = arith.index_cast %parallel_loop3A_526 : i32 to index
      %parallel_loop3A_534 = tpu.vector_load %arg7[%parallel_loop3A_532, %parallel_loop3A_533] {strides = array<i32>} : memref<2x4096xi32, #tpu.memory_space<vmem>>, vector<16xi32>,
      %parallel_loop3A_535 = arith.constant 2048 : i32
      %parallel_loop3A_536 = vector.broadcast %parallel_loop3A_535 : i32 to vector<16xi32>
      %parallel_loop3A_537 = arith.muli %parallel_loop3A_530, %parallel_loop3A_536 : vector<16xi32>
      %parallel_loop3A_538 = arith.addi %parallel_loop3A_537, %parallel_loop3A_534 : vector<16xi32>
      %parallel_loop3A_539 = arith.constant 0 : i32
      %parallel_loop3A_540 = arith.addi %parallel_loop3A_539, %parallel_loop3A_526 : i32
      %parallel_loop3A_541 = arith.index_cast %parallel_loop3A_540 : i32 to index
      %parallel_loop3A_542 = tpu.vector_load %arg5[%parallel_loop3A_541] {strides = array<i32>} : memref<32768xi32, #tpu.memory_space<vmem>>, vector<16xi32>,
      tpu.vector_store %arg5[%parallel_loop3A_541], %parallel_loop3A_538 {strides = array<i32>} : memref<32768xi32, #tpu.memory_space<vmem>>, vector<16xi32>,
      %parallel_loop3A_543 = vector.broadcast %multiple_of3A : i32 to vector<16xi32>
      %parallel_loop3A_544 = arith.subi %parallel_loop3A_538, %parallel_loop3A_543 : vector<16xi32>
      %parallel_loop3A_545 = arith.constant 0 : i32
      %parallel_loop3A_546 = vector.broadcast %parallel_loop3A_545 : i32 to vector<16xi32>
      %parallel_loop3A_547 = arith.cmpi sge, %parallel_loop3A_544, %parallel_loop3A_546 : vector<16xi32>
      %parallel_loop3A_548 = arith.constant 65536 : i32
      %parallel_loop3A_549 = vector.broadcast %parallel_loop3A_548 : i32 to vector<16xi32>
      %parallel_loop3A_550 = arith.cmpi slt, %parallel_loop3A_544, %parallel_loop3A_549 : vector<16xi32>
      %parallel_loop3A_551 = arith.andi %parallel_loop3A_547, %parallel_loop3A_550 : vector<16xi1>
      %parallel_loop3A_552 = arith.constant 0 : i32
      %parallel_loop3A_553 = vector.broadcast %parallel_loop3A_552 : i32 to vector<16xi32>
      %parallel_loop3A_554 = arith.select %parallel_loop3A_551, %parallel_loop3A_544, %parallel_loop3A_553 : vector<16xi1>, vector<16xi32>
      %parallel_loop3A_555 = arith.constant 1.000000e+00 : f32
      %parallel_loop3A_556 = vector.broadcast %parallel_loop3A_555 : f32 to vector<16xf32>
      tpu.vector_store_idx %arg4[%parallel_loop3A_554], %parallel_loop3A_556 masked %parallel_loop3A_551 : memref<65536xf32, #tpu.memory_space<vmem>>[vector<16xi32>], vector<16xf32>, vector<16xi1>
    } {sc.loop_unroll_factor = 8 : i64, sc.parallel_access}
    %dma_wait3A_96 = arith.constant 0 : i32
    %dma_wait3A_97 = arith.constant 1 : i32
    %dma_wait3A_98 = arith.constant 1 : i32
    %dma_wait3A_99 = arith.constant 0 : i32
    %dma_wait3A_100 = tpu.memref_slice %arg6[%dma_wait3A_98, %dma_wait3A_99] : memref<2x4096xi32, #tpu.memory_space<vmem>> -> memref<1x4096xi32, #tpu.memory_space<vmem>>
    %dma_wait3A_101 = tpu.memref_squeeze %dma_wait3A_100 : memref<1x4096xi32, #tpu.memory_space<vmem>> -> memref<4096xi32, #tpu.memory_space<vmem>>
    %dma_wait3A_102 = arith.constant 0 : i32
    %dma_wait3A_103 = tpu.memref_slice %arg2[%dma_wait3A_96, %dma_wait3A_97, %dma_wait3A_102] : memref<2x8x4096xi32, #tpu.memory_space<hbm>> -> memref<1x1x4096xi32, #tpu.memory_space<hbm>>
    %dma_wait3A_104 = tpu.memref_squeeze %dma_wait3A_103 : memref<1x1x4096xi32, #tpu.memory_space<hbm>> -> memref<4096xi32, #tpu.memory_space<hbm>>
    %dma_wait3A_105 = arith.constant 0 : i32
    %dma_wait3A_106 = tpu.memref_slice %arg6[%dma_wait3A_98, %dma_wait3A_105] : memref<2x4096xi32, #tpu.memory_space<vmem>> -> memref<1x4096xi32, #tpu.memory_space<vmem>>
    %dma_wait3A_107 = tpu.memref_squeeze %dma_wait3A_106 : memref<1x4096xi32, #tpu.memory_space<vmem>> -> memref<4096xi32, #tpu.memory_space<vmem>>
    %dma_wait3A_108 = arith.constant 0 : i32
    %dma_wait3A_109 = tpu.memref_slice %arg2[%dma_wait3A_96, %dma_wait3A_97, %dma_wait3A_108] : memref<2x8x4096xi32, #tpu.memory_space<hbm>> -> memref<1x1x4096xi32, #tpu.memory_space<hbm>>
    %dma_wait3A_110 = tpu.memref_squeeze %dma_wait3A_109 : memref<1x1x4096xi32, #tpu.memory_space<hbm>> -> memref<4096xi32, #tpu.memory_space<hbm>>
    tpu.wait_dma2 semaphore(%arg9 : memref<!tpu.dma_semaphore, #tpu.memory_space<semaphore_mem>>) src(%dma_wait3A_110 : memref<4096xi32, #tpu.memory_space<hbm>>) dst(%dma_wait3A_107 : memref<4096xi32, #tpu.memory_space<vmem>>)
    %dma_wait3A_111 = arith.constant 1 : i32
    %dma_wait3A_112 = arith.constant 1 : i32
    %dma_wait3A_113 = arith.constant 1 : i32
    %dma_wait3A_114 = arith.constant 0 : i32
    %dma_wait3A_115 = tpu.memref_slice %arg7[%dma_wait3A_113, %dma_wait3A_114] : memref<2x4096xi32, #tpu.memory_space<vmem>> -> memref<1x4096xi32, #tpu.memory_space<vmem>>
    %dma_wait3A_116 = tpu.memref_squeeze %dma_wait3A_115 : memref<1x4096xi32, #tpu.memory_space<vmem>> -> memref<4096xi32, #tpu.memory_space<vmem>>
    %dma_wait3A_117 = arith.constant 0 : i32
    %dma_wait3A_118 = tpu.memref_slice %arg2[%dma_wait3A_111, %dma_wait3A_112, %dma_wait3A_117] : memref<2x8x4096xi32, #tpu.memory_space<hbm>> -> memref<1x1x4096xi32, #tpu.memory_space<hbm>>
    %dma_wait3A_119 = tpu.memref_squeeze %dma_wait3A_118 : memref<1x1x4096xi32, #tpu.memory_space<hbm>> -> memref<4096xi32, #tpu.memory_space<hbm>>
    %dma_wait3A_120 = arith.constant 0 : i32
    %dma_wait3A_121 = tpu.memref_slice %arg7[%dma_wait3A_113, %dma_wait3A_120] : memref<2x4096xi32, #tpu.memory_space<vmem>> -> memref<1x4096xi32, #tpu.memory_space<vmem>>
    %dma_wait3A_122 = tpu.memref_squeeze %dma_wait3A_121 : memref<1x4096xi32, #tpu.memory_space<vmem>> -> memref<4096xi32, #tpu.memory_space<vmem>>
    %dma_wait3A_123 = arith.constant 0 : i32
    %dma_wait3A_124 = tpu.memref_slice %arg2[%dma_wait3A_111, %dma_wait3A_112, %dma_wait3A_123] : memref<2x8x4096xi32, #tpu.memory_space<hbm>> -> memref<1x1x4096xi32, #tpu.memory_space<hbm>>
    %dma_wait3A_125 = tpu.memref_squeeze %dma_wait3A_124 : memref<1x1x4096xi32, #tpu.memory_space<hbm>> -> memref<4096xi32, #tpu.memory_space<hbm>>
    tpu.wait_dma2 semaphore(%arg9 : memref<!tpu.dma_semaphore, #tpu.memory_space<semaphore_mem>>) src(%dma_wait3A_125 : memref<4096xi32, #tpu.memory_space<hbm>>) dst(%dma_wait3A_122 : memref<4096xi32, #tpu.memory_space<vmem>>)
    %dma_start3A_126 = arith.constant 0 : i32
    %dma_start3A_127 = arith.constant 2 : i32
    %dma_start3A_128 = arith.constant 0 : i32
    %dma_start3A_129 = arith.constant 0 : i32
    %dma_start3A_130 = tpu.memref_slice %arg6[%dma_start3A_128, %dma_start3A_129] : memref<2x4096xi32, #tpu.memory_space<vmem>> -> memref<1x4096xi32, #tpu.memory_space<vmem>>
    %dma_start3A_131 = tpu.memref_squeeze %dma_start3A_130 : memref<1x4096xi32, #tpu.memory_space<vmem>> -> memref<4096xi32, #tpu.memory_space<vmem>>
    %dma_start3A_132 = arith.constant 0 : i32
    %dma_start3A_133 = tpu.memref_slice %arg2[%dma_start3A_126, %dma_start3A_127, %dma_start3A_132] : memref<2x8x4096xi32, #tpu.memory_space<hbm>> -> memref<1x1x4096xi32, #tpu.memory_space<hbm>>
    %dma_start3A_134 = tpu.memref_squeeze %dma_start3A_133 : memref<1x1x4096xi32, #tpu.memory_space<hbm>> -> memref<4096xi32, #tpu.memory_space<hbm>>
    %dma_start3A_135 = arith.constant 0 : i32
    %dma_start3A_136 = tpu.memref_slice %arg6[%dma_start3A_128, %dma_start3A_135] : memref<2x4096xi32, #tpu.memory_space<vmem>> -> memref<1x4096xi32, #tpu.memory_space<vmem>>
    %dma_start3A_137 = tpu.memref_squeeze %dma_start3A_136 : memref<1x4096xi32, #tpu.memory_space<vmem>> -> memref<4096xi32, #tpu.memory_space<vmem>>
    %dma_start3A_138 = arith.constant 0 : i32
    %dma_start3A_139 = tpu.memref_slice %arg2[%dma_start3A_126, %dma_start3A_127, %dma_start3A_138] : memref<2x8x4096xi32, #tpu.memory_space<hbm>> -> memref<1x1x4096xi32, #tpu.memory_space<hbm>>
    %dma_start3A_140 = tpu.memref_squeeze %dma_start3A_139 : memref<1x1x4096xi32, #tpu.memory_space<hbm>> -> memref<4096xi32, #tpu.memory_space<hbm>>
    tpu.enqueue_dma source(%dma_start3A_140 : memref<4096xi32, #tpu.memory_space<hbm>>) target(%dma_start3A_137 : memref<4096xi32, #tpu.memory_space<vmem>>) target_semaphore(%arg9 : memref<!tpu.dma_semaphore, #tpu.memory_space<semaphore_mem>>)
    %dma_start3A_141 = arith.constant 1 : i32
    %dma_start3A_142 = arith.constant 2 : i32
    %dma_start3A_143 = arith.constant 0 : i32
    %dma_start3A_144 = arith.constant 0 : i32
    %dma_start3A_145 = tpu.memref_slice %arg7[%dma_start3A_143, %dma_start3A_144] : memref<2x4096xi32, #tpu.memory_space<vmem>> -> memref<1x4096xi32, #tpu.memory_space<vmem>>
    %dma_start3A_146 = tpu.memref_squeeze %dma_start3A_145 : memref<1x4096xi32, #tpu.memory_space<vmem>> -> memref<4096xi32, #tpu.memory_space<vmem>>
    %dma_start3A_147 = arith.constant 0 : i32
    %dma_start3A_148 = tpu.memref_slice %arg2[%dma_start3A_141, %dma_start3A_142, %dma_start3A_147] : memref<2x8x4096xi32, #tpu.memory_space<hbm>> -> memref<1x1x4096xi32, #tpu.memory_space<hbm>>
    %dma_start3A_149 = tpu.memref_squeeze %dma_start3A_148 : memref<1x1x4096xi32, #tpu.memory_space<hbm>> -> memref<4096xi32, #tpu.memory_space<hbm>>
    %dma_start3A_150 = arith.constant 0 : i32
    %dma_start3A_151 = tpu.memref_slice %arg7[%dma_start3A_143, %dma_start3A_150] : memref<2x4096xi32, #tpu.memory_space<vmem>> -> memref<1x4096xi32, #tpu.memory_space<vmem>>
    %dma_start3A_152 = tpu.memref_squeeze %dma_start3A_151 : memref<1x4096xi32, #tpu.memory_space<vmem>> -> memref<4096xi32, #tpu.memory_space<vmem>>
    %dma_start3A_153 = arith.constant 0 : i32
    %dma_start3A_154 = tpu.memref_slice %arg2[%dma_start3A_141, %dma_start3A_142, %dma_start3A_153] : memref<2x8x4096xi32, #tpu.memory_space<hbm>> -> memref<1x1x4096xi32, #tpu.memory_space<hbm>>
    %dma_start3A_155 = tpu.memref_squeeze %dma_start3A_154 : memref<1x1x4096xi32, #tpu.memory_space<hbm>> -> memref<4096xi32, #tpu.memory_space<hbm>>
    tpu.enqueue_dma source(%dma_start3A_155 : memref<4096xi32, #tpu.memory_space<hbm>>) target(%dma_start3A_152 : memref<4096xi32, #tpu.memory_space<vmem>>) target_semaphore(%arg9 : memref<!tpu.dma_semaphore, #tpu.memory_space<semaphore_mem>>)
    %parallel_loop3A_156 = arith.constant 0 : i32
    %parallel_loop3A_157 = arith.constant 4096 : i32
    %parallel_loop3A_158 = arith.constant 16 : i32
    scf.for %parallel_loop3A_526 = %parallel_loop3A_156 to %parallel_loop3A_157 step %parallel_loop3A_158  : i32 {
      %parallel_loop3A_527 = arith.constant 1 : i32
      %parallel_loop3A_528 = arith.index_cast %parallel_loop3A_527 : i32 to index
      %parallel_loop3A_529 = arith.index_cast %parallel_loop3A_526 : i32 to index
      %parallel_loop3A_530 = tpu.vector_load %arg6[%parallel_loop3A_528, %parallel_loop3A_529] {strides = array<i32>} : memref<2x4096xi32, #tpu.memory_space<vmem>>, vector<16xi32>,
      %parallel_loop3A_531 = arith.constant 1 : i32
      %parallel_loop3A_532 = arith.index_cast %parallel_loop3A_531 : i32 to index
      %parallel_loop3A_533 = arith.index_cast %parallel_loop3A_526 : i32 to index
      %parallel_loop3A_534 = tpu.vector_load %arg7[%parallel_loop3A_532, %parallel_loop3A_533] {strides = array<i32>} : memref<2x4096xi32, #tpu.memory_space<vmem>>, vector<16xi32>,
      %parallel_loop3A_535 = arith.constant 2048 : i32
      %parallel_loop3A_536 = vector.broadcast %parallel_loop3A_535 : i32 to vector<16xi32>
      %parallel_loop3A_537 = arith.muli %parallel_loop3A_530, %parallel_loop3A_536 : vector<16xi32>
      %parallel_loop3A_538 = arith.addi %parallel_loop3A_537, %parallel_loop3A_534 : vector<16xi32>
      %parallel_loop3A_539 = arith.constant 4096 : i32
      %parallel_loop3A_540 = arith.addi %parallel_loop3A_539, %parallel_loop3A_526 : i32
      %parallel_loop3A_541 = arith.index_cast %parallel_loop3A_540 : i32 to index
      %parallel_loop3A_542 = tpu.vector_load %arg5[%parallel_loop3A_541] {strides = array<i32>} : memref<32768xi32, #tpu.memory_space<vmem>>, vector<16xi32>,
      tpu.vector_store %arg5[%parallel_loop3A_541], %parallel_loop3A_538 {strides = array<i32>} : memref<32768xi32, #tpu.memory_space<vmem>>, vector<16xi32>,
      %parallel_loop3A_543 = vector.broadcast %multiple_of3A : i32 to vector<16xi32>
      %parallel_loop3A_544 = arith.subi %parallel_loop3A_538, %parallel_loop3A_543 : vector<16xi32>
      %parallel_loop3A_545 = arith.constant 0 : i32
      %parallel_loop3A_546 = vector.broadcast %parallel_loop3A_545 : i32 to vector<16xi32>
      %parallel_loop3A_547 = arith.cmpi sge, %parallel_loop3A_544, %parallel_loop3A_546 : vector<16xi32>
      %parallel_loop3A_548 = arith.constant 65536 : i32
      %parallel_loop3A_549 = vector.broadcast %parallel_loop3A_548 : i32 to vector<16xi32>
      %parallel_loop3A_550 = arith.cmpi slt, %parallel_loop3A_544, %parallel_loop3A_549 : vector<16xi32>
      %parallel_loop3A_551 = arith.andi %parallel_loop3A_547, %parallel_loop3A_550 : vector<16xi1>
      %parallel_loop3A_552 = arith.constant 0 : i32
      %parallel_loop3A_553 = vector.broadcast %parallel_loop3A_552 : i32 to vector<16xi32>
      %parallel_loop3A_554 = arith.select %parallel_loop3A_551, %parallel_loop3A_544, %parallel_loop3A_553 : vector<16xi1>, vector<16xi32>
      %parallel_loop3A_555 = arith.constant 1.000000e+00 : f32
      %parallel_loop3A_556 = vector.broadcast %parallel_loop3A_555 : f32 to vector<16xf32>
      tpu.vector_store_idx %arg4[%parallel_loop3A_554], %parallel_loop3A_556 masked %parallel_loop3A_551 : memref<65536xf32, #tpu.memory_space<vmem>>[vector<16xi32>], vector<16xf32>, vector<16xi1>
    } {sc.loop_unroll_factor = 8 : i64, sc.parallel_access}
    %dma_wait3A_159 = arith.constant 0 : i32
    %dma_wait3A_160 = arith.constant 2 : i32
    %dma_wait3A_161 = arith.constant 0 : i32
    %dma_wait3A_162 = arith.constant 0 : i32
    %dma_wait3A_163 = tpu.memref_slice %arg6[%dma_wait3A_161, %dma_wait3A_162] : memref<2x4096xi32, #tpu.memory_space<vmem>> -> memref<1x4096xi32, #tpu.memory_space<vmem>>
    %dma_wait3A_164 = tpu.memref_squeeze %dma_wait3A_163 : memref<1x4096xi32, #tpu.memory_space<vmem>> -> memref<4096xi32, #tpu.memory_space<vmem>>
    %dma_wait3A_165 = arith.constant 0 : i32
    %dma_wait3A_166 = tpu.memref_slice %arg2[%dma_wait3A_159, %dma_wait3A_160, %dma_wait3A_165] : memref<2x8x4096xi32, #tpu.memory_space<hbm>> -> memref<1x1x4096xi32, #tpu.memory_space<hbm>>
    %dma_wait3A_167 = tpu.memref_squeeze %dma_wait3A_166 : memref<1x1x4096xi32, #tpu.memory_space<hbm>> -> memref<4096xi32, #tpu.memory_space<hbm>>
    %dma_wait3A_168 = arith.constant 0 : i32
    %dma_wait3A_169 = tpu.memref_slice %arg6[%dma_wait3A_161, %dma_wait3A_168] : memref<2x4096xi32, #tpu.memory_space<vmem>> -> memref<1x4096xi32, #tpu.memory_space<vmem>>
    %dma_wait3A_170 = tpu.memref_squeeze %dma_wait3A_169 : memref<1x4096xi32, #tpu.memory_space<vmem>> -> memref<4096xi32, #tpu.memory_space<vmem>>
    %dma_wait3A_171 = arith.constant 0 : i32
    %dma_wait3A_172 = tpu.memref_slice %arg2[%dma_wait3A_159, %dma_wait3A_160, %dma_wait3A_171] : memref<2x8x4096xi32, #tpu.memory_space<hbm>> -> memref<1x1x4096xi32, #tpu.memory_space<hbm>>
    %dma_wait3A_173 = tpu.memref_squeeze %dma_wait3A_172 : memref<1x1x4096xi32, #tpu.memory_space<hbm>> -> memref<4096xi32, #tpu.memory_space<hbm>>
    tpu.wait_dma2 semaphore(%arg9 : memref<!tpu.dma_semaphore, #tpu.memory_space<semaphore_mem>>) src(%dma_wait3A_173 : memref<4096xi32, #tpu.memory_space<hbm>>) dst(%dma_wait3A_170 : memref<4096xi32, #tpu.memory_space<vmem>>)
    %dma_wait3A_174 = arith.constant 1 : i32
    %dma_wait3A_175 = arith.constant 2 : i32
    %dma_wait3A_176 = arith.constant 0 : i32
    %dma_wait3A_177 = arith.constant 0 : i32
    %dma_wait3A_178 = tpu.memref_slice %arg7[%dma_wait3A_176, %dma_wait3A_177] : memref<2x4096xi32, #tpu.memory_space<vmem>> -> memref<1x4096xi32, #tpu.memory_space<vmem>>
    %dma_wait3A_179 = tpu.memref_squeeze %dma_wait3A_178 : memref<1x4096xi32, #tpu.memory_space<vmem>> -> memref<4096xi32, #tpu.memory_space<vmem>>
    %dma_wait3A_180 = arith.constant 0 : i32
    %dma_wait3A_181 = tpu.memref_slice %arg2[%dma_wait3A_174, %dma_wait3A_175, %dma_wait3A_180] : memref<2x8x4096xi32, #tpu.memory_space<hbm>> -> memref<1x1x4096xi32, #tpu.memory_space<hbm>>
    %dma_wait3A_182 = tpu.memref_squeeze %dma_wait3A_181 : memref<1x1x4096xi32, #tpu.memory_space<hbm>> -> memref<4096xi32, #tpu.memory_space<hbm>>
    %dma_wait3A_183 = arith.constant 0 : i32
    %dma_wait3A_184 = tpu.memref_slice %arg7[%dma_wait3A_176, %dma_wait3A_183] : memref<2x4096xi32, #tpu.memory_space<vmem>> -> memref<1x4096xi32, #tpu.memory_space<vmem>>
    %dma_wait3A_185 = tpu.memref_squeeze %dma_wait3A_184 : memref<1x4096xi32, #tpu.memory_space<vmem>> -> memref<4096xi32, #tpu.memory_space<vmem>>
    %dma_wait3A_186 = arith.constant 0 : i32
    %dma_wait3A_187 = tpu.memref_slice %arg2[%dma_wait3A_174, %dma_wait3A_175, %dma_wait3A_186] : memref<2x8x4096xi32, #tpu.memory_space<hbm>> -> memref<1x1x4096xi32, #tpu.memory_space<hbm>>
    %dma_wait3A_188 = tpu.memref_squeeze %dma_wait3A_187 : memref<1x1x4096xi32, #tpu.memory_space<hbm>> -> memref<4096xi32, #tpu.memory_space<hbm>>
    tpu.wait_dma2 semaphore(%arg9 : memref<!tpu.dma_semaphore, #tpu.memory_space<semaphore_mem>>) src(%dma_wait3A_188 : memref<4096xi32, #tpu.memory_space<hbm>>) dst(%dma_wait3A_185 : memref<4096xi32, #tpu.memory_space<vmem>>)
    %dma_start3A_189 = arith.constant 0 : i32
    %dma_start3A_190 = arith.constant 3 : i32
    %dma_start3A_191 = arith.constant 1 : i32
    %dma_start3A_192 = arith.constant 0 : i32
    %dma_start3A_193 = tpu.memref_slice %arg6[%dma_start3A_191, %dma_start3A_192] : memref<2x4096xi32, #tpu.memory_space<vmem>> -> memref<1x4096xi32, #tpu.memory_space<vmem>>
    %dma_start3A_194 = tpu.memref_squeeze %dma_start3A_193 : memref<1x4096xi32, #tpu.memory_space<vmem>> -> memref<4096xi32, #tpu.memory_space<vmem>>
    %dma_start3A_195 = arith.constant 0 : i32
    %dma_start3A_196 = tpu.memref_slice %arg2[%dma_start3A_189, %dma_start3A_190, %dma_start3A_195] : memref<2x8x4096xi32, #tpu.memory_space<hbm>> -> memref<1x1x4096xi32, #tpu.memory_space<hbm>>
    %dma_start3A_197 = tpu.memref_squeeze %dma_start3A_196 : memref<1x1x4096xi32, #tpu.memory_space<hbm>> -> memref<4096xi32, #tpu.memory_space<hbm>>
    %dma_start3A_198 = arith.constant 0 : i32
    %dma_start3A_199 = tpu.memref_slice %arg6[%dma_start3A_191, %dma_start3A_198] : memref<2x4096xi32, #tpu.memory_space<vmem>> -> memref<1x4096xi32, #tpu.memory_space<vmem>>
    %dma_start3A_200 = tpu.memref_squeeze %dma_start3A_199 : memref<1x4096xi32, #tpu.memory_space<vmem>> -> memref<4096xi32, #tpu.memory_space<vmem>>
    %dma_start3A_201 = arith.constant 0 : i32
    %dma_start3A_202 = tpu.memref_slice %arg2[%dma_start3A_189, %dma_start3A_190, %dma_start3A_201] : memref<2x8x4096xi32, #tpu.memory_space<hbm>> -> memref<1x1x4096xi32, #tpu.memory_space<hbm>>
    %dma_start3A_203 = tpu.memref_squeeze %dma_start3A_202 : memref<1x1x4096xi32, #tpu.memory_space<hbm>> -> memref<4096xi32, #tpu.memory_space<hbm>>
    tpu.enqueue_dma source(%dma_start3A_203 : memref<4096xi32, #tpu.memory_space<hbm>>) target(%dma_start3A_200 : memref<4096xi32, #tpu.memory_space<vmem>>) target_semaphore(%arg9 : memref<!tpu.dma_semaphore, #tpu.memory_space<semaphore_mem>>)
    %dma_start3A_204 = arith.constant 1 : i32
    %dma_start3A_205 = arith.constant 3 : i32
    %dma_start3A_206 = arith.constant 1 : i32
    %dma_start3A_207 = arith.constant 0 : i32
    %dma_start3A_208 = tpu.memref_slice %arg7[%dma_start3A_206, %dma_start3A_207] : memref<2x4096xi32, #tpu.memory_space<vmem>> -> memref<1x4096xi32, #tpu.memory_space<vmem>>
    %dma_start3A_209 = tpu.memref_squeeze %dma_start3A_208 : memref<1x4096xi32, #tpu.memory_space<vmem>> -> memref<4096xi32, #tpu.memory_space<vmem>>
    %dma_start3A_210 = arith.constant 0 : i32
    %dma_start3A_211 = tpu.memref_slice %arg2[%dma_start3A_204, %dma_start3A_205, %dma_start3A_210] : memref<2x8x4096xi32, #tpu.memory_space<hbm>> -> memref<1x1x4096xi32, #tpu.memory_space<hbm>>
    %dma_start3A_212 = tpu.memref_squeeze %dma_start3A_211 : memref<1x1x4096xi32, #tpu.memory_space<hbm>> -> memref<4096xi32, #tpu.memory_space<hbm>>
    %dma_start3A_213 = arith.constant 0 : i32
    %dma_start3A_214 = tpu.memref_slice %arg7[%dma_start3A_206, %dma_start3A_213] : memref<2x4096xi32, #tpu.memory_space<vmem>> -> memref<1x4096xi32, #tpu.memory_space<vmem>>
    %dma_start3A_215 = tpu.memref_squeeze %dma_start3A_214 : memref<1x4096xi32, #tpu.memory_space<vmem>> -> memref<4096xi32, #tpu.memory_space<vmem>>
    %dma_start3A_216 = arith.constant 0 : i32
    %dma_start3A_217 = tpu.memref_slice %arg2[%dma_start3A_204, %dma_start3A_205, %dma_start3A_216] : memref<2x8x4096xi32, #tpu.memory_space<hbm>> -> memref<1x1x4096xi32, #tpu.memory_space<hbm>>
    %dma_start3A_218 = tpu.memref_squeeze %dma_start3A_217 : memref<1x1x4096xi32, #tpu.memory_space<hbm>> -> memref<4096xi32, #tpu.memory_space<hbm>>
    tpu.enqueue_dma source(%dma_start3A_218 : memref<4096xi32, #tpu.memory_space<hbm>>) target(%dma_start3A_215 : memref<4096xi32, #tpu.memory_space<vmem>>) target_semaphore(%arg9 : memref<!tpu.dma_semaphore, #tpu.memory_space<semaphore_mem>>)
    %parallel_loop3A_219 = arith.constant 0 : i32
    %parallel_loop3A_220 = arith.constant 4096 : i32
    %parallel_loop3A_221 = arith.constant 16 : i32
    scf.for %parallel_loop3A_526 = %parallel_loop3A_219 to %parallel_loop3A_220 step %parallel_loop3A_221  : i32 {
      %parallel_loop3A_527 = arith.constant 0 : i32
      %parallel_loop3A_528 = arith.index_cast %parallel_loop3A_527 : i32 to index
      %parallel_loop3A_529 = arith.index_cast %parallel_loop3A_526 : i32 to index
      %parallel_loop3A_530 = tpu.vector_load %arg6[%parallel_loop3A_528, %parallel_loop3A_529] {strides = array<i32>} : memref<2x4096xi32, #tpu.memory_space<vmem>>, vector<16xi32>,
      %parallel_loop3A_531 = arith.constant 0 : i32
      %parallel_loop3A_532 = arith.index_cast %parallel_loop3A_531 : i32 to index
      %parallel_loop3A_533 = arith.index_cast %parallel_loop3A_526 : i32 to index
      %parallel_loop3A_534 = tpu.vector_load %arg7[%parallel_loop3A_532, %parallel_loop3A_533] {strides = array<i32>} : memref<2x4096xi32, #tpu.memory_space<vmem>>, vector<16xi32>,
      %parallel_loop3A_535 = arith.constant 2048 : i32
      %parallel_loop3A_536 = vector.broadcast %parallel_loop3A_535 : i32 to vector<16xi32>
      %parallel_loop3A_537 = arith.muli %parallel_loop3A_530, %parallel_loop3A_536 : vector<16xi32>
      %parallel_loop3A_538 = arith.addi %parallel_loop3A_537, %parallel_loop3A_534 : vector<16xi32>
      %parallel_loop3A_539 = arith.constant 8192 : i32
      %parallel_loop3A_540 = arith.addi %parallel_loop3A_539, %parallel_loop3A_526 : i32
      %parallel_loop3A_541 = arith.index_cast %parallel_loop3A_540 : i32 to index
      %parallel_loop3A_542 = tpu.vector_load %arg5[%parallel_loop3A_541] {strides = array<i32>} : memref<32768xi32, #tpu.memory_space<vmem>>, vector<16xi32>,
      tpu.vector_store %arg5[%parallel_loop3A_541], %parallel_loop3A_538 {strides = array<i32>} : memref<32768xi32, #tpu.memory_space<vmem>>, vector<16xi32>,
      %parallel_loop3A_543 = vector.broadcast %multiple_of3A : i32 to vector<16xi32>
      %parallel_loop3A_544 = arith.subi %parallel_loop3A_538, %parallel_loop3A_543 : vector<16xi32>
      %parallel_loop3A_545 = arith.constant 0 : i32
      %parallel_loop3A_546 = vector.broadcast %parallel_loop3A_545 : i32 to vector<16xi32>
      %parallel_loop3A_547 = arith.cmpi sge, %parallel_loop3A_544, %parallel_loop3A_546 : vector<16xi32>
      %parallel_loop3A_548 = arith.constant 65536 : i32
      %parallel_loop3A_549 = vector.broadcast %parallel_loop3A_548 : i32 to vector<16xi32>
      %parallel_loop3A_550 = arith.cmpi slt, %parallel_loop3A_544, %parallel_loop3A_549 : vector<16xi32>
      %parallel_loop3A_551 = arith.andi %parallel_loop3A_547, %parallel_loop3A_550 : vector<16xi1>
      %parallel_loop3A_552 = arith.constant 0 : i32
      %parallel_loop3A_553 = vector.broadcast %parallel_loop3A_552 : i32 to vector<16xi32>
      %parallel_loop3A_554 = arith.select %parallel_loop3A_551, %parallel_loop3A_544, %parallel_loop3A_553 : vector<16xi1>, vector<16xi32>
      %parallel_loop3A_555 = arith.constant 1.000000e+00 : f32
      %parallel_loop3A_556 = vector.broadcast %parallel_loop3A_555 : f32 to vector<16xf32>
      tpu.vector_store_idx %arg4[%parallel_loop3A_554], %parallel_loop3A_556 masked %parallel_loop3A_551 : memref<65536xf32, #tpu.memory_space<vmem>>[vector<16xi32>], vector<16xf32>, vector<16xi1>
    } {sc.loop_unroll_factor = 8 : i64, sc.parallel_access}
    %dma_wait3A_222 = arith.constant 0 : i32
    %dma_wait3A_223 = arith.constant 3 : i32
    %dma_wait3A_224 = arith.constant 1 : i32
    %dma_wait3A_225 = arith.constant 0 : i32
    %dma_wait3A_226 = tpu.memref_slice %arg6[%dma_wait3A_224, %dma_wait3A_225] : memref<2x4096xi32, #tpu.memory_space<vmem>> -> memref<1x4096xi32, #tpu.memory_space<vmem>>
    %dma_wait3A_227 = tpu.memref_squeeze %dma_wait3A_226 : memref<1x4096xi32, #tpu.memory_space<vmem>> -> memref<4096xi32, #tpu.memory_space<vmem>>
    %dma_wait3A_228 = arith.constant 0 : i32
    %dma_wait3A_229 = tpu.memref_slice %arg2[%dma_wait3A_222, %dma_wait3A_223, %dma_wait3A_228] : memref<2x8x4096xi32, #tpu.memory_space<hbm>> -> memref<1x1x4096xi32, #tpu.memory_space<hbm>>
    %dma_wait3A_230 = tpu.memref_squeeze %dma_wait3A_229 : memref<1x1x4096xi32, #tpu.memory_space<hbm>> -> memref<4096xi32, #tpu.memory_space<hbm>>
    %dma_wait3A_231 = arith.constant 0 : i32
    %dma_wait3A_232 = tpu.memref_slice %arg6[%dma_wait3A_224, %dma_wait3A_231] : memref<2x4096xi32, #tpu.memory_space<vmem>> -> memref<1x4096xi32, #tpu.memory_space<vmem>>
    %dma_wait3A_233 = tpu.memref_squeeze %dma_wait3A_232 : memref<1x4096xi32, #tpu.memory_space<vmem>> -> memref<4096xi32, #tpu.memory_space<vmem>>
    %dma_wait3A_234 = arith.constant 0 : i32
    %dma_wait3A_235 = tpu.memref_slice %arg2[%dma_wait3A_222, %dma_wait3A_223, %dma_wait3A_234] : memref<2x8x4096xi32, #tpu.memory_space<hbm>> -> memref<1x1x4096xi32, #tpu.memory_space<hbm>>
    %dma_wait3A_236 = tpu.memref_squeeze %dma_wait3A_235 : memref<1x1x4096xi32, #tpu.memory_space<hbm>> -> memref<4096xi32, #tpu.memory_space<hbm>>
    tpu.wait_dma2 semaphore(%arg9 : memref<!tpu.dma_semaphore, #tpu.memory_space<semaphore_mem>>) src(%dma_wait3A_236 : memref<4096xi32, #tpu.memory_space<hbm>>) dst(%dma_wait3A_233 : memref<4096xi32, #tpu.memory_space<vmem>>)
    %dma_wait3A_237 = arith.constant 1 : i32
    %dma_wait3A_238 = arith.constant 3 : i32
    %dma_wait3A_239 = arith.constant 1 : i32
    %dma_wait3A_240 = arith.constant 0 : i32
    %dma_wait3A_241 = tpu.memref_slice %arg7[%dma_wait3A_239, %dma_wait3A_240] : memref<2x4096xi32, #tpu.memory_space<vmem>> -> memref<1x4096xi32, #tpu.memory_space<vmem>>
    %dma_wait3A_242 = tpu.memref_squeeze %dma_wait3A_241 : memref<1x4096xi32, #tpu.memory_space<vmem>> -> memref<4096xi32, #tpu.memory_space<vmem>>
    %dma_wait3A_243 = arith.constant 0 : i32
    %dma_wait3A_244 = tpu.memref_slice %arg2[%dma_wait3A_237, %dma_wait3A_238, %dma_wait3A_243] : memref<2x8x4096xi32, #tpu.memory_space<hbm>> -> memref<1x1x4096xi32, #tpu.memory_space<hbm>>
    %dma_wait3A_245 = tpu.memref_squeeze %dma_wait3A_244 : memref<1x1x4096xi32, #tpu.memory_space<hbm>> -> memref<4096xi32, #tpu.memory_space<hbm>>
    %dma_wait3A_246 = arith.constant 0 : i32
    %dma_wait3A_247 = tpu.memref_slice %arg7[%dma_wait3A_239, %dma_wait3A_246] : memref<2x4096xi32, #tpu.memory_space<vmem>> -> memref<1x4096xi32, #tpu.memory_space<vmem>>
    %dma_wait3A_248 = tpu.memref_squeeze %dma_wait3A_247 : memref<1x4096xi32, #tpu.memory_space<vmem>> -> memref<4096xi32, #tpu.memory_space<vmem>>
    %dma_wait3A_249 = arith.constant 0 : i32
    %dma_wait3A_250 = tpu.memref_slice %arg2[%dma_wait3A_237, %dma_wait3A_238, %dma_wait3A_249] : memref<2x8x4096xi32, #tpu.memory_space<hbm>> -> memref<1x1x4096xi32, #tpu.memory_space<hbm>>
    %dma_wait3A_251 = tpu.memref_squeeze %dma_wait3A_250 : memref<1x1x4096xi32, #tpu.memory_space<hbm>> -> memref<4096xi32, #tpu.memory_space<hbm>>
    tpu.wait_dma2 semaphore(%arg9 : memref<!tpu.dma_semaphore, #tpu.memory_space<semaphore_mem>>) src(%dma_wait3A_251 : memref<4096xi32, #tpu.memory_space<hbm>>) dst(%dma_wait3A_248 : memref<4096xi32, #tpu.memory_space<vmem>>)
    %dma_start3A_252 = arith.constant 0 : i32
    %dma_start3A_253 = arith.constant 4 : i32
    %dma_start3A_254 = arith.constant 0 : i32
    %dma_start3A_255 = arith.constant 0 : i32
    %dma_start3A_256 = tpu.memref_slice %arg6[%dma_start3A_254, %dma_start3A_255] : memref<2x4096xi32, #tpu.memory_space<vmem>> -> memref<1x4096xi32, #tpu.memory_space<vmem>>
    %dma_start3A_257 = tpu.memref_squeeze %dma_start3A_256 : memref<1x4096xi32, #tpu.memory_space<vmem>> -> memref<4096xi32, #tpu.memory_space<vmem>>
    %dma_start3A_258 = arith.constant 0 : i32
    %dma_start3A_259 = tpu.memref_slice %arg2[%dma_start3A_252, %dma_start3A_253, %dma_start3A_258] : memref<2x8x4096xi32, #tpu.memory_space<hbm>> -> memref<1x1x4096xi32, #tpu.memory_space<hbm>>
    %dma_start3A_260 = tpu.memref_squeeze %dma_start3A_259 : memref<1x1x4096xi32, #tpu.memory_space<hbm>> -> memref<4096xi32, #tpu.memory_space<hbm>>
    %dma_start3A_261 = arith.constant 0 : i32
    %dma_start3A_262 = tpu.memref_slice %arg6[%dma_start3A_254, %dma_start3A_261] : memref<2x4096xi32, #tpu.memory_space<vmem>> -> memref<1x4096xi32, #tpu.memory_space<vmem>>
    %dma_start3A_263 = tpu.memref_squeeze %dma_start3A_262 : memref<1x4096xi32, #tpu.memory_space<vmem>> -> memref<4096xi32, #tpu.memory_space<vmem>>
    %dma_start3A_264 = arith.constant 0 : i32
    %dma_start3A_265 = tpu.memref_slice %arg2[%dma_start3A_252, %dma_start3A_253, %dma_start3A_264] : memref<2x8x4096xi32, #tpu.memory_space<hbm>> -> memref<1x1x4096xi32, #tpu.memory_space<hbm>>
    %dma_start3A_266 = tpu.memref_squeeze %dma_start3A_265 : memref<1x1x4096xi32, #tpu.memory_space<hbm>> -> memref<4096xi32, #tpu.memory_space<hbm>>
    tpu.enqueue_dma source(%dma_start3A_266 : memref<4096xi32, #tpu.memory_space<hbm>>) target(%dma_start3A_263 : memref<4096xi32, #tpu.memory_space<vmem>>) target_semaphore(%arg9 : memref<!tpu.dma_semaphore, #tpu.memory_space<semaphore_mem>>)
    %dma_start3A_267 = arith.constant 1 : i32
    %dma_start3A_268 = arith.constant 4 : i32
    %dma_start3A_269 = arith.constant 0 : i32
    %dma_start3A_270 = arith.constant 0 : i32
    %dma_start3A_271 = tpu.memref_slice %arg7[%dma_start3A_269, %dma_start3A_270] : memref<2x4096xi32, #tpu.memory_space<vmem>> -> memref<1x4096xi32, #tpu.memory_space<vmem>>
    %dma_start3A_272 = tpu.memref_squeeze %dma_start3A_271 : memref<1x4096xi32, #tpu.memory_space<vmem>> -> memref<4096xi32, #tpu.memory_space<vmem>>
    %dma_start3A_273 = arith.constant 0 : i32
    %dma_start3A_274 = tpu.memref_slice %arg2[%dma_start3A_267, %dma_start3A_268, %dma_start3A_273] : memref<2x8x4096xi32, #tpu.memory_space<hbm>> -> memref<1x1x4096xi32, #tpu.memory_space<hbm>>
    %dma_start3A_275 = tpu.memref_squeeze %dma_start3A_274 : memref<1x1x4096xi32, #tpu.memory_space<hbm>> -> memref<4096xi32, #tpu.memory_space<hbm>>
    %dma_start3A_276 = arith.constant 0 : i32
    %dma_start3A_277 = tpu.memref_slice %arg7[%dma_start3A_269, %dma_start3A_276] : memref<2x4096xi32, #tpu.memory_space<vmem>> -> memref<1x4096xi32, #tpu.memory_space<vmem>>
    %dma_start3A_278 = tpu.memref_squeeze %dma_start3A_277 : memref<1x4096xi32, #tpu.memory_space<vmem>> -> memref<4096xi32, #tpu.memory_space<vmem>>
    %dma_start3A_279 = arith.constant 0 : i32
    %dma_start3A_280 = tpu.memref_slice %arg2[%dma_start3A_267, %dma_start3A_268, %dma_start3A_279] : memref<2x8x4096xi32, #tpu.memory_space<hbm>> -> memref<1x1x4096xi32, #tpu.memory_space<hbm>>
    %dma_start3A_281 = tpu.memref_squeeze %dma_start3A_280 : memref<1x1x4096xi32, #tpu.memory_space<hbm>> -> memref<4096xi32, #tpu.memory_space<hbm>>
    tpu.enqueue_dma source(%dma_start3A_281 : memref<4096xi32, #tpu.memory_space<hbm>>) target(%dma_start3A_278 : memref<4096xi32, #tpu.memory_space<vmem>>) target_semaphore(%arg9 : memref<!tpu.dma_semaphore, #tpu.memory_space<semaphore_mem>>)
    %parallel_loop3A_282 = arith.constant 0 : i32
    %parallel_loop3A_283 = arith.constant 4096 : i32
    %parallel_loop3A_284 = arith.constant 16 : i32
    scf.for %parallel_loop3A_526 = %parallel_loop3A_282 to %parallel_loop3A_283 step %parallel_loop3A_284  : i32 {
      %parallel_loop3A_527 = arith.constant 1 : i32
      %parallel_loop3A_528 = arith.index_cast %parallel_loop3A_527 : i32 to index
      %parallel_loop3A_529 = arith.index_cast %parallel_loop3A_526 : i32 to index
      %parallel_loop3A_530 = tpu.vector_load %arg6[%parallel_loop3A_528, %parallel_loop3A_529] {strides = array<i32>} : memref<2x4096xi32, #tpu.memory_space<vmem>>, vector<16xi32>,
      %parallel_loop3A_531 = arith.constant 1 : i32
      %parallel_loop3A_532 = arith.index_cast %parallel_loop3A_531 : i32 to index
      %parallel_loop3A_533 = arith.index_cast %parallel_loop3A_526 : i32 to index
      %parallel_loop3A_534 = tpu.vector_load %arg7[%parallel_loop3A_532, %parallel_loop3A_533] {strides = array<i32>} : memref<2x4096xi32, #tpu.memory_space<vmem>>, vector<16xi32>,
      %parallel_loop3A_535 = arith.constant 2048 : i32
      %parallel_loop3A_536 = vector.broadcast %parallel_loop3A_535 : i32 to vector<16xi32>
      %parallel_loop3A_537 = arith.muli %parallel_loop3A_530, %parallel_loop3A_536 : vector<16xi32>
      %parallel_loop3A_538 = arith.addi %parallel_loop3A_537, %parallel_loop3A_534 : vector<16xi32>
      %parallel_loop3A_539 = arith.constant 12288 : i32
      %parallel_loop3A_540 = arith.addi %parallel_loop3A_539, %parallel_loop3A_526 : i32
      %parallel_loop3A_541 = arith.index_cast %parallel_loop3A_540 : i32 to index
      %parallel_loop3A_542 = tpu.vector_load %arg5[%parallel_loop3A_541] {strides = array<i32>} : memref<32768xi32, #tpu.memory_space<vmem>>, vector<16xi32>,
      tpu.vector_store %arg5[%parallel_loop3A_541], %parallel_loop3A_538 {strides = array<i32>} : memref<32768xi32, #tpu.memory_space<vmem>>, vector<16xi32>,
      %parallel_loop3A_543 = vector.broadcast %multiple_of3A : i32 to vector<16xi32>
      %parallel_loop3A_544 = arith.subi %parallel_loop3A_538, %parallel_loop3A_543 : vector<16xi32>
      %parallel_loop3A_545 = arith.constant 0 : i32
      %parallel_loop3A_546 = vector.broadcast %parallel_loop3A_545 : i32 to vector<16xi32>
      %parallel_loop3A_547 = arith.cmpi sge, %parallel_loop3A_544, %parallel_loop3A_546 : vector<16xi32>
      %parallel_loop3A_548 = arith.constant 65536 : i32
      %parallel_loop3A_549 = vector.broadcast %parallel_loop3A_548 : i32 to vector<16xi32>
      %parallel_loop3A_550 = arith.cmpi slt, %parallel_loop3A_544, %parallel_loop3A_549 : vector<16xi32>
      %parallel_loop3A_551 = arith.andi %parallel_loop3A_547, %parallel_loop3A_550 : vector<16xi1>
      %parallel_loop3A_552 = arith.constant 0 : i32
      %parallel_loop3A_553 = vector.broadcast %parallel_loop3A_552 : i32 to vector<16xi32>
      %parallel_loop3A_554 = arith.select %parallel_loop3A_551, %parallel_loop3A_544, %parallel_loop3A_553 : vector<16xi1>, vector<16xi32>
      %parallel_loop3A_555 = arith.constant 1.000000e+00 : f32
      %parallel_loop3A_556 = vector.broadcast %parallel_loop3A_555 : f32 to vector<16xf32>
      tpu.vector_store_idx %arg4[%parallel_loop3A_554], %parallel_loop3A_556 masked %parallel_loop3A_551 : memref<65536xf32, #tpu.memory_space<vmem>>[vector<16xi32>], vector<16xf32>, vector<16xi1>
    } {sc.loop_unroll_factor = 8 : i64, sc.parallel_access}
    %dma_wait3A_285 = arith.constant 0 : i32
    %dma_wait3A_286 = arith.constant 4 : i32
    %dma_wait3A_287 = arith.constant 0 : i32
    %dma_wait3A_288 = arith.constant 0 : i32
    %dma_wait3A_289 = tpu.memref_slice %arg6[%dma_wait3A_287, %dma_wait3A_288] : memref<2x4096xi32, #tpu.memory_space<vmem>> -> memref<1x4096xi32, #tpu.memory_space<vmem>>
    %dma_wait3A_290 = tpu.memref_squeeze %dma_wait3A_289 : memref<1x4096xi32, #tpu.memory_space<vmem>> -> memref<4096xi32, #tpu.memory_space<vmem>>
    %dma_wait3A_291 = arith.constant 0 : i32
    %dma_wait3A_292 = tpu.memref_slice %arg2[%dma_wait3A_285, %dma_wait3A_286, %dma_wait3A_291] : memref<2x8x4096xi32, #tpu.memory_space<hbm>> -> memref<1x1x4096xi32, #tpu.memory_space<hbm>>
    %dma_wait3A_293 = tpu.memref_squeeze %dma_wait3A_292 : memref<1x1x4096xi32, #tpu.memory_space<hbm>> -> memref<4096xi32, #tpu.memory_space<hbm>>
    %dma_wait3A_294 = arith.constant 0 : i32
    %dma_wait3A_295 = tpu.memref_slice %arg6[%dma_wait3A_287, %dma_wait3A_294] : memref<2x4096xi32, #tpu.memory_space<vmem>> -> memref<1x4096xi32, #tpu.memory_space<vmem>>
    %dma_wait3A_296 = tpu.memref_squeeze %dma_wait3A_295 : memref<1x4096xi32, #tpu.memory_space<vmem>> -> memref<4096xi32, #tpu.memory_space<vmem>>
    %dma_wait3A_297 = arith.constant 0 : i32
    %dma_wait3A_298 = tpu.memref_slice %arg2[%dma_wait3A_285, %dma_wait3A_286, %dma_wait3A_297] : memref<2x8x4096xi32, #tpu.memory_space<hbm>> -> memref<1x1x4096xi32, #tpu.memory_space<hbm>>
    %dma_wait3A_299 = tpu.memref_squeeze %dma_wait3A_298 : memref<1x1x4096xi32, #tpu.memory_space<hbm>> -> memref<4096xi32, #tpu.memory_space<hbm>>
    tpu.wait_dma2 semaphore(%arg9 : memref<!tpu.dma_semaphore, #tpu.memory_space<semaphore_mem>>) src(%dma_wait3A_299 : memref<4096xi32, #tpu.memory_space<hbm>>) dst(%dma_wait3A_296 : memref<4096xi32, #tpu.memory_space<vmem>>)
    %dma_wait3A_300 = arith.constant 1 : i32
    %dma_wait3A_301 = arith.constant 4 : i32
    %dma_wait3A_302 = arith.constant 0 : i32
    %dma_wait3A_303 = arith.constant 0 : i32
    %dma_wait3A_304 = tpu.memref_slice %arg7[%dma_wait3A_302, %dma_wait3A_303] : memref<2x4096xi32, #tpu.memory_space<vmem>> -> memref<1x4096xi32, #tpu.memory_space<vmem>>
    %dma_wait3A_305 = tpu.memref_squeeze %dma_wait3A_304 : memref<1x4096xi32, #tpu.memory_space<vmem>> -> memref<4096xi32, #tpu.memory_space<vmem>>
    %dma_wait3A_306 = arith.constant 0 : i32
    %dma_wait3A_307 = tpu.memref_slice %arg2[%dma_wait3A_300, %dma_wait3A_301, %dma_wait3A_306] : memref<2x8x4096xi32, #tpu.memory_space<hbm>> -> memref<1x1x4096xi32, #tpu.memory_space<hbm>>
    %dma_wait3A_308 = tpu.memref_squeeze %dma_wait3A_307 : memref<1x1x4096xi32, #tpu.memory_space<hbm>> -> memref<4096xi32, #tpu.memory_space<hbm>>
    %dma_wait3A_309 = arith.constant 0 : i32
    %dma_wait3A_310 = tpu.memref_slice %arg7[%dma_wait3A_302, %dma_wait3A_309] : memref<2x4096xi32, #tpu.memory_space<vmem>> -> memref<1x4096xi32, #tpu.memory_space<vmem>>
    %dma_wait3A_311 = tpu.memref_squeeze %dma_wait3A_310 : memref<1x4096xi32, #tpu.memory_space<vmem>> -> memref<4096xi32, #tpu.memory_space<vmem>>
    %dma_wait3A_312 = arith.constant 0 : i32
    %dma_wait3A_313 = tpu.memref_slice %arg2[%dma_wait3A_300, %dma_wait3A_301, %dma_wait3A_312] : memref<2x8x4096xi32, #tpu.memory_space<hbm>> -> memref<1x1x4096xi32, #tpu.memory_space<hbm>>
    %dma_wait3A_314 = tpu.memref_squeeze %dma_wait3A_313 : memref<1x1x4096xi32, #tpu.memory_space<hbm>> -> memref<4096xi32, #tpu.memory_space<hbm>>
    tpu.wait_dma2 semaphore(%arg9 : memref<!tpu.dma_semaphore, #tpu.memory_space<semaphore_mem>>) src(%dma_wait3A_314 : memref<4096xi32, #tpu.memory_space<hbm>>) dst(%dma_wait3A_311 : memref<4096xi32, #tpu.memory_space<vmem>>)
    %dma_start3A_315 = arith.constant 0 : i32
    %dma_start3A_316 = arith.constant 5 : i32
    %dma_start3A_317 = arith.constant 1 : i32
    %dma_start3A_318 = arith.constant 0 : i32
    %dma_start3A_319 = tpu.memref_slice %arg6[%dma_start3A_317, %dma_start3A_318] : memref<2x4096xi32, #tpu.memory_space<vmem>> -> memref<1x4096xi32, #tpu.memory_space<vmem>>
    %dma_start3A_320 = tpu.memref_squeeze %dma_start3A_319 : memref<1x4096xi32, #tpu.memory_space<vmem>> -> memref<4096xi32, #tpu.memory_space<vmem>>
    %dma_start3A_321 = arith.constant 0 : i32
    %dma_start3A_322 = tpu.memref_slice %arg2[%dma_start3A_315, %dma_start3A_316, %dma_start3A_321] : memref<2x8x4096xi32, #tpu.memory_space<hbm>> -> memref<1x1x4096xi32, #tpu.memory_space<hbm>>
    %dma_start3A_323 = tpu.memref_squeeze %dma_start3A_322 : memref<1x1x4096xi32, #tpu.memory_space<hbm>> -> memref<4096xi32, #tpu.memory_space<hbm>>
    %dma_start3A_324 = arith.constant 0 : i32
    %dma_start3A_325 = tpu.memref_slice %arg6[%dma_start3A_317, %dma_start3A_324] : memref<2x4096xi32, #tpu.memory_space<vmem>> -> memref<1x4096xi32, #tpu.memory_space<vmem>>
    %dma_start3A_326 = tpu.memref_squeeze %dma_start3A_325 : memref<1x4096xi32, #tpu.memory_space<vmem>> -> memref<4096xi32, #tpu.memory_space<vmem>>
    %dma_start3A_327 = arith.constant 0 : i32
    %dma_start3A_328 = tpu.memref_slice %arg2[%dma_start3A_315, %dma_start3A_316, %dma_start3A_327] : memref<2x8x4096xi32, #tpu.memory_space<hbm>> -> memref<1x1x4096xi32, #tpu.memory_space<hbm>>
    %dma_start3A_329 = tpu.memref_squeeze %dma_start3A_328 : memref<1x1x4096xi32, #tpu.memory_space<hbm>> -> memref<4096xi32, #tpu.memory_space<hbm>>
    tpu.enqueue_dma source(%dma_start3A_329 : memref<4096xi32, #tpu.memory_space<hbm>>) target(%dma_start3A_326 : memref<4096xi32, #tpu.memory_space<vmem>>) target_semaphore(%arg9 : memref<!tpu.dma_semaphore, #tpu.memory_space<semaphore_mem>>)
    %dma_start3A_330 = arith.constant 1 : i32
    %dma_start3A_331 = arith.constant 5 : i32
    %dma_start3A_332 = arith.constant 1 : i32
    %dma_start3A_333 = arith.constant 0 : i32
    %dma_start3A_334 = tpu.memref_slice %arg7[%dma_start3A_332, %dma_start3A_333] : memref<2x4096xi32, #tpu.memory_space<vmem>> -> memref<1x4096xi32, #tpu.memory_space<vmem>>
    %dma_start3A_335 = tpu.memref_squeeze %dma_start3A_334 : memref<1x4096xi32, #tpu.memory_space<vmem>> -> memref<4096xi32, #tpu.memory_space<vmem>>
    %dma_start3A_336 = arith.constant 0 : i32
    %dma_start3A_337 = tpu.memref_slice %arg2[%dma_start3A_330, %dma_start3A_331, %dma_start3A_336] : memref<2x8x4096xi32, #tpu.memory_space<hbm>> -> memref<1x1x4096xi32, #tpu.memory_space<hbm>>
    %dma_start3A_338 = tpu.memref_squeeze %dma_start3A_337 : memref<1x1x4096xi32, #tpu.memory_space<hbm>> -> memref<4096xi32, #tpu.memory_space<hbm>>
    %dma_start3A_339 = arith.constant 0 : i32
    %dma_start3A_340 = tpu.memref_slice %arg7[%dma_start3A_332, %dma_start3A_339] : memref<2x4096xi32, #tpu.memory_space<vmem>> -> memref<1x4096xi32, #tpu.memory_space<vmem>>
    %dma_start3A_341 = tpu.memref_squeeze %dma_start3A_340 : memref<1x4096xi32, #tpu.memory_space<vmem>> -> memref<4096xi32, #tpu.memory_space<vmem>>
    %dma_start3A_342 = arith.constant 0 : i32
    %dma_start3A_343 = tpu.memref_slice %arg2[%dma_start3A_330, %dma_start3A_331, %dma_start3A_342] : memref<2x8x4096xi32, #tpu.memory_space<hbm>> -> memref<1x1x4096xi32, #tpu.memory_space<hbm>>
    %dma_start3A_344 = tpu.memref_squeeze %dma_start3A_343 : memref<1x1x4096xi32, #tpu.memory_space<hbm>> -> memref<4096xi32, #tpu.memory_space<hbm>>
    tpu.enqueue_dma source(%dma_start3A_344 : memref<4096xi32, #tpu.memory_space<hbm>>) target(%dma_start3A_341 : memref<4096xi32, #tpu.memory_space<vmem>>) target_semaphore(%arg9 : memref<!tpu.dma_semaphore, #tpu.memory_space<semaphore_mem>>)
    %parallel_loop3A_345 = arith.constant 0 : i32
    %parallel_loop3A_346 = arith.constant 4096 : i32
    %parallel_loop3A_347 = arith.constant 16 : i32
    scf.for %parallel_loop3A_526 = %parallel_loop3A_345 to %parallel_loop3A_346 step %parallel_loop3A_347  : i32 {
      %parallel_loop3A_527 = arith.constant 0 : i32
      %parallel_loop3A_528 = arith.index_cast %parallel_loop3A_527 : i32 to index
      %parallel_loop3A_529 = arith.index_cast %parallel_loop3A_526 : i32 to index
      %parallel_loop3A_530 = tpu.vector_load %arg6[%parallel_loop3A_528, %parallel_loop3A_529] {strides = array<i32>} : memref<2x4096xi32, #tpu.memory_space<vmem>>, vector<16xi32>,
      %parallel_loop3A_531 = arith.constant 0 : i32
      %parallel_loop3A_532 = arith.index_cast %parallel_loop3A_531 : i32 to index
      %parallel_loop3A_533 = arith.index_cast %parallel_loop3A_526 : i32 to index
      %parallel_loop3A_534 = tpu.vector_load %arg7[%parallel_loop3A_532, %parallel_loop3A_533] {strides = array<i32>} : memref<2x4096xi32, #tpu.memory_space<vmem>>, vector<16xi32>,
      %parallel_loop3A_535 = arith.constant 2048 : i32
      %parallel_loop3A_536 = vector.broadcast %parallel_loop3A_535 : i32 to vector<16xi32>
      %parallel_loop3A_537 = arith.muli %parallel_loop3A_530, %parallel_loop3A_536 : vector<16xi32>
      %parallel_loop3A_538 = arith.addi %parallel_loop3A_537, %parallel_loop3A_534 : vector<16xi32>
      %parallel_loop3A_539 = arith.constant 16384 : i32
      %parallel_loop3A_540 = arith.addi %parallel_loop3A_539, %parallel_loop3A_526 : i32
      %parallel_loop3A_541 = arith.index_cast %parallel_loop3A_540 : i32 to index
      %parallel_loop3A_542 = tpu.vector_load %arg5[%parallel_loop3A_541] {strides = array<i32>} : memref<32768xi32, #tpu.memory_space<vmem>>, vector<16xi32>,
      tpu.vector_store %arg5[%parallel_loop3A_541], %parallel_loop3A_538 {strides = array<i32>} : memref<32768xi32, #tpu.memory_space<vmem>>, vector<16xi32>,
      %parallel_loop3A_543 = vector.broadcast %multiple_of3A : i32 to vector<16xi32>
      %parallel_loop3A_544 = arith.subi %parallel_loop3A_538, %parallel_loop3A_543 : vector<16xi32>
      %parallel_loop3A_545 = arith.constant 0 : i32
      %parallel_loop3A_546 = vector.broadcast %parallel_loop3A_545 : i32 to vector<16xi32>
      %parallel_loop3A_547 = arith.cmpi sge, %parallel_loop3A_544, %parallel_loop3A_546 : vector<16xi32>
      %parallel_loop3A_548 = arith.constant 65536 : i32
      %parallel_loop3A_549 = vector.broadcast %parallel_loop3A_548 : i32 to vector<16xi32>
      %parallel_loop3A_550 = arith.cmpi slt, %parallel_loop3A_544, %parallel_loop3A_549 : vector<16xi32>
      %parallel_loop3A_551 = arith.andi %parallel_loop3A_547, %parallel_loop3A_550 : vector<16xi1>
      %parallel_loop3A_552 = arith.constant 0 : i32
      %parallel_loop3A_553 = vector.broadcast %parallel_loop3A_552 : i32 to vector<16xi32>
      %parallel_loop3A_554 = arith.select %parallel_loop3A_551, %parallel_loop3A_544, %parallel_loop3A_553 : vector<16xi1>, vector<16xi32>
      %parallel_loop3A_555 = arith.constant 1.000000e+00 : f32
      %parallel_loop3A_556 = vector.broadcast %parallel_loop3A_555 : f32 to vector<16xf32>
      tpu.vector_store_idx %arg4[%parallel_loop3A_554], %parallel_loop3A_556 masked %parallel_loop3A_551 : memref<65536xf32, #tpu.memory_space<vmem>>[vector<16xi32>], vector<16xf32>, vector<16xi1>
    } {sc.loop_unroll_factor = 8 : i64, sc.parallel_access}
    %dma_wait3A_348 = arith.constant 0 : i32
    %dma_wait3A_349 = arith.constant 5 : i32
    %dma_wait3A_350 = arith.constant 1 : i32
    %dma_wait3A_351 = arith.constant 0 : i32
    %dma_wait3A_352 = tpu.memref_slice %arg6[%dma_wait3A_350, %dma_wait3A_351] : memref<2x4096xi32, #tpu.memory_space<vmem>> -> memref<1x4096xi32, #tpu.memory_space<vmem>>
    %dma_wait3A_353 = tpu.memref_squeeze %dma_wait3A_352 : memref<1x4096xi32, #tpu.memory_space<vmem>> -> memref<4096xi32, #tpu.memory_space<vmem>>
    %dma_wait3A_354 = arith.constant 0 : i32
    %dma_wait3A_355 = tpu.memref_slice %arg2[%dma_wait3A_348, %dma_wait3A_349, %dma_wait3A_354] : memref<2x8x4096xi32, #tpu.memory_space<hbm>> -> memref<1x1x4096xi32, #tpu.memory_space<hbm>>
    %dma_wait3A_356 = tpu.memref_squeeze %dma_wait3A_355 : memref<1x1x4096xi32, #tpu.memory_space<hbm>> -> memref<4096xi32, #tpu.memory_space<hbm>>
    %dma_wait3A_357 = arith.constant 0 : i32
    %dma_wait3A_358 = tpu.memref_slice %arg6[%dma_wait3A_350, %dma_wait3A_357] : memref<2x4096xi32, #tpu.memory_space<vmem>> -> memref<1x4096xi32, #tpu.memory_space<vmem>>
    %dma_wait3A_359 = tpu.memref_squeeze %dma_wait3A_358 : memref<1x4096xi32, #tpu.memory_space<vmem>> -> memref<4096xi32, #tpu.memory_space<vmem>>
    %dma_wait3A_360 = arith.constant 0 : i32
    %dma_wait3A_361 = tpu.memref_slice %arg2[%dma_wait3A_348, %dma_wait3A_349, %dma_wait3A_360] : memref<2x8x4096xi32, #tpu.memory_space<hbm>> -> memref<1x1x4096xi32, #tpu.memory_space<hbm>>
    %dma_wait3A_362 = tpu.memref_squeeze %dma_wait3A_361 : memref<1x1x4096xi32, #tpu.memory_space<hbm>> -> memref<4096xi32, #tpu.memory_space<hbm>>
    tpu.wait_dma2 semaphore(%arg9 : memref<!tpu.dma_semaphore, #tpu.memory_space<semaphore_mem>>) src(%dma_wait3A_362 : memref<4096xi32, #tpu.memory_space<hbm>>) dst(%dma_wait3A_359 : memref<4096xi32, #tpu.memory_space<vmem>>)
    %dma_wait3A_363 = arith.constant 1 : i32
    %dma_wait3A_364 = arith.constant 5 : i32
    %dma_wait3A_365 = arith.constant 1 : i32
    %dma_wait3A_366 = arith.constant 0 : i32
    %dma_wait3A_367 = tpu.memref_slice %arg7[%dma_wait3A_365, %dma_wait3A_366] : memref<2x4096xi32, #tpu.memory_space<vmem>> -> memref<1x4096xi32, #tpu.memory_space<vmem>>
    %dma_wait3A_368 = tpu.memref_squeeze %dma_wait3A_367 : memref<1x4096xi32, #tpu.memory_space<vmem>> -> memref<4096xi32, #tpu.memory_space<vmem>>
    %dma_wait3A_369 = arith.constant 0 : i32
    %dma_wait3A_370 = tpu.memref_slice %arg2[%dma_wait3A_363, %dma_wait3A_364, %dma_wait3A_369] : memref<2x8x4096xi32, #tpu.memory_space<hbm>> -> memref<1x1x4096xi32, #tpu.memory_space<hbm>>
    %dma_wait3A_371 = tpu.memref_squeeze %dma_wait3A_370 : memref<1x1x4096xi32, #tpu.memory_space<hbm>> -> memref<4096xi32, #tpu.memory_space<hbm>>
    %dma_wait3A_372 = arith.constant 0 : i32
    %dma_wait3A_373 = tpu.memref_slice %arg7[%dma_wait3A_365, %dma_wait3A_372] : memref<2x4096xi32, #tpu.memory_space<vmem>> -> memref<1x4096xi32, #tpu.memory_space<vmem>>
    %dma_wait3A_374 = tpu.memref_squeeze %dma_wait3A_373 : memref<1x4096xi32, #tpu.memory_space<vmem>> -> memref<4096xi32, #tpu.memory_space<vmem>>
    %dma_wait3A_375 = arith.constant 0 : i32
    %dma_wait3A_376 = tpu.memref_slice %arg2[%dma_wait3A_363, %dma_wait3A_364, %dma_wait3A_375] : memref<2x8x4096xi32, #tpu.memory_space<hbm>> -> memref<1x1x4096xi32, #tpu.memory_space<hbm>>
    %dma_wait3A_377 = tpu.memref_squeeze %dma_wait3A_376 : memref<1x1x4096xi32, #tpu.memory_space<hbm>> -> memref<4096xi32, #tpu.memory_space<hbm>>
    tpu.wait_dma2 semaphore(%arg9 : memref<!tpu.dma_semaphore, #tpu.memory_space<semaphore_mem>>) src(%dma_wait3A_377 : memref<4096xi32, #tpu.memory_space<hbm>>) dst(%dma_wait3A_374 : memref<4096xi32, #tpu.memory_space<vmem>>)
    %dma_start3A_378 = arith.constant 0 : i32
    %dma_start3A_379 = arith.constant 6 : i32
    %dma_start3A_380 = arith.constant 0 : i32
    %dma_start3A_381 = arith.constant 0 : i32
    %dma_start3A_382 = tpu.memref_slice %arg6[%dma_start3A_380, %dma_start3A_381] : memref<2x4096xi32, #tpu.memory_space<vmem>> -> memref<1x4096xi32, #tpu.memory_space<vmem>>
    %dma_start3A_383 = tpu.memref_squeeze %dma_start3A_382 : memref<1x4096xi32, #tpu.memory_space<vmem>> -> memref<4096xi32, #tpu.memory_space<vmem>>
    %dma_start3A_384 = arith.constant 0 : i32
    %dma_start3A_385 = tpu.memref_slice %arg2[%dma_start3A_378, %dma_start3A_379, %dma_start3A_384] : memref<2x8x4096xi32, #tpu.memory_space<hbm>> -> memref<1x1x4096xi32, #tpu.memory_space<hbm>>
    %dma_start3A_386 = tpu.memref_squeeze %dma_start3A_385 : memref<1x1x4096xi32, #tpu.memory_space<hbm>> -> memref<4096xi32, #tpu.memory_space<hbm>>
    %dma_start3A_387 = arith.constant 0 : i32
    %dma_start3A_388 = tpu.memref_slice %arg6[%dma_start3A_380, %dma_start3A_387] : memref<2x4096xi32, #tpu.memory_space<vmem>> -> memref<1x4096xi32, #tpu.memory_space<vmem>>
    %dma_start3A_389 = tpu.memref_squeeze %dma_start3A_388 : memref<1x4096xi32, #tpu.memory_space<vmem>> -> memref<4096xi32, #tpu.memory_space<vmem>>
    %dma_start3A_390 = arith.constant 0 : i32
    %dma_start3A_391 = tpu.memref_slice %arg2[%dma_start3A_378, %dma_start3A_379, %dma_start3A_390] : memref<2x8x4096xi32, #tpu.memory_space<hbm>> -> memref<1x1x4096xi32, #tpu.memory_space<hbm>>
    %dma_start3A_392 = tpu.memref_squeeze %dma_start3A_391 : memref<1x1x4096xi32, #tpu.memory_space<hbm>> -> memref<4096xi32, #tpu.memory_space<hbm>>
    tpu.enqueue_dma source(%dma_start3A_392 : memref<4096xi32, #tpu.memory_space<hbm>>) target(%dma_start3A_389 : memref<4096xi32, #tpu.memory_space<vmem>>) target_semaphore(%arg9 : memref<!tpu.dma_semaphore, #tpu.memory_space<semaphore_mem>>)
    %dma_start3A_393 = arith.constant 1 : i32
    %dma_start3A_394 = arith.constant 6 : i32
    %dma_start3A_395 = arith.constant 0 : i32
    %dma_start3A_396 = arith.constant 0 : i32
    %dma_start3A_397 = tpu.memref_slice %arg7[%dma_start3A_395, %dma_start3A_396] : memref<2x4096xi32, #tpu.memory_space<vmem>> -> memref<1x4096xi32, #tpu.memory_space<vmem>>
    %dma_start3A_398 = tpu.memref_squeeze %dma_start3A_397 : memref<1x4096xi32, #tpu.memory_space<vmem>> -> memref<4096xi32, #tpu.memory_space<vmem>>
    %dma_start3A_399 = arith.constant 0 : i32
    %dma_start3A_400 = tpu.memref_slice %arg2[%dma_start3A_393, %dma_start3A_394, %dma_start3A_399] : memref<2x8x4096xi32, #tpu.memory_space<hbm>> -> memref<1x1x4096xi32, #tpu.memory_space<hbm>>
    %dma_start3A_401 = tpu.memref_squeeze %dma_start3A_400 : memref<1x1x4096xi32, #tpu.memory_space<hbm>> -> memref<4096xi32, #tpu.memory_space<hbm>>
    %dma_start3A_402 = arith.constant 0 : i32
    %dma_start3A_403 = tpu.memref_slice %arg7[%dma_start3A_395, %dma_start3A_402] : memref<2x4096xi32, #tpu.memory_space<vmem>> -> memref<1x4096xi32, #tpu.memory_space<vmem>>
    %dma_start3A_404 = tpu.memref_squeeze %dma_start3A_403 : memref<1x4096xi32, #tpu.memory_space<vmem>> -> memref<4096xi32, #tpu.memory_space<vmem>>
    %dma_start3A_405 = arith.constant 0 : i32
    %dma_start3A_406 = tpu.memref_slice %arg2[%dma_start3A_393, %dma_start3A_394, %dma_start3A_405] : memref<2x8x4096xi32, #tpu.memory_space<hbm>> -> memref<1x1x4096xi32, #tpu.memory_space<hbm>>
    %dma_start3A_407 = tpu.memref_squeeze %dma_start3A_406 : memref<1x1x4096xi32, #tpu.memory_space<hbm>> -> memref<4096xi32, #tpu.memory_space<hbm>>
    tpu.enqueue_dma source(%dma_start3A_407 : memref<4096xi32, #tpu.memory_space<hbm>>) target(%dma_start3A_404 : memref<4096xi32, #tpu.memory_space<vmem>>) target_semaphore(%arg9 : memref<!tpu.dma_semaphore, #tpu.memory_space<semaphore_mem>>)
    %parallel_loop3A_408 = arith.constant 0 : i32
    %parallel_loop3A_409 = arith.constant 4096 : i32
    %parallel_loop3A_410 = arith.constant 16 : i32
    scf.for %parallel_loop3A_526 = %parallel_loop3A_408 to %parallel_loop3A_409 step %parallel_loop3A_410  : i32 {
      %parallel_loop3A_527 = arith.constant 1 : i32
      %parallel_loop3A_528 = arith.index_cast %parallel_loop3A_527 : i32 to index
      %parallel_loop3A_529 = arith.index_cast %parallel_loop3A_526 : i32 to index
      %parallel_loop3A_530 = tpu.vector_load %arg6[%parallel_loop3A_528, %parallel_loop3A_529] {strides = array<i32>} : memref<2x4096xi32, #tpu.memory_space<vmem>>, vector<16xi32>,
      %parallel_loop3A_531 = arith.constant 1 : i32
      %parallel_loop3A_532 = arith.index_cast %parallel_loop3A_531 : i32 to index
      %parallel_loop3A_533 = arith.index_cast %parallel_loop3A_526 : i32 to index
      %parallel_loop3A_534 = tpu.vector_load %arg7[%parallel_loop3A_532, %parallel_loop3A_533] {strides = array<i32>} : memref<2x4096xi32, #tpu.memory_space<vmem>>, vector<16xi32>,
      %parallel_loop3A_535 = arith.constant 2048 : i32
      %parallel_loop3A_536 = vector.broadcast %parallel_loop3A_535 : i32 to vector<16xi32>
      %parallel_loop3A_537 = arith.muli %parallel_loop3A_530, %parallel_loop3A_536 : vector<16xi32>
      %parallel_loop3A_538 = arith.addi %parallel_loop3A_537, %parallel_loop3A_534 : vector<16xi32>
      %parallel_loop3A_539 = arith.constant 20480 : i32
      %parallel_loop3A_540 = arith.addi %parallel_loop3A_539, %parallel_loop3A_526 : i32
      %parallel_loop3A_541 = arith.index_cast %parallel_loop3A_540 : i32 to index
      %parallel_loop3A_542 = tpu.vector_load %arg5[%parallel_loop3A_541] {strides = array<i32>} : memref<32768xi32, #tpu.memory_space<vmem>>, vector<16xi32>,
      tpu.vector_store %arg5[%parallel_loop3A_541], %parallel_loop3A_538 {strides = array<i32>} : memref<32768xi32, #tpu.memory_space<vmem>>, vector<16xi32>,
      %parallel_loop3A_543 = vector.broadcast %multiple_of3A : i32 to vector<16xi32>
      %parallel_loop3A_544 = arith.subi %parallel_loop3A_538, %parallel_loop3A_543 : vector<16xi32>
      %parallel_loop3A_545 = arith.constant 0 : i32
      %parallel_loop3A_546 = vector.broadcast %parallel_loop3A_545 : i32 to vector<16xi32>
      %parallel_loop3A_547 = arith.cmpi sge, %parallel_loop3A_544, %parallel_loop3A_546 : vector<16xi32>
      %parallel_loop3A_548 = arith.constant 65536 : i32
      %parallel_loop3A_549 = vector.broadcast %parallel_loop3A_548 : i32 to vector<16xi32>
      %parallel_loop3A_550 = arith.cmpi slt, %parallel_loop3A_544, %parallel_loop3A_549 : vector<16xi32>
      %parallel_loop3A_551 = arith.andi %parallel_loop3A_547, %parallel_loop3A_550 : vector<16xi1>
      %parallel_loop3A_552 = arith.constant 0 : i32
      %parallel_loop3A_553 = vector.broadcast %parallel_loop3A_552 : i32 to vector<16xi32>
      %parallel_loop3A_554 = arith.select %parallel_loop3A_551, %parallel_loop3A_544, %parallel_loop3A_553 : vector<16xi1>, vector<16xi32>
      %parallel_loop3A_555 = arith.constant 1.000000e+00 : f32
      %parallel_loop3A_556 = vector.broadcast %parallel_loop3A_555 : f32 to vector<16xf32>
      tpu.vector_store_idx %arg4[%parallel_loop3A_554], %parallel_loop3A_556 masked %parallel_loop3A_551 : memref<65536xf32, #tpu.memory_space<vmem>>[vector<16xi32>], vector<16xf32>, vector<16xi1>
    } {sc.loop_unroll_factor = 8 : i64, sc.parallel_access}
    %dma_wait3A_411 = arith.constant 0 : i32
    %dma_wait3A_412 = arith.constant 6 : i32
    %dma_wait3A_413 = arith.constant 0 : i32
    %dma_wait3A_414 = arith.constant 0 : i32
    %dma_wait3A_415 = tpu.memref_slice %arg6[%dma_wait3A_413, %dma_wait3A_414] : memref<2x4096xi32, #tpu.memory_space<vmem>> -> memref<1x4096xi32, #tpu.memory_space<vmem>>
    %dma_wait3A_416 = tpu.memref_squeeze %dma_wait3A_415 : memref<1x4096xi32, #tpu.memory_space<vmem>> -> memref<4096xi32, #tpu.memory_space<vmem>>
    %dma_wait3A_417 = arith.constant 0 : i32
    %dma_wait3A_418 = tpu.memref_slice %arg2[%dma_wait3A_411, %dma_wait3A_412, %dma_wait3A_417] : memref<2x8x4096xi32, #tpu.memory_space<hbm>> -> memref<1x1x4096xi32, #tpu.memory_space<hbm>>
    %dma_wait3A_419 = tpu.memref_squeeze %dma_wait3A_418 : memref<1x1x4096xi32, #tpu.memory_space<hbm>> -> memref<4096xi32, #tpu.memory_space<hbm>>
    %dma_wait3A_420 = arith.constant 0 : i32
    %dma_wait3A_421 = tpu.memref_slice %arg6[%dma_wait3A_413, %dma_wait3A_420] : memref<2x4096xi32, #tpu.memory_space<vmem>> -> memref<1x4096xi32, #tpu.memory_space<vmem>>
    %dma_wait3A_422 = tpu.memref_squeeze %dma_wait3A_421 : memref<1x4096xi32, #tpu.memory_space<vmem>> -> memref<4096xi32, #tpu.memory_space<vmem>>
    %dma_wait3A_423 = arith.constant 0 : i32
    %dma_wait3A_424 = tpu.memref_slice %arg2[%dma_wait3A_411, %dma_wait3A_412, %dma_wait3A_423] : memref<2x8x4096xi32, #tpu.memory_space<hbm>> -> memref<1x1x4096xi32, #tpu.memory_space<hbm>>
    %dma_wait3A_425 = tpu.memref_squeeze %dma_wait3A_424 : memref<1x1x4096xi32, #tpu.memory_space<hbm>> -> memref<4096xi32, #tpu.memory_space<hbm>>
    tpu.wait_dma2 semaphore(%arg9 : memref<!tpu.dma_semaphore, #tpu.memory_space<semaphore_mem>>) src(%dma_wait3A_425 : memref<4096xi32, #tpu.memory_space<hbm>>) dst(%dma_wait3A_422 : memref<4096xi32, #tpu.memory_space<vmem>>)
    %dma_wait3A_426 = arith.constant 1 : i32
    %dma_wait3A_427 = arith.constant 6 : i32
    %dma_wait3A_428 = arith.constant 0 : i32
    %dma_wait3A_429 = arith.constant 0 : i32
    %dma_wait3A_430 = tpu.memref_slice %arg7[%dma_wait3A_428, %dma_wait3A_429] : memref<2x4096xi32, #tpu.memory_space<vmem>> -> memref<1x4096xi32, #tpu.memory_space<vmem>>
    %dma_wait3A_431 = tpu.memref_squeeze %dma_wait3A_430 : memref<1x4096xi32, #tpu.memory_space<vmem>> -> memref<4096xi32, #tpu.memory_space<vmem>>
    %dma_wait3A_432 = arith.constant 0 : i32
    %dma_wait3A_433 = tpu.memref_slice %arg2[%dma_wait3A_426, %dma_wait3A_427, %dma_wait3A_432] : memref<2x8x4096xi32, #tpu.memory_space<hbm>> -> memref<1x1x4096xi32, #tpu.memory_space<hbm>>
    %dma_wait3A_434 = tpu.memref_squeeze %dma_wait3A_433 : memref<1x1x4096xi32, #tpu.memory_space<hbm>> -> memref<4096xi32, #tpu.memory_space<hbm>>
    %dma_wait3A_435 = arith.constant 0 : i32
    %dma_wait3A_436 = tpu.memref_slice %arg7[%dma_wait3A_428, %dma_wait3A_435] : memref<2x4096xi32, #tpu.memory_space<vmem>> -> memref<1x4096xi32, #tpu.memory_space<vmem>>
    %dma_wait3A_437 = tpu.memref_squeeze %dma_wait3A_436 : memref<1x4096xi32, #tpu.memory_space<vmem>> -> memref<4096xi32, #tpu.memory_space<vmem>>
    %dma_wait3A_438 = arith.constant 0 : i32
    %dma_wait3A_439 = tpu.memref_slice %arg2[%dma_wait3A_426, %dma_wait3A_427, %dma_wait3A_438] : memref<2x8x4096xi32, #tpu.memory_space<hbm>> -> memref<1x1x4096xi32, #tpu.memory_space<hbm>>
    %dma_wait3A_440 = tpu.memref_squeeze %dma_wait3A_439 : memref<1x1x4096xi32, #tpu.memory_space<hbm>> -> memref<4096xi32, #tpu.memory_space<hbm>>
    tpu.wait_dma2 semaphore(%arg9 : memref<!tpu.dma_semaphore, #tpu.memory_space<semaphore_mem>>) src(%dma_wait3A_440 : memref<4096xi32, #tpu.memory_space<hbm>>) dst(%dma_wait3A_437 : memref<4096xi32, #tpu.memory_space<vmem>>)
    %dma_start3A_441 = arith.constant 0 : i32
    %dma_start3A_442 = arith.constant 7 : i32
    %dma_start3A_443 = arith.constant 1 : i32
    %dma_start3A_444 = arith.constant 0 : i32
    %dma_start3A_445 = tpu.memref_slice %arg6[%dma_start3A_443, %dma_start3A_444] : memref<2x4096xi32, #tpu.memory_space<vmem>> -> memref<1x4096xi32, #tpu.memory_space<vmem>>
    %dma_start3A_446 = tpu.memref_squeeze %dma_start3A_445 : memref<1x4096xi32, #tpu.memory_space<vmem>> -> memref<4096xi32, #tpu.memory_space<vmem>>
    %dma_start3A_447 = arith.constant 0 : i32
    %dma_start3A_448 = tpu.memref_slice %arg2[%dma_start3A_441, %dma_start3A_442, %dma_start3A_447] : memref<2x8x4096xi32, #tpu.memory_space<hbm>> -> memref<1x1x4096xi32, #tpu.memory_space<hbm>>
    %dma_start3A_449 = tpu.memref_squeeze %dma_start3A_448 : memref<1x1x4096xi32, #tpu.memory_space<hbm>> -> memref<4096xi32, #tpu.memory_space<hbm>>
    %dma_start3A_450 = arith.constant 0 : i32
    %dma_start3A_451 = tpu.memref_slice %arg6[%dma_start3A_443, %dma_start3A_450] : memref<2x4096xi32, #tpu.memory_space<vmem>> -> memref<1x4096xi32, #tpu.memory_space<vmem>>
    %dma_start3A_452 = tpu.memref_squeeze %dma_start3A_451 : memref<1x4096xi32, #tpu.memory_space<vmem>> -> memref<4096xi32, #tpu.memory_space<vmem>>
    %dma_start3A_453 = arith.constant 0 : i32
    %dma_start3A_454 = tpu.memref_slice %arg2[%dma_start3A_441, %dma_start3A_442, %dma_start3A_453] : memref<2x8x4096xi32, #tpu.memory_space<hbm>> -> memref<1x1x4096xi32, #tpu.memory_space<hbm>>
    %dma_start3A_455 = tpu.memref_squeeze %dma_start3A_454 : memref<1x1x4096xi32, #tpu.memory_space<hbm>> -> memref<4096xi32, #tpu.memory_space<hbm>>
    tpu.enqueue_dma source(%dma_start3A_455 : memref<4096xi32, #tpu.memory_space<hbm>>) target(%dma_start3A_452 : memref<4096xi32, #tpu.memory_space<vmem>>) target_semaphore(%arg9 : memref<!tpu.dma_semaphore, #tpu.memory_space<semaphore_mem>>)
    %dma_start3A_456 = arith.constant 1 : i32
    %dma_start3A_457 = arith.constant 7 : i32
    %dma_start3A_458 = arith.constant 1 : i32
    %dma_start3A_459 = arith.constant 0 : i32
    %dma_start3A_460 = tpu.memref_slice %arg7[%dma_start3A_458, %dma_start3A_459] : memref<2x4096xi32, #tpu.memory_space<vmem>> -> memref<1x4096xi32, #tpu.memory_space<vmem>>
    %dma_start3A_461 = tpu.memref_squeeze %dma_start3A_460 : memref<1x4096xi32, #tpu.memory_space<vmem>> -> memref<4096xi32, #tpu.memory_space<vmem>>
    %dma_start3A_462 = arith.constant 0 : i32
    %dma_start3A_463 = tpu.memref_slice %arg2[%dma_start3A_456, %dma_start3A_457, %dma_start3A_462] : memref<2x8x4096xi32, #tpu.memory_space<hbm>> -> memref<1x1x4096xi32, #tpu.memory_space<hbm>>
    %dma_start3A_464 = tpu.memref_squeeze %dma_start3A_463 : memref<1x1x4096xi32, #tpu.memory_space<hbm>> -> memref<4096xi32, #tpu.memory_space<hbm>>
    %dma_start3A_465 = arith.constant 0 : i32
    %dma_start3A_466 = tpu.memref_slice %arg7[%dma_start3A_458, %dma_start3A_465] : memref<2x4096xi32, #tpu.memory_space<vmem>> -> memref<1x4096xi32, #tpu.memory_space<vmem>>
    %dma_start3A_467 = tpu.memref_squeeze %dma_start3A_466 : memref<1x4096xi32, #tpu.memory_space<vmem>> -> memref<4096xi32, #tpu.memory_space<vmem>>
    %dma_start3A_468 = arith.constant 0 : i32
    %dma_start3A_469 = tpu.memref_slice %arg2[%dma_start3A_456, %dma_start3A_457, %dma_start3A_468] : memref<2x8x4096xi32, #tpu.memory_space<hbm>> -> memref<1x1x4096xi32, #tpu.memory_space<hbm>>
    %dma_start3A_470 = tpu.memref_squeeze %dma_start3A_469 : memref<1x1x4096xi32, #tpu.memory_space<hbm>> -> memref<4096xi32, #tpu.memory_space<hbm>>
    tpu.enqueue_dma source(%dma_start3A_470 : memref<4096xi32, #tpu.memory_space<hbm>>) target(%dma_start3A_467 : memref<4096xi32, #tpu.memory_space<vmem>>) target_semaphore(%arg9 : memref<!tpu.dma_semaphore, #tpu.memory_space<semaphore_mem>>)
    %parallel_loop3A_471 = arith.constant 0 : i32
    %parallel_loop3A_472 = arith.constant 4096 : i32
    %parallel_loop3A_473 = arith.constant 16 : i32
    scf.for %parallel_loop3A_526 = %parallel_loop3A_471 to %parallel_loop3A_472 step %parallel_loop3A_473  : i32 {
      %parallel_loop3A_527 = arith.constant 0 : i32
      %parallel_loop3A_528 = arith.index_cast %parallel_loop3A_527 : i32 to index
      %parallel_loop3A_529 = arith.index_cast %parallel_loop3A_526 : i32 to index
      %parallel_loop3A_530 = tpu.vector_load %arg6[%parallel_loop3A_528, %parallel_loop3A_529] {strides = array<i32>} : memref<2x4096xi32, #tpu.memory_space<vmem>>, vector<16xi32>,
      %parallel_loop3A_531 = arith.constant 0 : i32
      %parallel_loop3A_532 = arith.index_cast %parallel_loop3A_531 : i32 to index
      %parallel_loop3A_533 = arith.index_cast %parallel_loop3A_526 : i32 to index
      %parallel_loop3A_534 = tpu.vector_load %arg7[%parallel_loop3A_532, %parallel_loop3A_533] {strides = array<i32>} : memref<2x4096xi32, #tpu.memory_space<vmem>>, vector<16xi32>,
      %parallel_loop3A_535 = arith.constant 2048 : i32
      %parallel_loop3A_536 = vector.broadcast %parallel_loop3A_535 : i32 to vector<16xi32>
      %parallel_loop3A_537 = arith.muli %parallel_loop3A_530, %parallel_loop3A_536 : vector<16xi32>
      %parallel_loop3A_538 = arith.addi %parallel_loop3A_537, %parallel_loop3A_534 : vector<16xi32>
      %parallel_loop3A_539 = arith.constant 24576 : i32
      %parallel_loop3A_540 = arith.addi %parallel_loop3A_539, %parallel_loop3A_526 : i32
      %parallel_loop3A_541 = arith.index_cast %parallel_loop3A_540 : i32 to index
      %parallel_loop3A_542 = tpu.vector_load %arg5[%parallel_loop3A_541] {strides = array<i32>} : memref<32768xi32, #tpu.memory_space<vmem>>, vector<16xi32>,
      tpu.vector_store %arg5[%parallel_loop3A_541], %parallel_loop3A_538 {strides = array<i32>} : memref<32768xi32, #tpu.memory_space<vmem>>, vector<16xi32>,
      %parallel_loop3A_543 = vector.broadcast %multiple_of3A : i32 to vector<16xi32>
      %parallel_loop3A_544 = arith.subi %parallel_loop3A_538, %parallel_loop3A_543 : vector<16xi32>
      %parallel_loop3A_545 = arith.constant 0 : i32
      %parallel_loop3A_546 = vector.broadcast %parallel_loop3A_545 : i32 to vector<16xi32>
      %parallel_loop3A_547 = arith.cmpi sge, %parallel_loop3A_544, %parallel_loop3A_546 : vector<16xi32>
      %parallel_loop3A_548 = arith.constant 65536 : i32
      %parallel_loop3A_549 = vector.broadcast %parallel_loop3A_548 : i32 to vector<16xi32>
      %parallel_loop3A_550 = arith.cmpi slt, %parallel_loop3A_544, %parallel_loop3A_549 : vector<16xi32>
      %parallel_loop3A_551 = arith.andi %parallel_loop3A_547, %parallel_loop3A_550 : vector<16xi1>
      %parallel_loop3A_552 = arith.constant 0 : i32
      %parallel_loop3A_553 = vector.broadcast %parallel_loop3A_552 : i32 to vector<16xi32>
      %parallel_loop3A_554 = arith.select %parallel_loop3A_551, %parallel_loop3A_544, %parallel_loop3A_553 : vector<16xi1>, vector<16xi32>
      %parallel_loop3A_555 = arith.constant 1.000000e+00 : f32
      %parallel_loop3A_556 = vector.broadcast %parallel_loop3A_555 : f32 to vector<16xf32>
      tpu.vector_store_idx %arg4[%parallel_loop3A_554], %parallel_loop3A_556 masked %parallel_loop3A_551 : memref<65536xf32, #tpu.memory_space<vmem>>[vector<16xi32>], vector<16xf32>, vector<16xi1>
    } {sc.loop_unroll_factor = 8 : i64, sc.parallel_access}
    %dma_wait3A_474 = arith.constant 0 : i32
    %dma_wait3A_475 = arith.constant 7 : i32
    %dma_wait3A_476 = arith.constant 1 : i32
    %dma_wait3A_477 = arith.constant 0 : i32
    %dma_wait3A_478 = tpu.memref_slice %arg6[%dma_wait3A_476, %dma_wait3A_477] : memref<2x4096xi32, #tpu.memory_space<vmem>> -> memref<1x4096xi32, #tpu.memory_space<vmem>>
    %dma_wait3A_479 = tpu.memref_squeeze %dma_wait3A_478 : memref<1x4096xi32, #tpu.memory_space<vmem>> -> memref<4096xi32, #tpu.memory_space<vmem>>
    %dma_wait3A_480 = arith.constant 0 : i32
    %dma_wait3A_481 = tpu.memref_slice %arg2[%dma_wait3A_474, %dma_wait3A_475, %dma_wait3A_480] : memref<2x8x4096xi32, #tpu.memory_space<hbm>> -> memref<1x1x4096xi32, #tpu.memory_space<hbm>>
    %dma_wait3A_482 = tpu.memref_squeeze %dma_wait3A_481 : memref<1x1x4096xi32, #tpu.memory_space<hbm>> -> memref<4096xi32, #tpu.memory_space<hbm>>
    %dma_wait3A_483 = arith.constant 0 : i32
    %dma_wait3A_484 = tpu.memref_slice %arg6[%dma_wait3A_476, %dma_wait3A_483] : memref<2x4096xi32, #tpu.memory_space<vmem>> -> memref<1x4096xi32, #tpu.memory_space<vmem>>
    %dma_wait3A_485 = tpu.memref_squeeze %dma_wait3A_484 : memref<1x4096xi32, #tpu.memory_space<vmem>> -> memref<4096xi32, #tpu.memory_space<vmem>>
    %dma_wait3A_486 = arith.constant 0 : i32
    %dma_wait3A_487 = tpu.memref_slice %arg2[%dma_wait3A_474, %dma_wait3A_475, %dma_wait3A_486] : memref<2x8x4096xi32, #tpu.memory_space<hbm>> -> memref<1x1x4096xi32, #tpu.memory_space<hbm>>
    %dma_wait3A_488 = tpu.memref_squeeze %dma_wait3A_487 : memref<1x1x4096xi32, #tpu.memory_space<hbm>> -> memref<4096xi32, #tpu.memory_space<hbm>>
    tpu.wait_dma2 semaphore(%arg9 : memref<!tpu.dma_semaphore, #tpu.memory_space<semaphore_mem>>) src(%dma_wait3A_488 : memref<4096xi32, #tpu.memory_space<hbm>>) dst(%dma_wait3A_485 : memref<4096xi32, #tpu.memory_space<vmem>>)
    %dma_wait3A_489 = arith.constant 1 : i32
    %dma_wait3A_490 = arith.constant 7 : i32
    %dma_wait3A_491 = arith.constant 1 : i32
    %dma_wait3A_492 = arith.constant 0 : i32
    %dma_wait3A_493 = tpu.memref_slice %arg7[%dma_wait3A_491, %dma_wait3A_492] : memref<2x4096xi32, #tpu.memory_space<vmem>> -> memref<1x4096xi32, #tpu.memory_space<vmem>>
    %dma_wait3A_494 = tpu.memref_squeeze %dma_wait3A_493 : memref<1x4096xi32, #tpu.memory_space<vmem>> -> memref<4096xi32, #tpu.memory_space<vmem>>
    %dma_wait3A_495 = arith.constant 0 : i32
    %dma_wait3A_496 = tpu.memref_slice %arg2[%dma_wait3A_489, %dma_wait3A_490, %dma_wait3A_495] : memref<2x8x4096xi32, #tpu.memory_space<hbm>> -> memref<1x1x4096xi32, #tpu.memory_space<hbm>>
    %dma_wait3A_497 = tpu.memref_squeeze %dma_wait3A_496 : memref<1x1x4096xi32, #tpu.memory_space<hbm>> -> memref<4096xi32, #tpu.memory_space<hbm>>
    %dma_wait3A_498 = arith.constant 0 : i32
    %dma_wait3A_499 = tpu.memref_slice %arg7[%dma_wait3A_491, %dma_wait3A_498] : memref<2x4096xi32, #tpu.memory_space<vmem>> -> memref<1x4096xi32, #tpu.memory_space<vmem>>
    %dma_wait3A_500 = tpu.memref_squeeze %dma_wait3A_499 : memref<1x4096xi32, #tpu.memory_space<vmem>> -> memref<4096xi32, #tpu.memory_space<vmem>>
    %dma_wait3A_501 = arith.constant 0 : i32
    %dma_wait3A_502 = tpu.memref_slice %arg2[%dma_wait3A_489, %dma_wait3A_490, %dma_wait3A_501] : memref<2x8x4096xi32, #tpu.memory_space<hbm>> -> memref<1x1x4096xi32, #tpu.memory_space<hbm>>
    %dma_wait3A_503 = tpu.memref_squeeze %dma_wait3A_502 : memref<1x1x4096xi32, #tpu.memory_space<hbm>> -> memref<4096xi32, #tpu.memory_space<hbm>>
    tpu.wait_dma2 semaphore(%arg9 : memref<!tpu.dma_semaphore, #tpu.memory_space<semaphore_mem>>) src(%dma_wait3A_503 : memref<4096xi32, #tpu.memory_space<hbm>>) dst(%dma_wait3A_500 : memref<4096xi32, #tpu.memory_space<vmem>>)
    %parallel_loop3A_504 = arith.constant 0 : i32
    %parallel_loop3A_505 = arith.constant 4096 : i32
    %parallel_loop3A_506 = arith.constant 16 : i32
    scf.for %parallel_loop3A_526 = %parallel_loop3A_504 to %parallel_loop3A_505 step %parallel_loop3A_506  : i32 {
      %parallel_loop3A_527 = arith.constant 1 : i32
      %parallel_loop3A_528 = arith.index_cast %parallel_loop3A_527 : i32 to index
      %parallel_loop3A_529 = arith.index_cast %parallel_loop3A_526 : i32 to index
      %parallel_loop3A_530 = tpu.vector_load %arg6[%parallel_loop3A_528, %parallel_loop3A_529] {strides = array<i32>} : memref<2x4096xi32, #tpu.memory_space<vmem>>, vector<16xi32>,
      %parallel_loop3A_531 = arith.constant 1 : i32
      %parallel_loop3A_532 = arith.index_cast %parallel_loop3A_531 : i32 to index
      %parallel_loop3A_533 = arith.index_cast %parallel_loop3A_526 : i32 to index
      %parallel_loop3A_534 = tpu.vector_load %arg7[%parallel_loop3A_532, %parallel_loop3A_533] {strides = array<i32>} : memref<2x4096xi32, #tpu.memory_space<vmem>>, vector<16xi32>,
      %parallel_loop3A_535 = arith.constant 2048 : i32
      %parallel_loop3A_536 = vector.broadcast %parallel_loop3A_535 : i32 to vector<16xi32>
      %parallel_loop3A_537 = arith.muli %parallel_loop3A_530, %parallel_loop3A_536 : vector<16xi32>
      %parallel_loop3A_538 = arith.addi %parallel_loop3A_537, %parallel_loop3A_534 : vector<16xi32>
      %parallel_loop3A_539 = arith.constant 28672 : i32
      %parallel_loop3A_540 = arith.addi %parallel_loop3A_539, %parallel_loop3A_526 : i32
      %parallel_loop3A_541 = arith.index_cast %parallel_loop3A_540 : i32 to index
      %parallel_loop3A_542 = tpu.vector_load %arg5[%parallel_loop3A_541] {strides = array<i32>} : memref<32768xi32, #tpu.memory_space<vmem>>, vector<16xi32>,
      tpu.vector_store %arg5[%parallel_loop3A_541], %parallel_loop3A_538 {strides = array<i32>} : memref<32768xi32, #tpu.memory_space<vmem>>, vector<16xi32>,
      %parallel_loop3A_543 = vector.broadcast %multiple_of3A : i32 to vector<16xi32>
      %parallel_loop3A_544 = arith.subi %parallel_loop3A_538, %parallel_loop3A_543 : vector<16xi32>
      %parallel_loop3A_545 = arith.constant 0 : i32
      %parallel_loop3A_546 = vector.broadcast %parallel_loop3A_545 : i32 to vector<16xi32>
      %parallel_loop3A_547 = arith.cmpi sge, %parallel_loop3A_544, %parallel_loop3A_546 : vector<16xi32>
      %parallel_loop3A_548 = arith.constant 65536 : i32
      %parallel_loop3A_549 = vector.broadcast %parallel_loop3A_548 : i32 to vector<16xi32>
      %parallel_loop3A_550 = arith.cmpi slt, %parallel_loop3A_544, %parallel_loop3A_549 : vector<16xi32>
      %parallel_loop3A_551 = arith.andi %parallel_loop3A_547, %parallel_loop3A_550 : vector<16xi1>
      %parallel_loop3A_552 = arith.constant 0 : i32
      %parallel_loop3A_553 = vector.broadcast %parallel_loop3A_552 : i32 to vector<16xi32>
      %parallel_loop3A_554 = arith.select %parallel_loop3A_551, %parallel_loop3A_544, %parallel_loop3A_553 : vector<16xi1>, vector<16xi32>
      %parallel_loop3A_555 = arith.constant 1.000000e+00 : f32
      %parallel_loop3A_556 = vector.broadcast %parallel_loop3A_555 : f32 to vector<16xf32>
      tpu.vector_store_idx %arg4[%parallel_loop3A_554], %parallel_loop3A_556 masked %parallel_loop3A_551 : memref<65536xf32, #tpu.memory_space<vmem>>[vector<16xi32>], vector<16xf32>, vector<16xi1>
    } {sc.loop_unroll_factor = 8 : i64, sc.parallel_access}
    %dma_start3A_507 = tpu.memref_slice %arg3[%multiple_of3A] : memref<4194304xf32, #tpu.memory_space<hbm>> -> memref<65536xf32, #tpu.memory_space<hbm>>
    %dma_start3A_508 = tpu.memref_slice %arg3[%multiple_of3A] : memref<4194304xf32, #tpu.memory_space<hbm>> -> memref<65536xf32, #tpu.memory_space<hbm>>
    tpu.enqueue_dma source(%arg4 : memref<65536xf32, #tpu.memory_space<vmem>>) target(%dma_start3A_508 : memref<65536xf32, #tpu.memory_space<hbm>>) target_semaphore(%arg8 : memref<!tpu.dma_semaphore, #tpu.memory_space<semaphore_mem>>)
    %dma_wait3A_509 = tpu.memref_slice %arg3[%multiple_of3A] : memref<4194304xf32, #tpu.memory_space<hbm>> -> memref<65536xf32, #tpu.memory_space<hbm>>
    %dma_wait3A_510 = tpu.memref_slice %arg3[%multiple_of3A] : memref<4194304xf32, #tpu.memory_space<hbm>> -> memref<65536xf32, #tpu.memory_space<hbm>>
    tpu.wait_dma2 semaphore(%arg8 : memref<!tpu.dma_semaphore, #tpu.memory_space<semaphore_mem>>) src(%arg4 : memref<65536xf32, #tpu.memory_space<vmem>>) dst(%dma_wait3A_510 : memref<65536xf32, #tpu.memory_space<hbm>>)
    %add3A_511 = arith.constant 32 : i32
    %add3A_512 = arith.addi %add3A_511, %add3A : i32
    %mul3A_513 = arith.constant 65536 : i32
    %mul3A_514 = arith.muli %add3A_512, %mul3A_513 : i32
    %multiple_of3A_515 = tpu.assume_multiple %mul3A_514, 65536 : i32
    %parallel_loop3A_516 = arith.constant 0 : i32
    %parallel_loop3A_517 = arith.constant 65536 : i32
    %parallel_loop3A_518 = arith.constant 16 : i32
    scf.for %parallel_loop3A_526 = %parallel_loop3A_516 to %parallel_loop3A_517 step %parallel_loop3A_518  : i32 {
      %parallel_loop3A_527 = arith.constant 0.000000e+00 : f32
      %parallel_loop3A_528 = vector.broadcast %parallel_loop3A_527 : f32 to vector<16xf32>
      %parallel_loop3A_529 = arith.index_cast %parallel_loop3A_526 : i32 to index
      %parallel_loop3A_530 = tpu.vector_load %arg4[%parallel_loop3A_529] {strides = array<i32>} : memref<65536xf32, #tpu.memory_space<vmem>>, vector<16xf32>,
      tpu.vector_store %arg4[%parallel_loop3A_529], %parallel_loop3A_528 {strides = array<i32>} : memref<65536xf32, #tpu.memory_space<vmem>>, vector<16xf32>,
    } {sc.loop_unroll_factor = 8 : i64, sc.parallel_access}
    %parallel_loop3A_519 = arith.constant 0 : i32
    %parallel_loop3A_520 = arith.constant 32768 : i32
    %parallel_loop3A_521 = arith.constant 16 : i32
    scf.for %parallel_loop3A_526 = %parallel_loop3A_519 to %parallel_loop3A_520 step %parallel_loop3A_521  : i32 {
      %parallel_loop3A_527 = arith.index_cast %parallel_loop3A_526 : i32 to index
      %parallel_loop3A_528 = tpu.vector_load %arg5[%parallel_loop3A_527] {strides = array<i32>} : memref<32768xi32, #tpu.memory_space<vmem>>, vector<16xi32>,
      %parallel_loop3A_529 = vector.broadcast %multiple_of3A_515 : i32 to vector<16xi32>
      %parallel_loop3A_530 = arith.subi %parallel_loop3A_528, %parallel_loop3A_529 : vector<16xi32>
      %parallel_loop3A_531 = arith.constant 0 : i32
      %parallel_loop3A_532 = vector.broadcast %parallel_loop3A_531 : i32 to vector<16xi32>
      %parallel_loop3A_533 = arith.cmpi sge, %parallel_loop3A_530, %parallel_loop3A_532 : vector<16xi32>
      %parallel_loop3A_534 = arith.constant 65536 : i32
      %parallel_loop3A_535 = vector.broadcast %parallel_loop3A_534 : i32 to vector<16xi32>
      %parallel_loop3A_536 = arith.cmpi slt, %parallel_loop3A_530, %parallel_loop3A_535 : vector<16xi32>
      %parallel_loop3A_537 = arith.andi %parallel_loop3A_533, %parallel_loop3A_536 : vector<16xi1>
      %parallel_loop3A_538 = arith.constant 0 : i32
      %parallel_loop3A_539 = vector.broadcast %parallel_loop3A_538 : i32 to vector<16xi32>
      %parallel_loop3A_540 = arith.select %parallel_loop3A_537, %parallel_loop3A_530, %parallel_loop3A_539 : vector<16xi1>, vector<16xi32>
      %parallel_loop3A_541 = arith.constant 1.000000e+00 : f32
      %parallel_loop3A_542 = vector.broadcast %parallel_loop3A_541 : f32 to vector<16xf32>
      tpu.vector_store_idx %arg4[%parallel_loop3A_540], %parallel_loop3A_542 masked %parallel_loop3A_537 : memref<65536xf32, #tpu.memory_space<vmem>>[vector<16xi32>], vector<16xf32>, vector<16xi1>
    } {sc.loop_unroll_factor = 8 : i64, sc.parallel_access}
    %dma_start3A_522 = tpu.memref_slice %arg3[%multiple_of3A_515] : memref<4194304xf32, #tpu.memory_space<hbm>> -> memref<65536xf32, #tpu.memory_space<hbm>>
    %dma_start3A_523 = tpu.memref_slice %arg3[%multiple_of3A_515] : memref<4194304xf32, #tpu.memory_space<hbm>> -> memref<65536xf32, #tpu.memory_space<hbm>>
    tpu.enqueue_dma source(%arg4 : memref<65536xf32, #tpu.memory_space<vmem>>) target(%dma_start3A_523 : memref<65536xf32, #tpu.memory_space<hbm>>) target_semaphore(%arg8 : memref<!tpu.dma_semaphore, #tpu.memory_space<semaphore_mem>>)
    %dma_wait3A_524 = tpu.memref_slice %arg3[%multiple_of3A_515] : memref<4194304xf32, #tpu.memory_space<hbm>> -> memref<65536xf32, #tpu.memory_space<hbm>>
    %dma_wait3A_525 = tpu.memref_slice %arg3[%multiple_of3A_515] : memref<4194304xf32, #tpu.memory_space<hbm>> -> memref<65536xf32, #tpu.memory_space<hbm>>
    tpu.wait_dma2 semaphore(%arg8 : memref<!tpu.dma_semaphore, #tpu.memory_space<semaphore_mem>>) src(%arg4 : memref<65536xf32, #tpu.memory_space<vmem>>) dst(%dma_wait3A_525 : memref<65536xf32, #tpu.memory_space<hbm>>)
    return
  }
}

module attributes {stable_mosaic.version = 14 : i64} {
  func.func @_proj_body(%arg0: i32, %arg1: memref<1x2048x256xf32, #tpu.memory_space<vmem>>, %arg2: memref<256x256xf32, #tpu.memory_space<vmem>>, %arg3: memref<1x256xf32, #tpu.memory_space<vmem>>, %arg4: memref<256x256xf32, #tpu.memory_space<vmem>>, %arg5: memref<1x256xf32, #tpu.memory_space<vmem>>, %arg6: memref<256x256xf32, #tpu.memory_space<vmem>>, %arg7: memref<1x256xf32, #tpu.memory_space<vmem>>, %arg8: memref<128x256xf32, #tpu.memory_space<vmem>>, %arg9: memref<1x128xf32, #tpu.memory_space<vmem>>, %arg10: memref<1x128xf32, #tpu.memory_space<vmem>>, %arg11: memref<1x1xf32, #tpu.memory_space<vmem>>, %arg12: memref<1x2048x256xf32, #tpu.memory_space<vmem>>, %arg13: memref<1x2048x256xf32, #tpu.memory_space<vmem>>, %arg14: memref<1x2048x256xf32, #tpu.memory_space<vmem>>, %arg15: memref<1x1x2048xf32, #tpu.memory_space<vmem>>) attributes {dimension_semantics = [#tpu.dimension_semantics<arbitrary>], iteration_bounds = array<i64: 2>, scalar_prefetch = 0 : i64, scratch_operands = 0 : i64, tpu.core_type = #tpu.core_type<tc>, window_params = [{transform_indices = @transform_0, window_bounds = array<i64: 1, 2048, 256>}, {pipeline_mode = #tpu.pipeline_mode<synchronous>, transform_indices = @transform_1, window_bounds = array<i64: 256, 256>}, {pipeline_mode = #tpu.pipeline_mode<synchronous>, transform_indices = @transform_2, window_bounds = array<i64: 1, 256>}, {pipeline_mode = #tpu.pipeline_mode<synchronous>, transform_indices = @transform_3, window_bounds = array<i64: 256, 256>}, {pipeline_mode = #tpu.pipeline_mode<synchronous>, transform_indices = @transform_4, window_bounds = array<i64: 1, 256>}, {pipeline_mode = #tpu.pipeline_mode<synchronous>, transform_indices = @transform_5, window_bounds = array<i64: 256, 256>}, {pipeline_mode = #tpu.pipeline_mode<synchronous>, transform_indices = @transform_6, window_bounds = array<i64: 1, 256>}, {pipeline_mode = #tpu.pipeline_mode<synchronous>, transform_indices = @transform_7, window_bounds = array<i64: 128, 256>}, {pipeline_mode = #tpu.pipeline_mode<synchronous>, transform_indices = @transform_8, window_bounds = array<i64: 1, 128>}, {pipeline_mode = #tpu.pipeline_mode<synchronous>, transform_indices = @transform_9, window_bounds = array<i64: 1, 128>}, {pipeline_mode = #tpu.pipeline_mode<synchronous>, transform_indices = @transform_10, window_bounds = array<i64: 1, 1>}, {transform_indices = @transform_11, window_bounds = array<i64: 1, 2048, 256>}, {transform_indices = @transform_12, window_bounds = array<i64: 1, 2048, 256>}, {transform_indices = @transform_13, window_bounds = array<i64: 1, 2048, 256>}, {transform_indices = @transform_14, window_bounds = array<i64: 1, 1, 2048>}]} {
    %get3A = arith.constant 0 : index
    %get3A_0 = arith.constant 0 : index
    %get3A_1 = arith.constant 0 : index
    %get3A_2 = vector.load %arg1[%get3A, %get3A_0, %get3A_1] : memref<1x2048x256xf32, #tpu.memory_space<vmem>>, vector<1x2048x256xf32>
    %get3A_3 = vector.shape_cast %get3A_2 : vector<1x2048x256xf32> to vector<2048x256xf32>
    %get3A_4 = arith.constant 0 : index
    %get3A_5 = arith.constant 0 : index
    %get3A_6 = vector.load %arg2[%get3A_4, %get3A_5] : memref<256x256xf32, #tpu.memory_space<vmem>>, vector<256x256xf32>
    %dot_general3A = arith.constant dense<0.000000e+00> : vector<2048x256xf32>
    %dot_general3A_7 = tpu.matmul %get3A_3, %get3A_6, %dot_general3A {dimension_numbers = #tpu.dot_dimension_numbers<[1], [1], [0], [0], [0, 0, 1, 0], [], []>, transpose_lhs_hint = false} : vector<2048x256xf32>, vector<256x256xf32>, vector<2048x256xf32> -> vector<2048x256xf32>
    %get3A_8 = arith.constant 0 : index
    %get3A_9 = arith.constant 0 : index
    %get3A_10 = vector.load %arg3[%get3A_8, %get3A_9] : memref<1x256xf32, #tpu.memory_space<vmem>>, vector<1x256xf32>
    %add3A = vector.broadcast %get3A_10 : vector<1x256xf32> to vector<2048x256xf32>
    %add3A_11 = arith.addf %dot_general3A_7, %add3A : vector<2048x256xf32>
    %swap3A = arith.constant 0 : index
    %swap3A_12 = arith.constant 0 : index
    %swap3A_13 = arith.constant 0 : index
    %swap3A_14 = vector.load %arg12[%swap3A, %swap3A_12, %swap3A_13] : memref<1x2048x256xf32, #tpu.memory_space<vmem>>, vector<1x2048x256xf32>
    %swap3A_15 = vector.shape_cast %swap3A_14 : vector<1x2048x256xf32> to vector<2048x256xf32>
    %swap3A_16 = vector.shape_cast %add3A_11 : vector<2048x256xf32> to vector<1x2048x256xf32>
    tpu.vector_store %arg12[%swap3A, %swap3A_12, %swap3A_13], %swap3A_16 {strides = array<i32>} : memref<1x2048x256xf32, #tpu.memory_space<vmem>>, vector<1x2048x256xf32>,
    %get3A_17 = arith.constant 0 : index
    %get3A_18 = arith.constant 0 : index
    %get3A_19 = vector.load %arg4[%get3A_17, %get3A_18] : memref<256x256xf32, #tpu.memory_space<vmem>>, vector<256x256xf32>
    %dot_general3A_20 = arith.constant dense<0.000000e+00> : vector<2048x256xf32>
    %dot_general3A_21 = tpu.matmul %get3A_3, %get3A_19, %dot_general3A_20 {dimension_numbers = #tpu.dot_dimension_numbers<[1], [1], [0], [0], [0, 0, 1, 0], [], []>, transpose_lhs_hint = false} : vector<2048x256xf32>, vector<256x256xf32>, vector<2048x256xf32> -> vector<2048x256xf32>
    %get3A_22 = arith.constant 0 : index
    %get3A_23 = arith.constant 0 : index
    %get3A_24 = vector.load %arg5[%get3A_22, %get3A_23] : memref<1x256xf32, #tpu.memory_space<vmem>>, vector<1x256xf32>
    %add3A_25 = vector.broadcast %get3A_24 : vector<1x256xf32> to vector<2048x256xf32>
    %add3A_26 = arith.addf %dot_general3A_21, %add3A_25 : vector<2048x256xf32>
    %swap3A_27 = arith.constant 0 : index
    %swap3A_28 = arith.constant 0 : index
    %swap3A_29 = arith.constant 0 : index
    %swap3A_30 = vector.load %arg13[%swap3A_27, %swap3A_28, %swap3A_29] : memref<1x2048x256xf32, #tpu.memory_space<vmem>>, vector<1x2048x256xf32>
    %swap3A_31 = vector.shape_cast %swap3A_30 : vector<1x2048x256xf32> to vector<2048x256xf32>
    %swap3A_32 = vector.shape_cast %add3A_26 : vector<2048x256xf32> to vector<1x2048x256xf32>
    tpu.vector_store %arg13[%swap3A_27, %swap3A_28, %swap3A_29], %swap3A_32 {strides = array<i32>} : memref<1x2048x256xf32, #tpu.memory_space<vmem>>, vector<1x2048x256xf32>,
    %get3A_33 = arith.constant 0 : index
    %get3A_34 = arith.constant 0 : index
    %get3A_35 = vector.load %arg6[%get3A_33, %get3A_34] : memref<256x256xf32, #tpu.memory_space<vmem>>, vector<256x256xf32>
    %dot_general3A_36 = arith.constant dense<0.000000e+00> : vector<2048x256xf32>
    %dot_general3A_37 = tpu.matmul %get3A_3, %get3A_35, %dot_general3A_36 {dimension_numbers = #tpu.dot_dimension_numbers<[1], [1], [0], [0], [0, 0, 1, 0], [], []>, transpose_lhs_hint = false} : vector<2048x256xf32>, vector<256x256xf32>, vector<2048x256xf32> -> vector<2048x256xf32>
    %get3A_38 = arith.constant 0 : index
    %get3A_39 = arith.constant 0 : index
    %get3A_40 = vector.load %arg7[%get3A_38, %get3A_39] : memref<1x256xf32, #tpu.memory_space<vmem>>, vector<1x256xf32>
    %add3A_41 = vector.broadcast %get3A_40 : vector<1x256xf32> to vector<2048x256xf32>
    %add3A_42 = arith.addf %dot_general3A_37, %add3A_41 : vector<2048x256xf32>
    %swap3A_43 = arith.constant 0 : index
    %swap3A_44 = arith.constant 0 : index
    %swap3A_45 = arith.constant 0 : index
    %swap3A_46 = vector.load %arg14[%swap3A_43, %swap3A_44, %swap3A_45] : memref<1x2048x256xf32, #tpu.memory_space<vmem>>, vector<1x2048x256xf32>
    %swap3A_47 = vector.shape_cast %swap3A_46 : vector<1x2048x256xf32> to vector<2048x256xf32>
    %swap3A_48 = vector.shape_cast %add3A_42 : vector<2048x256xf32> to vector<1x2048x256xf32>
    tpu.vector_store %arg14[%swap3A_43, %swap3A_44, %swap3A_45], %swap3A_48 {strides = array<i32>} : memref<1x2048x256xf32, #tpu.memory_space<vmem>>, vector<1x2048x256xf32>,
    %get3A_49 = arith.constant 0 : index
    %get3A_50 = arith.constant 0 : index
    %get3A_51 = vector.load %arg8[%get3A_49, %get3A_50] : memref<128x256xf32, #tpu.memory_space<vmem>>, vector<128x256xf32>
    %dot_general3A_52 = arith.constant dense<0.000000e+00> : vector<2048x128xf32>
    %dot_general3A_53 = tpu.matmul %get3A_3, %get3A_51, %dot_general3A_52 {dimension_numbers = #tpu.dot_dimension_numbers<[1], [1], [0], [0], [0, 0, 1, 0], [], []>, transpose_lhs_hint = false} : vector<2048x256xf32>, vector<128x256xf32>, vector<2048x128xf32> -> vector<2048x128xf32>
    %get3A_54 = arith.constant 0 : index
    %get3A_55 = arith.constant 0 : index
    %get3A_56 = vector.load %arg9[%get3A_54, %get3A_55] : memref<1x128xf32, #tpu.memory_space<vmem>>, vector<1x128xf32>
    %add3A_57 = vector.broadcast %get3A_56 : vector<1x128xf32> to vector<2048x128xf32>
    %add3A_58 = arith.addf %dot_general3A_53, %add3A_57 : vector<2048x128xf32>
    %max3A = arith.constant 0.000000e+00 : f32
    %max3A_59 = vector.broadcast %max3A : f32 to vector<2048x128xf32>
    %max3A_60 = arith.maximumf %add3A_58, %max3A_59 : vector<2048x128xf32>
    %get3A_61 = arith.constant 0 : index
    %get3A_62 = arith.constant 0 : index
    %get3A_63 = vector.load %arg10[%get3A_61, %get3A_62] : memref<1x128xf32, #tpu.memory_space<vmem>>, vector<1x128xf32>
    %dot_general3A_64 = arith.constant dense<0.000000e+00> : vector<1x2048xf32>
    %dot_general3A_65 = tpu.matmul %get3A_63, %max3A_60, %dot_general3A_64 {dimension_numbers = #tpu.dot_dimension_numbers<[1], [1], [0], [0], [0, 0, 1, 0], [], []>, transpose_lhs_hint = false} : vector<1x128xf32>, vector<2048x128xf32>, vector<1x2048xf32> -> vector<1x2048xf32>
    %get3A_66 = arith.constant 0 : index
    %get3A_67 = arith.constant 0 : index
    %get3A_68 = vector.load %arg11[%get3A_66, %get3A_67] : memref<1x1xf32, #tpu.memory_space<vmem>>, vector<1x1xf32>
    %add3A_69 = vector.broadcast %get3A_68 : vector<1x1xf32> to vector<1x2048xf32>
    %add3A_70 = arith.addf %dot_general3A_65, %add3A_69 : vector<1x2048xf32>
    %bitcast_convert_type3A = tpu.bitcast %add3A_70 : vector<1x2048xf32> -> vector<1x2048xi32>
    %lt3A = arith.constant 0 : i32
    %lt3A_71 = vector.broadcast %lt3A : i32 to vector<1x2048xi32>
    %lt3A_72 = arith.cmpi slt, %bitcast_convert_type3A, %lt3A_71 : vector<1x2048xi32>
    %xor3A = arith.constant 2147483647 : i32
    %xor3A_73 = vector.broadcast %xor3A : i32 to vector<1x2048xi32>
    %xor3A_74 = arith.xori %bitcast_convert_type3A, %xor3A_73 : vector<1x2048xi32>
    %select_n3A = arith.select %lt3A_72, %xor3A_74, %bitcast_convert_type3A : vector<1x2048xi1>, vector<1x2048xi32>
    %ge3A = arith.constant 0 : i32
    %ge3A_75 = vector.broadcast %ge3A : i32 to vector<1x2048xi32>
    %ge3A_76 = arith.cmpi sge, %select_n3A, %ge3A_75 : vector<1x2048xi32>
    %convert_element_type3A = arith.extui %ge3A_76 : vector<1x2048xi1> to vector<1x2048xi32>
    %reduce_sum3A = vector.shape_cast %convert_element_type3A : vector<1x2048xi32> to vector<1x1x2048xi32>
    %reduce_sum3A_77 = arith.constant dense<0> : vector<1xi32>
    %reduce_sum3A_78 = vector.multi_reduction <add>, %reduce_sum3A, %reduce_sum3A_77 [1, 2] : vector<1x1x2048xi32> to vector<1xi32>
    %reduce_sum3A_79 = vector.shape_cast %reduce_sum3A_78 : vector<1xi32> to vector<1x1x1xi32>
    %reduce_sum3A_80 = vector.extract %reduce_sum3A_79[0, 0, 0] : i32 from vector<1x1x1xi32>
    %ge3A_81 = arith.constant 1024 : i32
    %ge3A_82 = arith.cmpi sge, %reduce_sum3A_80, %ge3A_81 : i32
    %jit3A = arith.constant 0 : i32
    %jit3A_83 = arith.constant -2147483648 : i32
    %select_n3A_84 = arith.select %ge3A_82, %jit3A, %jit3A_83 : i32
    %scan3A = arith.constant 0 : i32
    %scan3A_85 = arith.constant 31 : i32
    %scan3A_86 = arith.addi %scan3A, %scan3A_85 : i32
    %scan3A_87 = arith.constant 1 : i32
    %scan3A_88 = scf.for %scan3A_118 = %scan3A to %scan3A_86 step %scan3A_87 iter_args(%scan3A_119 = %select_n3A_84) -> (i32)  : i32 {
      %sub3A_120 = arith.constant 30 : i32
      %sub3A_121 = arith.subi %sub3A_120, %scan3A_118 : i32
      %shift_left3A = arith.constant 1 : i32
      %shift_left3A_122 = arith.shli %shift_left3A, %sub3A_121 : i32
      %or3A_123 = arith.ori %scan3A_119, %shift_left3A_122 : i32
      %ge3A_124 = vector.broadcast %or3A_123 : i32 to vector<1x2048xi32>
      %ge3A_125 = arith.cmpi sge, %select_n3A, %ge3A_124 : vector<1x2048xi32>
      %convert_element_type3A_126 = arith.extui %ge3A_125 : vector<1x2048xi1> to vector<1x2048xi32>
      %reduce_sum3A_127 = vector.shape_cast %convert_element_type3A_126 : vector<1x2048xi32> to vector<1x1x2048xi32>
      %reduce_sum3A_128 = arith.constant dense<0> : vector<1xi32>
      %reduce_sum3A_129 = vector.multi_reduction <add>, %reduce_sum3A_127, %reduce_sum3A_128 [1, 2] : vector<1x1x2048xi32> to vector<1xi32>
      %reduce_sum3A_130 = vector.shape_cast %reduce_sum3A_129 : vector<1xi32> to vector<1x1x1xi32>
      %reduce_sum3A_131 = vector.extract %reduce_sum3A_130[0, 0, 0] : i32 from vector<1x1x1xi32>
      %ge3A_132 = arith.constant 1024 : i32
      %ge3A_133 = arith.cmpi sge, %reduce_sum3A_131, %ge3A_132 : i32
      %select_n3A_134 = arith.select %ge3A_133, %or3A_123, %scan3A_119 : i32
      scf.yield %select_n3A_134 : i32
    }
    %scan3A_89 = arith.constant 31 : i32
    %gt3A = vector.broadcast %scan3A_88 : i32 to vector<1x2048xi32>
    %gt3A_90 = arith.cmpi sgt, %select_n3A, %gt3A : vector<1x2048xi32>
    %convert_element_type3A_91 = arith.extui %gt3A_90 : vector<1x2048xi1> to vector<1x2048xi32>
    %reduce_sum3A_92 = vector.shape_cast %convert_element_type3A_91 : vector<1x2048xi32> to vector<1x1x2048xi32>
    %reduce_sum3A_93 = arith.constant dense<0> : vector<1xi32>
    %reduce_sum3A_94 = vector.multi_reduction <add>, %reduce_sum3A_92, %reduce_sum3A_93 [1, 2] : vector<1x1x2048xi32> to vector<1xi32>
    %reduce_sum3A_95 = vector.shape_cast %reduce_sum3A_94 : vector<1xi32> to vector<1x1x1xi32>
    %reduce_sum3A_96 = vector.extract %reduce_sum3A_95[0, 0, 0] : i32 from vector<1x1x1xi32>
    %sub3A = arith.constant 1024 : i32
    %sub3A_97 = arith.subi %sub3A, %reduce_sum3A_96 : i32
    %eq3A = vector.broadcast %scan3A_88 : i32 to vector<1x2048xi32>
    %eq3A_98 = arith.cmpi eq, %select_n3A, %eq3A : vector<1x2048xi32>
    %iota3A = tpu.iota {dimensions = array<i32: 1>} : vector<1x2048xi32>
    %scan3A_99 = arith.constant 0 : i32
    %scan3A_100 = arith.constant 2048 : i32
    %scan3A_101 = arith.constant 0 : i32
    %scan3A_102 = arith.constant 12 : i32
    %scan3A_103 = arith.addi %scan3A_101, %scan3A_102 : i32
    %scan3A_104 = arith.constant 1 : i32
    %scan3A_105:2 = scf.for %scan3A_118 = %scan3A_101 to %scan3A_103 step %scan3A_104 iter_args(%scan3A_119 = %scan3A_99, %scan3A_120 = %scan3A_100) -> (i32, i32)  : i32 {
      %add3A_121 = arith.addi %scan3A_119, %scan3A_120 : i32
      %jit3A_122 = arith.constant 2 : i32
      %div3A = arith.divsi %add3A_121, %jit3A_122 : i32
      %sign3A = arith.constant 0 : i32
      %sign3A_123 = arith.cmpi sgt, %add3A_121, %sign3A : i32
      %sign3A_124 = arith.extui %sign3A_123 : i1 to i32
      %sign3A_125 = arith.constant 0 : i32
      %sign3A_126 = arith.cmpi slt, %add3A_121, %sign3A_125 : i32
      %sign3A_127 = arith.extui %sign3A_126 : i1 to i32
      %sign3A_128 = arith.subi %sign3A_124, %sign3A_127 : i32
      %sign3A_129 = arith.constant 0 : i32
      %sign3A_130 = arith.cmpi sgt, %jit3A_122, %sign3A_129 : i32
      %sign3A_131 = arith.extui %sign3A_130 : i1 to i32
      %sign3A_132 = arith.constant 0 : i32
      %sign3A_133 = arith.cmpi slt, %jit3A_122, %sign3A_132 : i32
      %sign3A_134 = arith.extui %sign3A_133 : i1 to i32
      %sign3A_135 = arith.subi %sign3A_131, %sign3A_134 : i32
      %ne3A = arith.cmpi ne, %sign3A_128, %sign3A_135 : i32
      %rem3A = arith.remsi %add3A_121, %jit3A_122 : i32
      %ne3A_136 = arith.constant 0 : i32
      %ne3A_137 = arith.cmpi ne, %rem3A, %ne3A_136 : i32
      %and3A_138 = arith.andi %ne3A, %ne3A_137 : i1
      %sub3A_139 = arith.constant 1 : i32
      %sub3A_140 = arith.subi %div3A, %sub3A_139 : i32
      %select_n3A_141 = arith.select %and3A_138, %sub3A_140, %div3A : i32
      %lt3A_142 = vector.broadcast %select_n3A_141 : i32 to vector<1x2048xi32>
      %lt3A_143 = arith.cmpi slt, %iota3A, %lt3A_142 : vector<1x2048xi32>
      %and3A_144 = arith.andi %eq3A_98, %lt3A_143 : vector<1x2048xi1>
      %convert_element_type3A_145 = arith.extui %and3A_144 : vector<1x2048xi1> to vector<1x2048xi32>
      %reduce_sum3A_146 = vector.shape_cast %convert_element_type3A_145 : vector<1x2048xi32> to vector<1x1x2048xi32>
      %reduce_sum3A_147 = arith.constant dense<0> : vector<1xi32>
      %reduce_sum3A_148 = vector.multi_reduction <add>, %reduce_sum3A_146, %reduce_sum3A_147 [1, 2] : vector<1x1x2048xi32> to vector<1xi32>
      %reduce_sum3A_149 = vector.shape_cast %reduce_sum3A_148 : vector<1xi32> to vector<1x1x1xi32>
      %reduce_sum3A_150 = vector.extract %reduce_sum3A_149[0, 0, 0] : i32 from vector<1x1x1xi32>
      %ge3A_151 = arith.cmpi sge, %reduce_sum3A_150, %sub3A_97 : i32
      %add3A_152 = arith.constant 1 : i32
      %add3A_153 = arith.addi %select_n3A_141, %add3A_152 : i32
      %select_n3A_154 = arith.select %ge3A_151, %scan3A_119, %add3A_153 : i32
      %select_n3A_155 = arith.select %ge3A_151, %select_n3A_141, %scan3A_120 : i32
      scf.yield %select_n3A_154, %select_n3A_155 : i32, i32
    }
    %gt3A_106 = vector.broadcast %scan3A_88 : i32 to vector<1x2048xi32>
    %gt3A_107 = arith.cmpi sgt, %select_n3A, %gt3A_106 : vector<1x2048xi32>
    %lt3A_108 = vector.broadcast %scan3A_105#0 : i32 to vector<1x2048xi32>
    %lt3A_109 = arith.cmpi slt, %iota3A, %lt3A_108 : vector<1x2048xi32>
    %and3A = arith.andi %eq3A_98, %lt3A_109 : vector<1x2048xi1>
    %or3A = arith.ori %gt3A_107, %and3A : vector<1x2048xi1>
    %convert_element_type3A_110 = arith.extui %or3A : vector<1x2048xi1> to vector<1x2048xi32>
    %convert_element_type3A_111 = arith.sitofp %convert_element_type3A_110 : vector<1x2048xi32> to vector<1x2048xf32>
    %swap3A_112 = arith.constant 0 : index
    %swap3A_113 = arith.constant 0 : index
    %swap3A_114 = arith.constant 0 : index
    %swap3A_115 = vector.load %arg15[%swap3A_112, %swap3A_113, %swap3A_114] : memref<1x1x2048xf32, #tpu.memory_space<vmem>>, vector<1x1x2048xf32>
    %swap3A_116 = vector.shape_cast %swap3A_115 : vector<1x1x2048xf32> to vector<1x2048xf32>
    %swap3A_117 = vector.shape_cast %convert_element_type3A_111 : vector<1x2048xf32> to vector<1x1x2048xf32>
    tpu.vector_store %arg15[%swap3A_112, %swap3A_113, %swap3A_114], %swap3A_117 {strides = array<i32>} : memref<1x1x2048xf32, #tpu.memory_space<vmem>>, vector<1x1x2048xf32>,
    return
  }
  func.func @transform_0(%arg0: i32) -> (i32, i32, i32) {
    %c0_i32 = arith.constant 0 : i32
    %c0_i32_0 = arith.constant 0 : i32
    %c0_i32_1 = arith.constant 0 : i32
    return %arg0, %c0_i32, %c0_i32_0 : i32, i32, i32
  }
  func.func @transform_1(%arg0: i32) -> (i32, i32) {
    %c0_i32 = arith.constant 0 : i32
    %c0_i32_0 = arith.constant 0 : i32
    %c0_i32_1 = arith.constant 0 : i32
    return %c0_i32, %c0_i32_0 : i32, i32
  }
  func.func @transform_2(%arg0: i32) -> (i32, i32) {
    %c0_i32 = arith.constant 0 : i32
    %c0_i32_0 = arith.constant 0 : i32
    %c0_i32_1 = arith.constant 0 : i32
    return %c0_i32, %c0_i32_0 : i32, i32
  }
  func.func @transform_3(%arg0: i32) -> (i32, i32) {
    %c0_i32 = arith.constant 0 : i32
    %c0_i32_0 = arith.constant 0 : i32
    %c0_i32_1 = arith.constant 0 : i32
    return %c0_i32, %c0_i32_0 : i32, i32
  }
  func.func @transform_4(%arg0: i32) -> (i32, i32) {
    %c0_i32 = arith.constant 0 : i32
    %c0_i32_0 = arith.constant 0 : i32
    %c0_i32_1 = arith.constant 0 : i32
    return %c0_i32, %c0_i32_0 : i32, i32
  }
  func.func @transform_5(%arg0: i32) -> (i32, i32) {
    %c0_i32 = arith.constant 0 : i32
    %c0_i32_0 = arith.constant 0 : i32
    %c0_i32_1 = arith.constant 0 : i32
    return %c0_i32, %c0_i32_0 : i32, i32
  }
  func.func @transform_6(%arg0: i32) -> (i32, i32) {
    %c0_i32 = arith.constant 0 : i32
    %c0_i32_0 = arith.constant 0 : i32
    %c0_i32_1 = arith.constant 0 : i32
    return %c0_i32, %c0_i32_0 : i32, i32
  }
  func.func @transform_7(%arg0: i32) -> (i32, i32) {
    %c0_i32 = arith.constant 0 : i32
    %c0_i32_0 = arith.constant 0 : i32
    %c0_i32_1 = arith.constant 0 : i32
    return %c0_i32, %c0_i32_0 : i32, i32
  }
  func.func @transform_8(%arg0: i32) -> (i32, i32) {
    %c0_i32 = arith.constant 0 : i32
    %c0_i32_0 = arith.constant 0 : i32
    %c0_i32_1 = arith.constant 0 : i32
    return %c0_i32, %c0_i32_0 : i32, i32
  }
  func.func @transform_9(%arg0: i32) -> (i32, i32) {
    %c0_i32 = arith.constant 0 : i32
    %c0_i32_0 = arith.constant 0 : i32
    %c0_i32_1 = arith.constant 0 : i32
    return %c0_i32, %c0_i32_0 : i32, i32
  }
  func.func @transform_10(%arg0: i32) -> (i32, i32) {
    %c0_i32 = arith.constant 0 : i32
    %c0_i32_0 = arith.constant 0 : i32
    %c0_i32_1 = arith.constant 0 : i32
    return %c0_i32, %c0_i32_0 : i32, i32
  }
  func.func @transform_11(%arg0: i32) -> (i32, i32, i32) {
    %c0_i32 = arith.constant 0 : i32
    %c0_i32_0 = arith.constant 0 : i32
    %c0_i32_1 = arith.constant 0 : i32
    return %arg0, %c0_i32, %c0_i32_0 : i32, i32, i32
  }
  func.func @transform_12(%arg0: i32) -> (i32, i32, i32) {
    %c0_i32 = arith.constant 0 : i32
    %c0_i32_0 = arith.constant 0 : i32
    %c0_i32_1 = arith.constant 0 : i32
    return %arg0, %c0_i32, %c0_i32_0 : i32, i32, i32
  }
  func.func @transform_13(%arg0: i32) -> (i32, i32, i32) {
    %c0_i32 = arith.constant 0 : i32
    %c0_i32_0 = arith.constant 0 : i32
    %c0_i32_1 = arith.constant 0 : i32
    return %arg0, %c0_i32, %c0_i32_0 : i32, i32, i32
  }
  func.func @transform_14(%arg0: i32) -> (i32, i32, i32) {
    %c0_i32 = arith.constant 0 : i32
    %c0_i32_0 = arith.constant 0 : i32
    %c0_i32_1 = arith.constant 0 : i32
    return %arg0, %c0_i32, %c0_i32_0 : i32, i32, i32
  }
}

module attributes {stable_mosaic.version = 14 : i64} {
  func.func @_attn_body(%arg0: i32, %arg1: i32, %arg2: memref<1x256x256xf32, #tpu.memory_space<vmem>>, %arg3: memref<1x2048x256xf32, #tpu.memory_space<vmem>>, %arg4: memref<1x2048x256xf32, #tpu.memory_space<vmem>>, %arg5: memref<256x2048xf32, #tpu.memory_space<vmem>>, %arg6: memref<1x1x2048xf32, #tpu.memory_space<vmem>>, %arg7: memref<256x256xf32, #tpu.memory_space<vmem>>, %arg8: memref<1x256xf32, #tpu.memory_space<vmem>>, %arg9: memref<1x256x256xf32, #tpu.memory_space<vmem>>, %arg10: memref<1x4x256x2048xf32, #tpu.memory_space<vmem>>) attributes {dimension_semantics = [#tpu.dimension_semantics<arbitrary>, #tpu.dimension_semantics<arbitrary>], iteration_bounds = array<i64: 2, 8>, scalar_prefetch = 0 : i64, scratch_operands = 0 : i64, tpu.core_type = #tpu.core_type<tc>, window_params = [{transform_indices = @transform_0, window_bounds = array<i64: 1, 256, 256>}, {transform_indices = @transform_1, window_bounds = array<i64: 1, 2048, 256>}, {transform_indices = @transform_2, window_bounds = array<i64: 1, 2048, 256>}, {transform_indices = @transform_3, window_bounds = array<i64: 256, 2048>}, {transform_indices = @transform_4, window_bounds = array<i64: 1, 1, 2048>}, {pipeline_mode = #tpu.pipeline_mode<synchronous>, transform_indices = @transform_5, window_bounds = array<i64: 256, 256>}, {pipeline_mode = #tpu.pipeline_mode<synchronous>, transform_indices = @transform_6, window_bounds = array<i64: 1, 256>}, {transform_indices = @transform_7, window_bounds = array<i64: 1, 256, 256>}, {transform_indices = @transform_8, window_bounds = array<i64: 1, 4, 256, 2048>}]} {
    %get3A = arith.constant 0 : index
    %get3A_0 = arith.constant 0 : index
    %get3A_1 = vector.load %arg5[%get3A, %get3A_0] : memref<256x2048xf32, #tpu.memory_space<vmem>>, vector<256x2048xf32>
    %get3A_2 = arith.constant 0 : index
    %get3A_3 = arith.constant 0 : index
    %get3A_4 = arith.constant 0 : index
    %get3A_5 = vector.load %arg6[%get3A_2, %get3A_3, %get3A_4] : memref<1x1x2048xf32, #tpu.memory_space<vmem>>, vector<1x1x2048xf32>
    %get3A_6 = vector.shape_cast %get3A_5 : vector<1x1x2048xf32> to vector<1x2048xf32>
    %max3A = vector.broadcast %get3A_6 : vector<1x2048xf32> to vector<256x2048xf32>
    %max3A_7 = arith.maximumf %get3A_1, %max3A : vector<256x2048xf32>
    %broadcast_in_dim3A = vector.shape_cast %max3A_7 : vector<256x2048xf32> to vector<1x256x2048xf32>
    %broadcast_in_dim3A_8 = vector.shape_cast %broadcast_in_dim3A : vector<1x256x2048xf32> to vector<1x256x2048xf32>
    %broadcast_in_dim3A_9 = vector.broadcast %broadcast_in_dim3A_8 : vector<1x256x2048xf32> to vector<4x256x2048xf32>
    %swap3A = arith.constant 0 : index
    %swap3A_10 = arith.constant 0 : index
    %swap3A_11 = arith.constant 0 : index
    %swap3A_12 = arith.constant 0 : index
    %swap3A_13 = vector.load %arg10[%swap3A, %swap3A_10, %swap3A_11, %swap3A_12] : memref<1x4x256x2048xf32, #tpu.memory_space<vmem>>, vector<1x4x256x2048xf32>
    %swap3A_14 = vector.shape_cast %swap3A_13 : vector<1x4x256x2048xf32> to vector<4x256x2048xf32>
    %swap3A_15 = vector.shape_cast %broadcast_in_dim3A_9 : vector<4x256x2048xf32> to vector<1x4x256x2048xf32>
    tpu.vector_store %arg10[%swap3A, %swap3A_10, %swap3A_11, %swap3A_12], %swap3A_15 {strides = array<i32>} : memref<1x4x256x2048xf32, #tpu.memory_space<vmem>>, vector<1x4x256x2048xf32>,
    %get3A_16 = arith.constant 0 : index
    %get3A_17 = arith.constant 0 : index
    %get3A_18 = arith.constant 0 : index
    %get3A_19 = vector.load %arg2[%get3A_16, %get3A_17, %get3A_18] : memref<1x256x256xf32, #tpu.memory_space<vmem>>, vector<1x256x256xf32>
    %get3A_20 = vector.shape_cast %get3A_19 : vector<1x256x256xf32> to vector<256x256xf32>
    %mul3A = arith.constant 1.250000e-01 : f32
    %mul3A_21 = vector.broadcast %mul3A : f32 to vector<256x256xf32>
    %mul3A_22 = arith.mulf %get3A_20, %mul3A_21 : vector<256x256xf32>
    %convert_element_type3A = arith.truncf %mul3A_22 : vector<256x256xf32> to vector<256x256xbf16>
    %get3A_23 = arith.constant 0 : index
    %get3A_24 = arith.constant 0 : index
    %get3A_25 = arith.constant 0 : index
    %get3A_26 = vector.load %arg3[%get3A_23, %get3A_24, %get3A_25] : memref<1x2048x256xf32, #tpu.memory_space<vmem>>, vector<1x2048x256xf32>
    %get3A_27 = vector.shape_cast %get3A_26 : vector<1x2048x256xf32> to vector<2048x256xf32>
    %convert_element_type3A_28 = arith.truncf %get3A_27 : vector<2048x256xf32> to vector<2048x256xbf16>
    %slice3A = vector.extract_strided_slice %convert_element_type3A {offsets = [0, 0], sizes = [256, 64], strides = [1, 1]} : vector<256x256xbf16> to vector<256x64xbf16>
    %slice3A_29 = vector.extract_strided_slice %convert_element_type3A_28 {offsets = [0, 0], sizes = [2048, 64], strides = [1, 1]} : vector<2048x256xbf16> to vector<2048x64xbf16>
    %dot_general3A = arith.constant dense<0.000000e+00> : vector<256x2048xf32>
    %dot_general3A_30 = tpu.matmul %slice3A, %slice3A_29, %dot_general3A {dimension_numbers = #tpu.dot_dimension_numbers<[1], [1], [0], [0], [0, 0, 1, 0], [], []>, transpose_lhs_hint = false} : vector<256x64xbf16>, vector<2048x64xbf16>, vector<256x2048xf32> -> vector<256x2048xf32>
    %exp3A = math.exp %dot_general3A_30 : vector<256x2048xf32>
    %reduce_sum3A = arith.constant dense<0.000000e+00> : vector<256xf32>
    %reduce_sum3A_31 = vector.multi_reduction <add>, %exp3A, %reduce_sum3A [1] : vector<256x2048xf32> to vector<256xf32>
    %broadcast_in_dim3A_32 = vector.shape_cast %reduce_sum3A_31 : vector<256xf32> to vector<256x1xf32>
    %mul3A_33 = arith.mulf %exp3A, %max3A_7 : vector<256x2048xf32>
    %reduce_sum3A_34 = arith.constant dense<0.000000e+00> : vector<256xf32>
    %reduce_sum3A_35 = vector.multi_reduction <add>, %mul3A_33, %reduce_sum3A_34 [1] : vector<256x2048xf32> to vector<256xf32>
    %broadcast_in_dim3A_36 = vector.shape_cast %reduce_sum3A_35 : vector<256xf32> to vector<256x1xf32>
    %get3A_37 = arith.constant 0 : index
    %get3A_38 = arith.constant 0 : index
    %get3A_39 = arith.constant 0 : index
    %get3A_40 = vector.load %arg4[%get3A_37, %get3A_38, %get3A_39] : memref<1x2048x256xf32, #tpu.memory_space<vmem>>, vector<1x2048x256xf32>
    %get3A_41 = vector.shape_cast %get3A_40 : vector<1x2048x256xf32> to vector<2048x256xf32>
    %slice3A_42 = vector.extract_strided_slice %get3A_41 {offsets = [0, 0], sizes = [2048, 64], strides = [1, 1]} : vector<2048x256xf32> to vector<2048x64xf32>
    %dot_general3A_43 = arith.constant dense<0.000000e+00> : vector<256x64xf32>
    %dot_general3A_44 = tpu.matmul %mul3A_33, %slice3A_42, %dot_general3A_43 {dimension_numbers = #tpu.dot_dimension_numbers<[1], [0], [0], [1], [0, 0, 1, 1], [], []>, transpose_lhs_hint = false} : vector<256x2048xf32>, vector<2048x64xf32>, vector<256x64xf32> -> vector<256x64xf32>
    %mul3A_45 = arith.constant 9.99999993E-9 : f32
    %mul3A_46 = vector.broadcast %mul3A_45 : f32 to vector<256x1xf32>
    %mul3A_47 = arith.mulf %mul3A_46, %broadcast_in_dim3A_32 : vector<256x1xf32>
    %add3A = arith.addf %broadcast_in_dim3A_36, %mul3A_47 : vector<256x1xf32>
    %div3A = vector.broadcast %add3A : vector<256x1xf32> to vector<256x64xf32>
    %div3A_48 = arith.divf %dot_general3A_44, %div3A : vector<256x64xf32>
    %slice3A_49 = vector.extract_strided_slice %convert_element_type3A {offsets = [0, 64], sizes = [256, 64], strides = [1, 1]} : vector<256x256xbf16> to vector<256x64xbf16>
    %slice3A_50 = vector.extract_strided_slice %convert_element_type3A_28 {offsets = [0, 64], sizes = [2048, 64], strides = [1, 1]} : vector<2048x256xbf16> to vector<2048x64xbf16>
    %dot_general3A_51 = arith.constant dense<0.000000e+00> : vector<256x2048xf32>
    %dot_general3A_52 = tpu.matmul %slice3A_49, %slice3A_50, %dot_general3A_51 {dimension_numbers = #tpu.dot_dimension_numbers<[1], [1], [0], [0], [0, 0, 1, 0], [], []>, transpose_lhs_hint = false} : vector<256x64xbf16>, vector<2048x64xbf16>, vector<256x2048xf32> -> vector<256x2048xf32>
    %exp3A_53 = math.exp %dot_general3A_52 : vector<256x2048xf32>
    %reduce_sum3A_54 = arith.constant dense<0.000000e+00> : vector<256xf32>
    %reduce_sum3A_55 = vector.multi_reduction <add>, %exp3A_53, %reduce_sum3A_54 [1] : vector<256x2048xf32> to vector<256xf32>
    %broadcast_in_dim3A_56 = vector.shape_cast %reduce_sum3A_55 : vector<256xf32> to vector<256x1xf32>
    %mul3A_57 = arith.mulf %exp3A_53, %max3A_7 : vector<256x2048xf32>
    %reduce_sum3A_58 = arith.constant dense<0.000000e+00> : vector<256xf32>
    %reduce_sum3A_59 = vector.multi_reduction <add>, %mul3A_57, %reduce_sum3A_58 [1] : vector<256x2048xf32> to vector<256xf32>
    %broadcast_in_dim3A_60 = vector.shape_cast %reduce_sum3A_59 : vector<256xf32> to vector<256x1xf32>
    %get3A_61 = arith.constant 0 : index
    %get3A_62 = arith.constant 0 : index
    %get3A_63 = arith.constant 0 : index
    %get3A_64 = vector.load %arg4[%get3A_61, %get3A_62, %get3A_63] : memref<1x2048x256xf32, #tpu.memory_space<vmem>>, vector<1x2048x256xf32>
    %get3A_65 = vector.shape_cast %get3A_64 : vector<1x2048x256xf32> to vector<2048x256xf32>
    %slice3A_66 = vector.extract_strided_slice %get3A_65 {offsets = [0, 64], sizes = [2048, 64], strides = [1, 1]} : vector<2048x256xf32> to vector<2048x64xf32>
    %dot_general3A_67 = arith.constant dense<0.000000e+00> : vector<256x64xf32>
    %dot_general3A_68 = tpu.matmul %mul3A_57, %slice3A_66, %dot_general3A_67 {dimension_numbers = #tpu.dot_dimension_numbers<[1], [0], [0], [1], [0, 0, 1, 1], [], []>, transpose_lhs_hint = false} : vector<256x2048xf32>, vector<2048x64xf32>, vector<256x64xf32> -> vector<256x64xf32>
    %mul3A_69 = arith.constant 9.99999993E-9 : f32
    %mul3A_70 = vector.broadcast %mul3A_69 : f32 to vector<256x1xf32>
    %mul3A_71 = arith.mulf %mul3A_70, %broadcast_in_dim3A_56 : vector<256x1xf32>
    %add3A_72 = arith.addf %broadcast_in_dim3A_60, %mul3A_71 : vector<256x1xf32>
    %div3A_73 = vector.broadcast %add3A_72 : vector<256x1xf32> to vector<256x64xf32>
    %div3A_74 = arith.divf %dot_general3A_68, %div3A_73 : vector<256x64xf32>
    %slice3A_75 = vector.extract_strided_slice %convert_element_type3A {offsets = [0, 128], sizes = [256, 64], strides = [1, 1]} : vector<256x256xbf16> to vector<256x64xbf16>
    %slice3A_76 = vector.extract_strided_slice %convert_element_type3A_28 {offsets = [0, 128], sizes = [2048, 64], strides = [1, 1]} : vector<2048x256xbf16> to vector<2048x64xbf16>
    %dot_general3A_77 = arith.constant dense<0.000000e+00> : vector<256x2048xf32>
    %dot_general3A_78 = tpu.matmul %slice3A_75, %slice3A_76, %dot_general3A_77 {dimension_numbers = #tpu.dot_dimension_numbers<[1], [1], [0], [0], [0, 0, 1, 0], [], []>, transpose_lhs_hint = false} : vector<256x64xbf16>, vector<2048x64xbf16>, vector<256x2048xf32> -> vector<256x2048xf32>
    %exp3A_79 = math.exp %dot_general3A_78 : vector<256x2048xf32>
    %reduce_sum3A_80 = arith.constant dense<0.000000e+00> : vector<256xf32>
    %reduce_sum3A_81 = vector.multi_reduction <add>, %exp3A_79, %reduce_sum3A_80 [1] : vector<256x2048xf32> to vector<256xf32>
    %broadcast_in_dim3A_82 = vector.shape_cast %reduce_sum3A_81 : vector<256xf32> to vector<256x1xf32>
    %mul3A_83 = arith.mulf %exp3A_79, %max3A_7 : vector<256x2048xf32>
    %reduce_sum3A_84 = arith.constant dense<0.000000e+00> : vector<256xf32>
    %reduce_sum3A_85 = vector.multi_reduction <add>, %mul3A_83, %reduce_sum3A_84 [1] : vector<256x2048xf32> to vector<256xf32>
    %broadcast_in_dim3A_86 = vector.shape_cast %reduce_sum3A_85 : vector<256xf32> to vector<256x1xf32>
    %get3A_87 = arith.constant 0 : index
    %get3A_88 = arith.constant 0 : index
    %get3A_89 = arith.constant 0 : index
    %get3A_90 = vector.load %arg4[%get3A_87, %get3A_88, %get3A_89] : memref<1x2048x256xf32, #tpu.memory_space<vmem>>, vector<1x2048x256xf32>
    %get3A_91 = vector.shape_cast %get3A_90 : vector<1x2048x256xf32> to vector<2048x256xf32>
    %slice3A_92 = vector.extract_strided_slice %get3A_91 {offsets = [0, 128], sizes = [2048, 64], strides = [1, 1]} : vector<2048x256xf32> to vector<2048x64xf32>
    %dot_general3A_93 = arith.constant dense<0.000000e+00> : vector<256x64xf32>
    %dot_general3A_94 = tpu.matmul %mul3A_83, %slice3A_92, %dot_general3A_93 {dimension_numbers = #tpu.dot_dimension_numbers<[1], [0], [0], [1], [0, 0, 1, 1], [], []>, transpose_lhs_hint = false} : vector<256x2048xf32>, vector<2048x64xf32>, vector<256x64xf32> -> vector<256x64xf32>
    %mul3A_95 = arith.constant 9.99999993E-9 : f32
    %mul3A_96 = vector.broadcast %mul3A_95 : f32 to vector<256x1xf32>
    %mul3A_97 = arith.mulf %mul3A_96, %broadcast_in_dim3A_82 : vector<256x1xf32>
    %add3A_98 = arith.addf %broadcast_in_dim3A_86, %mul3A_97 : vector<256x1xf32>
    %div3A_99 = vector.broadcast %add3A_98 : vector<256x1xf32> to vector<256x64xf32>
    %div3A_100 = arith.divf %dot_general3A_94, %div3A_99 : vector<256x64xf32>
    %slice3A_101 = vector.extract_strided_slice %convert_element_type3A {offsets = [0, 192], sizes = [256, 64], strides = [1, 1]} : vector<256x256xbf16> to vector<256x64xbf16>
    %slice3A_102 = vector.extract_strided_slice %convert_element_type3A_28 {offsets = [0, 192], sizes = [2048, 64], strides = [1, 1]} : vector<2048x256xbf16> to vector<2048x64xbf16>
    %dot_general3A_103 = arith.constant dense<0.000000e+00> : vector<256x2048xf32>
    %dot_general3A_104 = tpu.matmul %slice3A_101, %slice3A_102, %dot_general3A_103 {dimension_numbers = #tpu.dot_dimension_numbers<[1], [1], [0], [0], [0, 0, 1, 0], [], []>, transpose_lhs_hint = false} : vector<256x64xbf16>, vector<2048x64xbf16>, vector<256x2048xf32> -> vector<256x2048xf32>
    %exp3A_105 = math.exp %dot_general3A_104 : vector<256x2048xf32>
    %reduce_sum3A_106 = arith.constant dense<0.000000e+00> : vector<256xf32>
    %reduce_sum3A_107 = vector.multi_reduction <add>, %exp3A_105, %reduce_sum3A_106 [1] : vector<256x2048xf32> to vector<256xf32>
    %broadcast_in_dim3A_108 = vector.shape_cast %reduce_sum3A_107 : vector<256xf32> to vector<256x1xf32>
    %mul3A_109 = arith.mulf %exp3A_105, %max3A_7 : vector<256x2048xf32>
    %reduce_sum3A_110 = arith.constant dense<0.000000e+00> : vector<256xf32>
    %reduce_sum3A_111 = vector.multi_reduction <add>, %mul3A_109, %reduce_sum3A_110 [1] : vector<256x2048xf32> to vector<256xf32>
    %broadcast_in_dim3A_112 = vector.shape_cast %reduce_sum3A_111 : vector<256xf32> to vector<256x1xf32>
    %get3A_113 = arith.constant 0 : index
    %get3A_114 = arith.constant 0 : index
    %get3A_115 = arith.constant 0 : index
    %get3A_116 = vector.load %arg4[%get3A_113, %get3A_114, %get3A_115] : memref<1x2048x256xf32, #tpu.memory_space<vmem>>, vector<1x2048x256xf32>
    %get3A_117 = vector.shape_cast %get3A_116 : vector<1x2048x256xf32> to vector<2048x256xf32>
    %slice3A_118 = vector.extract_strided_slice %get3A_117 {offsets = [0, 192], sizes = [2048, 64], strides = [1, 1]} : vector<2048x256xf32> to vector<2048x64xf32>
    %dot_general3A_119 = arith.constant dense<0.000000e+00> : vector<256x64xf32>
    %dot_general3A_120 = tpu.matmul %mul3A_109, %slice3A_118, %dot_general3A_119 {dimension_numbers = #tpu.dot_dimension_numbers<[1], [0], [0], [1], [0, 0, 1, 1], [], []>, transpose_lhs_hint = false} : vector<256x2048xf32>, vector<2048x64xf32>, vector<256x64xf32> -> vector<256x64xf32>
    %mul3A_121 = arith.constant 9.99999993E-9 : f32
    %mul3A_122 = vector.broadcast %mul3A_121 : f32 to vector<256x1xf32>
    %mul3A_123 = arith.mulf %mul3A_122, %broadcast_in_dim3A_108 : vector<256x1xf32>
    %add3A_124 = arith.addf %broadcast_in_dim3A_112, %mul3A_123 : vector<256x1xf32>
    %div3A_125 = vector.broadcast %add3A_124 : vector<256x1xf32> to vector<256x64xf32>
    %div3A_126 = arith.divf %dot_general3A_120, %div3A_125 : vector<256x64xf32>
    %concatenate3A = tpu.concatenate %div3A_48, %div3A_74, %div3A_100, %div3A_126 in 1 : vector<256x64xf32>, vector<256x64xf32>, vector<256x64xf32>, vector<256x64xf32> -> vector<256x256xf32>
    %get3A_127 = arith.constant 0 : index
    %get3A_128 = arith.constant 0 : index
    %get3A_129 = vector.load %arg7[%get3A_127, %get3A_128] : memref<256x256xf32, #tpu.memory_space<vmem>>, vector<256x256xf32>
    %dot_general3A_130 = arith.constant dense<0.000000e+00> : vector<256x256xf32>
    %dot_general3A_131 = tpu.matmul %concatenate3A, %get3A_129, %dot_general3A_130 {dimension_numbers = #tpu.dot_dimension_numbers<[1], [1], [0], [0], [0, 0, 1, 0], [], []>, transpose_lhs_hint = false} : vector<256x256xf32>, vector<256x256xf32>, vector<256x256xf32> -> vector<256x256xf32>
    %get3A_132 = arith.constant 0 : index
    %get3A_133 = arith.constant 0 : index
    %get3A_134 = vector.load %arg8[%get3A_132, %get3A_133] : memref<1x256xf32, #tpu.memory_space<vmem>>, vector<1x256xf32>
    %add3A_135 = vector.broadcast %get3A_134 : vector<1x256xf32> to vector<256x256xf32>
    %add3A_136 = arith.addf %dot_general3A_131, %add3A_135 : vector<256x256xf32>
    %swap3A_137 = arith.constant 0 : index
    %swap3A_138 = arith.constant 0 : index
    %swap3A_139 = arith.constant 0 : index
    %swap3A_140 = vector.load %arg9[%swap3A_137, %swap3A_138, %swap3A_139] : memref<1x256x256xf32, #tpu.memory_space<vmem>>, vector<1x256x256xf32>
    %swap3A_141 = vector.shape_cast %swap3A_140 : vector<1x256x256xf32> to vector<256x256xf32>
    %swap3A_142 = vector.shape_cast %add3A_136 : vector<256x256xf32> to vector<1x256x256xf32>
    tpu.vector_store %arg9[%swap3A_137, %swap3A_138, %swap3A_139], %swap3A_142 {strides = array<i32>} : memref<1x256x256xf32, #tpu.memory_space<vmem>>, vector<1x256x256xf32>,
    return
  }
  func.func @transform_0(%arg0: i32, %arg1: i32) -> (i32, i32, i32) {
    %c0_i32 = arith.constant 0 : i32
    %c0_i32_0 = arith.constant 0 : i32
    return %arg0, %arg1, %c0_i32 : i32, i32, i32
  }
  func.func @transform_1(%arg0: i32, %arg1: i32) -> (i32, i32, i32) {
    %c0_i32 = arith.constant 0 : i32
    %c0_i32_0 = arith.constant 0 : i32
    %c0_i32_1 = arith.constant 0 : i32
    return %arg0, %c0_i32, %c0_i32_0 : i32, i32, i32
  }
  func.func @transform_2(%arg0: i32, %arg1: i32) -> (i32, i32, i32) {
    %c0_i32 = arith.constant 0 : i32
    %c0_i32_0 = arith.constant 0 : i32
    %c0_i32_1 = arith.constant 0 : i32
    return %arg0, %c0_i32, %c0_i32_0 : i32, i32, i32
  }
  func.func @transform_3(%arg0: i32, %arg1: i32) -> (i32, i32) {
    %c0_i32 = arith.constant 0 : i32
    %c0_i32_0 = arith.constant 0 : i32
    return %arg1, %c0_i32 : i32, i32
  }
  func.func @transform_4(%arg0: i32, %arg1: i32) -> (i32, i32, i32) {
    %c0_i32 = arith.constant 0 : i32
    %c0_i32_0 = arith.constant 0 : i32
    %c0_i32_1 = arith.constant 0 : i32
    return %arg0, %c0_i32, %c0_i32_0 : i32, i32, i32
  }
  func.func @transform_5(%arg0: i32, %arg1: i32) -> (i32, i32) {
    %c0_i32 = arith.constant 0 : i32
    %c0_i32_0 = arith.constant 0 : i32
    %c0_i32_1 = arith.constant 0 : i32
    return %c0_i32, %c0_i32_0 : i32, i32
  }
  func.func @transform_6(%arg0: i32, %arg1: i32) -> (i32, i32) {
    %c0_i32 = arith.constant 0 : i32
    %c0_i32_0 = arith.constant 0 : i32
    %c0_i32_1 = arith.constant 0 : i32
    return %c0_i32, %c0_i32_0 : i32, i32
  }
  func.func @transform_7(%arg0: i32, %arg1: i32) -> (i32, i32, i32) {
    %c0_i32 = arith.constant 0 : i32
    %c0_i32_0 = arith.constant 0 : i32
    return %arg0, %arg1, %c0_i32 : i32, i32, i32
  }
  func.func @transform_8(%arg0: i32, %arg1: i32) -> (i32, i32, i32, i32) {
    %c0_i32 = arith.constant 0 : i32
    %c0_i32_0 = arith.constant 0 : i32
    %c0_i32_1 = arith.constant 0 : i32
    return %arg0, %c0_i32, %arg1, %c0_i32_0 : i32, i32, i32, i32
  }
}

</mosaic_0001>

<sc_bundles>
// kernel: kernel.5.cloned.1.call-start
scs
__scs_entry_jumppad:
0x0: {  	(pc) =	sbr.rel $0x88, $3  }
0x1: {  	(tag) =	ssettag $0x0;
	lr =	simm.s32 $0x1  }
0x2: {  	[smem:$0x3F93] =	sst lr;
	_ =	strace $0xD0000000  }
0x3: {  	_ = 	snop  }
0x4: {  	_ = 	snop  }
0x5: {  	_ = 	snop  }
0x6: {  	_ = 	snop  }
0x7: {  	_ = 	snop  }
__scs_overlays_trampoline_lowered:
0x8: {  	[smem:$0x3FA2] =	sst s0  }
0x9: {  	[smem:$0x3FA3] =	sst s1  }
0xa: {  	[smem:$0x3FA4] =	sst s2  }
0xb: {  	[smem:$0x3FA5] =	sst s3  }
0xc: {  	[smem:$0x3FA6] =	sst s4  }
0xd: {  	[smem:$0x3FA7] =	sst s5  }
0xe: {  	[smem:$0x3FA8] =	sst s6  }
0xf: {  	[smem:$0x3FA9] =	sst s7  }
0x10: {  	[smem:$0x3FAA] =	sst s8  }
0x11: {  	[smem:$0x3FAB] =	sst s9;
	s0 =	simm.s32 @!p0 $0x0  }
0x12: {  	s1 =	sld [smem:$0x3F91];
	s0 =	simm.s32 @p0 $0x1  }
0x13: {  	[smem:$0x3FAC] =	sst s0;
	s0 =	simm.s32 @!p1 $0x0  }
0x14: {  	s2 =	sld [smem:$0x3F90];
	s0 =	simm.s32 @p1 $0x1  }
0x15: {  	[smem:$0x3FAD] =	sst s0;
	s0 =	simm.s32 @!p2 $0x0  }
0x16: {  	s3 =	sld [smem:$0x3FDB];
	s0 =	simm.s32 @p2 $0x1  }
0x17: {  	s4 =	simm.s32 $0x1BF5;
	[smem:$0x3FAF] =	sst s0  }
0x18: {  	s0 =	sld [smem:$0x3F92];
	_ =	swait.ge [sflag:s4], $0x0  }
0x19: {  	s7 =	sld [smem:$0x3F93]  }
0x1a: {  	s8 =	sadd.s32 $0xFFFFE003, lr  }
0x1b: {  	s9 =	sadd.s32 $0xFFFFFEF7, lr;
	s5 =	simm.s32 $0xFFFFFFFF;
	p2 =	slt.u32 s8, $0xFFFFF086  }
0x1c: {  	p1 =	slt.u32 s9, $0xF7A;
	s5 =	simm.s32 @!p2 $0x0  }
0x1d: {  	s5 =	simm.s32 @p1 $0x1;
	p0 =	seq.s32 s7, s2  }
0x1e: {  	s7 =	smul.u32 @!p0 $0xF7A, s2;
	p2 =	seq.s32 @!p0 s5, $0x0  }
0x1f: {  	s9 =	smul.u32 $0xF7A, s1;
	s8 =	simm.s32 @!p0 $0x1BF5;
	p2 =	por !p2, p0  }
0x20: {  	[sflag:s8] =	ssyncset.s32 @!p0 $0xFFFFF086;
	s6 =	sadd.s32 @!p0 s3, s7;
	s7 =	simm.s32 @!p0 $0x108  }
0x21: {  	s3 =	sadd.s32 s3, s9;
	s6 =	sadd.s32 @!p0 $0x88, s6;
	s7 =	simm.s32 @p2 $0x1082  }
0x22: {  	[simem:s7], [sflag:s8] =	dma.local @!p0 [hbm:s6], $0xF7A  }
0x23: {  	s9 =	sor.u32 $0xD0000000, s2;
	s6 =	simm.s32 $0x108;
	_ =	swait.ge @!p0 [sflag:s8], $0x0  }
0x24: {  	s3 =	sadd.s32 $0x88, s3;
	s6 =	simm.s32 @!p1 $0x1082;
	[sflag:s4] =	ssyncset.s32 $0xFFFFF086  }
0x25: {  	[simem:s6], [sflag:s4] =	dma.local [hbm:s3], $0xF7A  }
0x26: {  	[smem:$0x3F93] =	sst s1;
	(tag) =	ssettag s2;
	_ =	strace s9  }
0x27: {  	s1 =	sld [smem:$0x3FA3]  }
0x28: {  	s2 =	sld [smem:$0x3FA4]  }
0x29: {  	s4 =	sld [smem:$0x3FA6]  }
0x2a: {  	p0 =	seq.s32 s5, $0x0;
	s5 =	sld [smem:$0x3FA7]  }
0x2b: {  	s6 =	sld [smem:$0x3FA8]  }
0x2c: {  	s7 =	sld [smem:$0x3FA9]  }
0x2d: {  	s3 =	simm.s32 $0x108;
	s8 =	sld [smem:$0x3FAA]  }
0x2e: {  	s3 =	simm.s32 @!p0 $0x1082;
	s9 =	sld [smem:$0x3FAB]  }
0x2f: {  	lr =	sadd.s32 s0, s3;
	s0 =	sld [smem:$0x3FA2]  }
0x30: {  	s3 =	sld [smem:$0x3FA5]  }
0x31: {  	[smem:$0x3FAE] =	sst s10  }
0x32: {  	s10 =	sld [smem:$0x3FAC];
	_ =	sdelay $0x3  }
0x33: {  	p0 =	seq.s32 s10, $0x1;
	s10 =	sld [smem:$0x3FAE];
	_ =	sdelay $0x3  }
0x34: {  	[smem:$0x3FAE] =	sst s10  }
0x35: {  	s10 =	sld [smem:$0x3FAD];
	_ =	sdelay $0x3  }
0x36: {  	p1 =	seq.s32 s10, $0x1;
	s10 =	sld [smem:$0x3FAE];
	_ =	sdelay $0x3  }
0x37: {  	[smem:$0x3FAE] =	sst s10  }
0x38: {  	s10 =	sld [smem:$0x3FAF]  }
0x39: {  	_ = 	snop;
	(pc) =	sbr.ind lr, $3  }
0x3a: {  	_ = 	snop  }
0x3b: {  	_ = 	snop  }
0x3c: {  	p2 =	seq.s32 s10, $0x1;
	s10 =	sld [smem:$0x3FAE]  }
0x3d: {  	_ =	shalt  }
0x3e: {  	_ =	shalt  }
0x3f: {  	_ =	shalt  }
0x40: {  	_ =	shalt  }
0x41: {  	_ =	shalt  }
0x42: {  	_ =	shalt  }
0x43: {  	_ =	shalt  }
0x44: {  	_ =	shalt  }
0x45: {  	_ =	shalt  }
0x46: {  	_ =	shalt  }
0x47: {  	_ =	shalt  }
0x48: {  	_ =	shalt  }
0x49: {  	_ =	shalt  }
0x4a: {  	_ =	shalt  }
0x4b: {  	_ =	shalt  }
0x4c: {  	_ =	shalt  }
0x4d: {  	_ =	shalt  }
0x4e: {  	_ =	shalt  }
0x4f: {  	_ =	shalt  }
0x50: {  	_ =	shalt  }
0x51: {  	_ =	shalt  }
0x52: {  	_ =	shalt  }
0x53: {  	_ =	shalt  }
0x54: {  	_ =	shalt  }
0x55: {  	_ =	shalt  }
0x56: {  	_ =	shalt  }
0x57: {  	_ =	shalt  }
0x58: {  	_ =	shalt  }
0x59: {  	_ =	shalt  }
0x5a: {  	_ =	shalt  }
0x5b: {  	_ =	shalt  }
0x5c: {  	_ =	shalt  }
0x5d: {  	_ =	shalt  }
0x5e: {  	_ =	shalt  }
0x5f: {  	_ =	shalt  }
0x60: {  	_ =	shalt  }
0x61: {  	_ =	shalt  }
0x62: {  	_ =	shalt  }
0x63: {  	_ =	shalt  }
0x64: {  	_ =	shalt  }
0x65: {  	_ =	shalt  }
0x66: {  	_ =	shalt  }
0x67: {  	_ =	shalt  }
0x68: {  	_ =	shalt  }
0x69: {  	_ =	shalt  }
0x6a: {  	_ =	shalt  }
0x6b: {  	_ =	shalt  }
0x6c: {  	_ =	shalt  }
0x6d: {  	_ =	shalt  }
0x6e: {  	_ =	shalt  }
0x6f: {  	_ =	shalt  }
0x70: {  	_ =	shalt  }
0x71: {  	_ =	shalt  }
0x72: {  	_ =	shalt  }
0x73: {  	_ =	shalt  }
0x74: {  	_ =	shalt  }
0x75: {  	_ =	shalt  }
0x76: {  	_ =	shalt  }
0x77: {  	_ =	shalt  }
0x78: {  	_ =	shalt  }
0x79: {  	_ =	shalt  }
0x7a: {  	_ =	shalt  }
0x7b: {  	_ =	shalt  }
0x7c: {  	_ =	shalt  }
0x7d: {  	_ =	shalt  }
0x7e: {  	_ =	shalt  }
0x7f: {  	_ =	shalt  }
0x80: {  	_ =	shalt  }
0x81: {  	_ =	shalt  }
0x82: {  	_ =	shalt  }
0x83: {  	_ =	shalt  }
0x84: {  	_ =	shalt  }
0x85: {  	_ =	shalt  }
0x86: {  	_ =	shalt  }
0x87: {  	_ =	shalt  }
.Lfunc_end0:
.L_simem_size_0:
called_computation_lowered:
.L_overlay_start_0:
0x88: {  	s2 =	sld [smem:$0x3FD9]  }
0x89: {  	s3 =	sld [smem:$0x3FFE];
	_ =	sdelay $0x1  }
0x8a: {  	s1 =	srdreg.scid  }
0x8b: {  	s0 =	sand.u32 $0x1, s1  }
0x8c: {  	s15 =	sshll.u32 s0, $0xA;
	s2 =	sadd.s32 s3, s2  }
0x8d: {  	s2 =	sadd.s32 s2, s15  }
0x8e: {  	[smem:$0x3FBA] =	sst s2  }
0x8f: {  	_ = 	snop  }
0x90: {  	s2 =	sld [smem:$0x3FD0];
	_ =	sdelay $0x2  }
0x91: {  	s16 =	simm.s32 $0xA;
	s4 =	simm.s32 $0x10  }
0x92: {  	[smem:s4], [sflag:s16] =	dma.local [hbm:s2], $0x1  }
0x93: {  	_ =	swait.eq [sflag:s16], $0x1  }
0x94: {  	[sflag:s16] =	ssyncset.done $0x0  }
0x95: {  	s17 =	sld [smem:$0x10];
	[sflag:s16] =	ssyncadd.s32 $0xFFFFFFFF  }
0x96: {  	s18 =	sld [smem:$0x11];
	(tm) =	ssettm $0x1  }
0x97: {  	s19 =	sld [smem:$0x3FFB];
	_ =	sdelay $0x3  }
0x98: {  	_ =	strace s19  }
0x99: {  	s4 =	sld [smem:$0x3FFC];
	_ =	sdelay $0x3  }
0x9a: {  	_ =	strace s4  }
0x9b: {  	s4 =	sld [smem:$0x3FFD];
	_ =	sdelay $0x3  }
0x9c: {  	_ =	strace s4  }
0x9d: {  	_ =	strace $0x8FFFFFFF  }
0x9e: {  	s20 =	sld [smem:$0x3FDB];
	_ =	sdelay $0x1  }
0x9f: {  	s5 =	simm.s32 $_scs_section_size  }
0xa0: {  	s6 =	simm.s32 $_size__tile_overlayer_lowered;
	s7 =	simm.s32 $_tile_overlayer_lowered  }
0xa1: {  	s23 =	simm.s32 $0x1BFF;
	s22 =	sshll.u32 s7, $0x1;
	s4 =	sadd.s32 s5, s20  }
0xa2: {  	s8 =	simm.s32 $0x0;
	s21 =	sshll.u32 s6, $0x1;
	s6 =	sadd.s32 s22, s4  }
0xa3: {  	[timem:s8], [sflag:s23] =	dma.local [hbm:s6], s21  }
0xa4: {  	_ =	swait.ge [sflag:s23], s21  }
0xa5: {  	s5 =	ssub.s32 $0x0, s21;
	[sflag:s23] =	ssyncset.done $0x0  }
0xa6: {  	[sflag:s23] =	ssyncadd.s32 s5;
	_ =	sdelay $0x1  }
0xa7: {  	s24 =	simm.s32 $0x1B8B  }
0xa8: {  	_ =	swait.ge [sflag:s24], $0x1  }
0xa9: {  	[sflag:s24] =	ssyncset.done $0x0  }
0xaa: {  	s25 =	simm.s32 $0x1B8E;
	[sflag:s24] =	ssyncadd.s32 $0xFFFFFFFF  }
0xab: {  	s26 =	simm.s32 $execute0_lowered;
	[smem:$0x3FD2] =	sst s25  }
0xac: {  	s5 =	sshll.u32 s26, $0x1;
	_ =	strace $0x80000046;
	[dreg:$0x1] =	wrdreg $0xFFFFFFFF  }
0xad: {  	s28 =	simm.s32 $_size_execute0_lowered;
	s4 =	sadd.s32 s4, s5;
	[dreg:$0x0] =	wrdreg $0x0  }
0xae: {  	s5 =	sshll.u32 s28, $0x1;
	[dreg:$0x2] =	wrdreg s4  }
0xaf: {  	[dreg:$0x3] =	wrdreg s5  }
0xb0: {  	[dreg:$0x4] =	wrdreg $0xC0  }
0xb1: {  	_ =	task [dreg:s8], $0x5FFFF  }
0xb2: {  	[dreg:$0x1] =	wrdreg $0xFFFFFFFF  }
0xb3: {  	[dreg:$0x0] =	wrdreg $0x60  }
0xb4: {  	[dreg:$0x2] =	wrdreg s17  }
0xb5: {  	[dreg:$0x3] =	wrdreg s18  }
0xb6: {  	[dreg:$0x4] =	wrdreg $0x9  }
0xb7: {  	_ =	task.clear_ibuf [dreg:s8], $0x5FFFF;
	_ =	strace $0x90000046  }
0xb8: {  	s29 =	simm.s32 $0x9;
	_ =	strace $0x80000048  }
0xb9: {  	_ =	swait.ge [sflag:s29], $0x1  }
0xba: {  	[sflag:s29] =	ssyncadd.s32 $0xFFFFFFFF  }
0xbb: {  	_ =	strace $0x90000048  }
0xbc: {  	_ =	sfence  }
0xbd: {  	s30 =	sld [smem:$0x0];
	_ =	sdelay $0x2  }
0xbe: {  	s31 =	sshll.u32 s1, $0xD;
	s1 =	sshrl.u32 s1, $0x2  }
0xbf: {  	s3 =	sand.u32 $0x4000, s31;
	s1 =	sadd.s32 s1, s30  }
0xc0: {  	s0 =	sor.u32 s3, s0;
	s1 =	sshll.u32 s1, $0x11  }
0xc1: {  	s0 =	sor.u32 s1, s0  }
0xc2: {  	s0 =	sadd.s32 $0x8F2B, s0  }
0xc3: {  	[sflag:s0] =	ssyncadd.remote.s32 $0x1  }
0xc4: {  	_ =	sfence.sel $0xFFFF  }
0xc5: {  	[dreg:$0x0] =	wrdreg $0xFFFFFFFF;
	(pc) =	sbr.abs _section_cstart, $3  }
0xc6: {  	[dreg:$0x1] =	wrdreg $0xFFFFFFFF  }
0xc7: {  	_ =	task.clear_ibuf [dreg:s8], $0x2FFFF;
	_ =	strace $0x9FFFFFFF  }
0xc8: {  	(tm) =	ssettm $0x7FFFFFFF  }
0xc9: {  	_ =	shalt  }
tec
execute0_lowered:
.L_overlay_start_1:
0x0: {  	(tag) =	ssettag $0x1  }
0x1: {  	s2 =	rddreg [dreg:$0x0]  }
0x2: {  	s20 =	rddreg [dreg:$0x1];
	s3 =	srdreg.scid  }
0x3: {  	s0 =	rddreg [dreg:$0x2];
	s1 =	stileid.u32;
	s4 =	sand.u32 $0x1, s3  }
0x4: {  	s3 =	simm.s32 $0x0;
	s6 =	sshll.u32 s1, $0x1;
	s8 =	sadd.s32 $0x1020, s2  }
0x5: {  	s9 =	sadd.s32 $0x30, s2;
	s10 =	sadd.s32 $0x1030, s2;
	s11 =	sadd.s32 $0x40, s2  }
0x6: {  	s12 =	sadd.s32 $0x1040, s2;
	s13 =	sadd.s32 $0x50, s2;
	s14 =	sadd.s32 $0x1050, s2  }
0x7: {  	s15 =	sadd.s32 $0x60, s2;
	s16 =	sadd.s32 $0x1060, s2;
	s17 =	sadd.s32 $0x70, s2  }
0x8: {  	s18 =	sadd.s32 $0x1070, s2;
	s5 =	ssub.s32 $0x2, s4;
	[smem:$0x7FF] =	sst s3  }
0x9: {  	s19 =	sor.u32 s4, s6;
	s4 =	sadd.s32 $0x1000, s2;
	s6 =	sadd.s32 $0x1010, s2  }
0xa: {  	s7 =	sshrl.u32 s5, $0x1;
	_ =	strace $0x80000047;
	s22 =	sshll.u32 s19, $0x10  }
0xb: {  	s19 =	sshll.u32 s19, $0xD;
	s21 =	ssub.s32 s5, s7;
	s5 =	sadd.s32 $0x10, s2  }
0xc: {  	s7 =	sadd.s32 $0x20, s2;
	s23 =	sor.u32 $0x200000, s22;
	s19 =	sadd.s32 s20, s19  }
0xd: {  	v0 =	vmov s22;
	s22 =	simm.s32 $0x2;
	s24 =	sshrl.u32 s23, $0x3;
	s21 =	smax.u32 s21, $0x1  }
0xe: {  	v2 =	vimm.f32 $0.0e+00;
	v3 =	vimm.f32 $1.000000000e+00;
	v1 =	vmov s23;
	s23 =	simm.s32 $0x1;
	s20 =	sadd.s32 s20, s24;
	s24 =	simm.s32 $0x0  }
.LBB2_1:
0xf: {  	s26 =	simm.s32 $0x40  }
0x10: {  	[tilespmem:s26+$0xFFFFFFC0] =	vst v2  }
0x11: {  	[tilespmem:s26+$0x30] =	vst v2  }
0x12: {  	[tilespmem:s26+$0x20] =	vst v2  }
0x13: {  	[tilespmem:s26+$0x10] =	vst v2  }
0x14: {  	[tilespmem:s26+$0x0] =	vst v2  }
0x15: {  	[tilespmem:s26+$0xFFFFFFF0] =	vst v2  }
0x16: {  	s28 =	simm.s32 $0x0;
	s25 =	simm.s32 $0x18000;
	[tilespmem:s26+$0xFFFFFFE0] =	vst v2  }
.LBB2_2:
0x17: {  	s28 =	sadd.s32 $0x80, s28;
	[tilespmem:s26+$0xFFFFFFD0] =	vst v2;
	s26 =	sadd.s32 $0x80, s26  }
0x18: {  	[tilespmem:s26+$0xFFFFFFC0] =	vst v2;
	p0 =	slt.u32 s28, $0xFF80  }
0x19: {  	[tilespmem:s26+$0x30] =	vst v2  }
.Ltmp0:
0x1a: {  	[tilespmem:s26+$0x20] =	vst v2;
	(pc) =	sbr.rel @p0 .LBB2_2-.Ltmp0, $4  }
0x1b: {  	[tilespmem:s26+$0x10] =	vst v2  }
0x1c: {  	[tilespmem:s26+$0x0] =	vst v2  }
0x1d: {  	[tilespmem:s26+$0xFFFFFFF0] =	vst v2  }
0x1e: {  	[tilespmem:s26+$0xFFFFFFE0] =	vst v2  }
0x1f: {  	[tilespmem:s26+$0xFFFFFFD0] =	vst v2;
	s26 =	simm.s32 $0x80;
	s29 =	sadd.s32 $0x0, s2;
	s28 =	simm.s32 $0x18100  }
.LBB2_4:
0x20: {  	[tilespmem:s25], [sflag:$0x2] =	stream.linear.gather [hbm4b:s29+s3], $0x80, $0x38;
	[tilespmem:$0x1C000] =	vst v63  }
0x21: {  	s29 =	smov.u32 s26;
	s25 =	smov.u32 s28;
	p0 =	sne.s32 s26, $0xF80  }
.Ltmp1:
0x22: {  	s26 =	sadd.s32 $0x80, s26;
	(pc) =	sbr.rel @p0 .LBB2_4-.Ltmp1, $2  }
0x23: {  	_ =	sdelay $0x2  }
0x24: {  	s28 =	sadd.s32 $0x100, s28;
	s29 =	sadd.s32 s29, s2  }
0x25: {  	[tilespmem:s25], [sflag:$0x2] =	stream.linear.gather [hbm4b:s29+s3], $0x80, $0x38;
	[tilespmem:$0x1C000] =	vst v63  }
0x26: {  	s25 =	simm.s32 $0x1A000  }
0x27: {  	s26 =	simm.s32 $0x80;
	s29 =	sadd.s32 $0x0, s4;
	s28 =	simm.s32 $0x1A100  }
.LBB2_6:
0x28: {  	[tilespmem:s25], [sflag:$0x2] =	stream.linear.gather [hbm4b:s29+s3], $0x80, $0x38;
	[tilespmem:$0x1C000] =	vst v63  }
0x29: {  	s29 =	smov.u32 s26;
	s25 =	smov.u32 s28;
	p0 =	sne.s32 s26, $0xF80  }
.Ltmp2:
0x2a: {  	s26 =	sadd.s32 $0x80, s26;
	(pc) =	sbr.rel @p0 .LBB2_6-.Ltmp2, $2  }
0x2b: {  	_ =	sdelay $0x2  }
0x2c: {  	s28 =	sadd.s32 $0x100, s28;
	s29 =	sadd.s32 s29, s4  }
0x2d: {  	[tilespmem:s25], [sflag:$0x2] =	stream.linear.gather [hbm4b:s29+s3], $0x80, $0x38;
	[tilespmem:$0x1C000] =	vst v63  }
0x2e: {  	_ =	swait.ge [sflag:s22], $0x1000  }
0x2f: {  	[sflag:s22] =	ssyncset.done $0x0  }
0x30: {  	[sflag:s22] =	ssyncadd.s32 $0xFFFFF000  }
0x31: {  	_ =	swait.ge [sflag:s22], $0x1000  }
0x32: {  	s25 =	simm.s32 $0x18080;
	s26 =	simm.s32 $0x80;
	[sflag:s22] =	ssyncset.done $0x0  }
0x33: {  	s29 =	sadd.s32 $0x0, s5;
	s28 =	simm.s32 $0x18180;
	[sflag:s22] =	ssyncadd.s32 $0xFFFFF000  }
.LBB2_8:
0x34: {  	[tilespmem:s25], [sflag:$0x2] =	stream.linear.gather [hbm4b:s29+s3], $0x80, $0x38;
	[tilespmem:$0x1C000] =	vst v63  }
0x35: {  	s29 =	smov.u32 s26;
	s25 =	smov.u32 s28;
	p0 =	sne.s32 s26, $0xF80  }
.Ltmp3:
0x36: {  	s26 =	sadd.s32 $0x80, s26;
	(pc) =	sbr.rel @p0 .LBB2_8-.Ltmp3, $2  }
0x37: {  	_ =	sdelay $0x2  }
0x38: {  	s28 =	sadd.s32 $0x100, s28;
	s29 =	sadd.s32 s29, s5  }
0x39: {  	[tilespmem:s25], [sflag:$0x2] =	stream.linear.gather [hbm4b:s29+s3], $0x80, $0x38;
	[tilespmem:$0x1C000] =	vst v63  }
0x3a: {  	s25 =	simm.s32 $0x0;
	s26 =	simm.s32 $0x1A080  }
.LBB2_10:
0x3b: {  	p0 =	sne.s32 s25, $0xF80  }
.Ltmp4:
0x3c: {  	_ = 	snop;
	(pc) =	sbr.rel @p0 .LBB2_10-.Ltmp4, $4  }
0x3d: {  	_ = 	snop  }
0x3e: {  	s28 =	sadd.s32 s25, s6  }
0x3f: {  	[tilespmem:s26], [sflag:$0x2] =	stream.linear.gather [hbm4b:s28+s3], $0x80, $0x38;
	[tilespmem:$0x1C000] =	vst v63  }
0x40: {  	s25 =	sadd.s32 $0x80, s25;
	s26 =	sadd.s32 $0x100, s26  }
0x41: {  	s25 =	simm.s32 $0x18040  }
0x42: {  	s26 =	simm.s32 $0x1A040;
	v4 =	vld [tilespmem:s25+$0x30]  }
0x43: {  	v5 =	vld [tilespmem:s26+$0x30]  }
0x44: {  	v6 =	vld [tilespmem:s25+$0xFFFFFFD0]  }
0x45: {  	v7 =	vld [tilespmem:s25+$0xFFFFFFE0]  }
0x46: {  	v8 =	vld [tilespmem:s25+$0xFFFFFFF0]  }
0x47: {  	v9 =	vld [tilespmem:s25+$0x0]  }
0x48: {  	v10 =	vld [tilespmem:s25+$0x10]  }
0x49: {  	v11 =	vld [tilespmem:s25+$0x20]  }
0x4a: {  	v12 =	vld [tilespmem:s25+$0xFFFFFFC0]  }
0x4b: {  	v13 =	vld [tilespmem:s26+$0xFFFFFFC0]  }
0x4c: {  	s31 =	simm.s32 $0x18140;
	v14 =	vld [tilespmem:s26+$0xFFFFFFD0]  }
0x4d: {  	v20 =	vld [tilespmem:s31+$0x30]  }
0x4e: {  	v16 =	vld [tilespmem:s26+$0xFFFFFFF0]  }
0x4f: {  	v17 =	vld [tilespmem:s26+$0x0];
	v4 =	vshll.u32 v4, $0xB  }
0x50: {  	v18 =	vld [tilespmem:s26+$0x10];
	v6 =	vshll.u32 v6, $0xB;
	v7 =	vshll.u32 v7, $0xB;
	v8 =	vshll.u32 v8, $0xB  }
0x51: {  	v19 =	vld [tilespmem:s26+$0x20];
	v9 =	vshll.u32 v9, $0xB;
	v12 =	vshll.u32 v12, $0xB;
	v10 =	vshll.u32 v10, $0xB  }
0x52: {  	s25 =	simm.s32 $0x1A140;
	v21 =	vld [tilespmem:s31+$0xFFFFFFE0];
	v11 =	vshll.u32 v11, $0xB;
	v20 =	vshll.u32 v20, $0xB;
	v4 =	vadd.s32 v5, v4  }
0x53: {  	s28 =	simm.s32 $0x10040;
	v12 =	vadd.s32 v13, v12;
	v13 =	vld [tilespmem:s25+$0x30];
	v6 =	vadd.s32 v14, v6;
	v15 =	vsub.s32 v4, v0  }
0x54: {  	v5 =	vld [tilespmem:s26+$0xFFFFFFE0];
	v8 =	vadd.s32 v16, v8;
	v9 =	vadd.s32 v17, v9;
	[tilespmem:s28+$0x30] =	vst v4;
	vm0 =	vlt.u32 v15, $0x10000  }
0x55: {  	v22 =	vld [tilespmem:s31+$0x10];
	v4 =	vsub.s32 v12, v0;
	v14 =	vsub.s32 v6, v0;
	[tilespmem:s28+$0xFFFFFFC0] =	vst v12;
	v15 =	vnsel vm0, $0x0, v15  }
0x56: {  	v23 =	vld [tilespmem:s31+$0x20];
	v12 =	vsub.s32 v8, v0;
	[tilespmem:s28+$0xFFFFFFF0] =	vst v8;
	v8 =	vadd.s32 v18, v10;
	v10 =	vadd.s32 v19, v11  }
0x57: {  	v16 =	vld [tilespmem:s31+$0xFFFFFFF0];
	[tilespmem:s28+$0xFFFFFFD0] =	vst v6;
	vm6 =	vlt.u32 v4, $0x10000;
	vm5 =	vlt.u32 v14, $0x10000;
	v26 =	vsub.s32 v10, v0  }
0x58: {  	v17 =	vld [tilespmem:s31+$0x0];
	[tilespmem:s28+$0x0] =	vst v9;
	v4 =	vnsel vm6, $0x0, v4;
	v24 =	vnsel vm5, $0x0, v14;
	v20 =	vadd.s32 v13, v20  }
0x59: {  	v18 =	vld [tilespmem:s31+$0xFFFFFFC0];
	[tilespmem:s28+$0x10] =	vst v8;
	vm3 =	vlt.u32 v26, $0x10000;
	v5 =	vadd.s32 v5, v7;
	v6 =	vsub.s32 v20, v0  }
0x5a: {  	v7 =	vld [tilespmem:s31+$0xFFFFFFD0];
	vm7 =	vlt.u32 v6, $0x10000;
	[tilespmem:v15+s3+$0x0] =	vst.idx.msk vm0, v3;
	v15 =	vsub.s32 v5, v0;
	vm0 =	vlt.u32 v12, $0x10000  }
0x5b: {  	v11 =	vld [tilespmem:s25+$0xFFFFFFC0];
	[tilespmem:s28+$0xFFFFFFE0] =	vst v5;
	v5 =	vsub.s32 v9, v0;
	v25 =	vnsel vm7, $0x0, v6;
	vm4 =	vlt.u32 v15, $0x10000  }
0x5c: {  	v28 =	vld [tilespmem:s25+$0xFFFFFFD0];
	s26 =	simm.s32 $0x100C0;
	[tilespmem:s28+$0x20] =	vst v10;
	v9 =	vsub.s32 v8, v0;
	v8 =	vshll.u32 v21, $0xB;
	v27 =	vnsel vm4, $0x0, v15  }
0x5d: {  	v19 =	vld [tilespmem:s25+$0xFFFFFFE0];
	[tilespmem:s26+$0x30] =	vst v20;
	v6 =	vshll.u32 v16, $0xB;
	vm1 =	vlt.u32 v5, $0x10000;
	v13 =	vnsel vm0, $0x0, v12  }
0x5e: {  	v14 =	vld [tilespmem:s25+$0xFFFFFFF0];
	[tilespmem:v4+s3+$0x0] =	vst.idx.msk vm6, v3;
	v4 =	vshll.u32 v17, $0xB;
	vm2 =	vlt.u32 v9, $0x10000;
	v16 =	vnsel vm1, $0x0, v5  }
0x5f: {  	[tilespmem:v24+s3+$0x0] =	vst.idx.msk vm5, v3;
	v17 =	vld [tilespmem:s25+$0x0];
	v29 =	vshll.u32 v7, $0xB;
	v10 =	vnsel vm2, $0x0, v9;
	v5 =	vshll.u32 v18, $0xB  }
0x60: {  	v12 =	vld [tilespmem:s25+$0x10];
	v7 =	vshll.u32 v22, $0xB;
	v15 =	vnsel vm3, $0x0, v26;
	v20 =	vadd.s32 v11, v5;
	[tilespmem:v25+s3+$0x0] =	vst.idx.msk vm7, v3  }
0x61: {  	s29 =	simm.s32 $0x18240;
	s28 =	simm.s32 $0x80;
	v5 =	vshll.u32 v23, $0xB;
	v18 =	vadd.s32 v28, v29;
	v11 =	vld [tilespmem:s25+$0x20];
	v9 =	vsub.s32 v20, v0;
	[tilespmem:v27+s3+$0x0] =	vst.idx.msk vm4, v3  }
.LBB2_12:
0x62: {  	v21 =	vld [tilespmem:s29+$0x30];
	s28 =	sadd.s32 $0x80, s28;
	vm5 =	vlt.u32 v9, $0x10000;
	v22 =	vsub.s32 v18, v0;
	v8 =	vadd.s32 v19, v8;
	s25 =	sadd.s32 $0x100, s25;
	[tilespmem:v13+s3+$0x0] =	vst.idx.msk vm0, v3  }
0x63: {  	v13 =	vld [tilespmem:s25+$0x30];
	p0 =	slt.u32 s28, $0xF80;
	vm6 =	vlt.u32 v22, $0x10000;
	v19 =	vsub.s32 v8, v0;
	v6 =	vadd.s32 v14, v6;
	[tilespmem:v16+s3+$0x0] =	vst.idx.msk vm1, v3  }
0x64: {  	v14 =	vld [tilespmem:s29+$0xFFFFFFD0];
	vm4 =	vlt.u32 v19, $0x10000;
	v16 =	vsub.s32 v6, v0;
	v4 =	vadd.s32 v17, v4;
	[tilespmem:v10+s3+$0x0] =	vst.idx.msk vm2, v3  }
0x65: {  	v10 =	vld [tilespmem:s29+$0xFFFFFFE0];
	vm0 =	vlt.u32 v16, $0x10000;
	v17 =	vsub.s32 v4, v0;
	v7 =	vadd.s32 v12, v7;
	[tilespmem:v15+s3+$0x0] =	vst.idx.msk vm3, v3  }
0x66: {  	v12 =	vld [tilespmem:s29+$0xFFFFFFF0];
	[tilespmem:s26+$0xFFFFFFC0] =	vst v20;
	vm1 =	vlt.u32 v17, $0x10000;
	v15 =	vsub.s32 v7, v0;
	v5 =	vadd.s32 v11, v5  }
0x67: {  	v11 =	vld [tilespmem:s29+$0x0];
	v20 =	vshll.u32 v21, $0xB;
	[tilespmem:s26+$0xFFFFFFD0] =	vst v18;
	vm2 =	vlt.u32 v15, $0x10000;
	v18 =	vsub.s32 v5, v0  }
0x68: {  	v9 =	vnsel vm5, $0x0, v9;
	v21 =	vld [tilespmem:s29+$0x10];
	v20 =	vadd.s32 v13, v20;
	[tilespmem:s26+$0xFFFFFFE0] =	vst v8;
	vm3 =	vlt.u32 v18, $0x10000  }
0x69: {  	v22 =	vnsel vm6, $0x0, v22;
	v23 =	vshll.u32 v14, $0xB;
	v24 =	vld [tilespmem:s29+$0x20];
	v13 =	vsub.s32 v20, v0;
	[tilespmem:s26+$0xFFFFFFF0] =	vst v6  }
0x6a: {  	v26 =	vnsel vm4, $0x0, v19;
	v25 =	vld [tilespmem:s29+$0xFFFFFFC0];
	v8 =	vshll.u32 v10, $0xB;
	vm7 =	vlt.u32 v13, $0x10000;
	[tilespmem:s26+$0x0] =	vst v4  }
0x6b: {  	v27 =	vld [tilespmem:s25+$0xFFFFFFC0];
	v6 =	vshll.u32 v12, $0xB;
	v28 =	vnsel vm7, $0x0, v13;
	v13 =	vnsel vm0, $0x0, v16;
	[tilespmem:s26+$0x10] =	vst v7  }
0x6c: {  	v10 =	vnsel vm2, $0x0, v15;
	v16 =	vnsel vm1, $0x0, v17;
	v29 =	vld [tilespmem:s25+$0xFFFFFFD0];
	v4 =	vshll.u32 v11, $0xB;
	[tilespmem:s26+$0x20] =	vst v5  }
.Ltmp5:
0x6d: {  	v15 =	vnsel vm3, $0x0, v18;
	v19 =	vld [tilespmem:s25+$0xFFFFFFE0];
	v7 =	vshll.u32 v21, $0xB;
	[tilespmem:v9+s3+$0x0] =	vst.idx.msk vm5, v3;
	(pc) =	sbr.rel @p0 .LBB2_12-.Ltmp5, $4  }
0x6e: {  	s26 =	sadd.s32 $0x80, s26;
	v14 =	vld [tilespmem:s25+$0xFFFFFFF0];
	v5 =	vshll.u32 v24, $0xB;
	[tilespmem:v22+s3+$0x0] =	vst.idx.msk vm6, v3  }
0x6f: {  	v9 =	vshll.u32 v25, $0xB;
	v17 =	vld [tilespmem:s25+$0x0];
	[tilespmem:s26+$0x30] =	vst v20  }
0x70: {  	v20 =	vadd.s32 v27, v9;
	v12 =	vld [tilespmem:s25+$0x10];
	[tilespmem:v28+s3+$0x0] =	vst.idx.msk vm7, v3  }
0x71: {  	s29 =	sadd.s32 $0x100, s29;
	v9 =	vsub.s32 v20, v0;
	v18 =	vadd.s32 v29, v23;
	v11 =	vld [tilespmem:s25+$0x20];
	[tilespmem:v26+s3+$0x0] =	vst.idx.msk vm4, v3  }
0x72: {  	_ =	sdelay $0x4  }
0x73: {  	[tilespmem:v13+s3+$0x0] =	vst.idx.msk vm0, v3  }
0x74: {  	[tilespmem:v16+s3+$0x0] =	vst.idx.msk vm1, v3  }
0x75: {  	[tilespmem:v10+s3+$0x0] =	vst.idx.msk vm2, v3  }
0x76: {  	v8 =	vadd.s32 v19, v8;
	[tilespmem:v15+s3+$0x0] =	vst.idx.msk vm3, v3  }
0x77: {  	vm12 =	vlt.u32 v9, $0x10000;
	v57 =	vsub.s32 v18, v0;
	[tilespmem:s26+$0xFFFFFFC0] =	vst v20;
	v58 =	vsub.s32 v8, v0  }
0x78: {  	[tilespmem:s26+$0xFFFFFFD0] =	vst v18;
	vm13 =	vlt.u32 v57, $0x10000;
	v6 =	vadd.s32 v14, v6;
	v9 =	vnsel vm12, $0x0, v9  }
0x79: {  	[tilespmem:s26+$0xFFFFFFE0] =	vst v8;
	vm14 =	vlt.u32 v58, $0x10000;
	v14 =	vsub.s32 v6, v0;
	v4 =	vadd.s32 v17, v4  }
0x7a: {  	v10 =	vnsel vm13, $0x0, v57;
	[tilespmem:s26+$0xFFFFFFF0] =	vst v6;
	vm15 =	vlt.u32 v14, $0x10000;
	v59 =	vsub.s32 v4, v0  }
0x7b: {  	v60 =	vadd.s32 v12, v7;
	v61 =	vnsel vm14, $0x0, v58;
	[tilespmem:s26+$0x0] =	vst v4;
	vm4 =	vlt.u32 v59, $0x10000  }
0x7c: {  	v4 =	vsub.s32 v60, v0;
	v5 =	vadd.s32 v11, v5;
	v62 =	vnsel vm15, $0x0, v14;
	[tilespmem:s26+$0x10] =	vst v60  }
0x7d: {  	vm5 =	vlt.u32 v4, $0x10000;
	v63 =	vsub.s32 v5, v0;
	v8 =	vnsel vm4, $0x0, v59;
	[tilespmem:s26+$0x20] =	vst v5  }
0x7e: {  	vm6 =	vlt.u32 v63, $0x10000;
	v4 =	vnsel vm5, $0x0, v4;
	[tilespmem:v9+s3+$0x0] =	vst.idx.msk vm12, v3  }
0x7f: {  	v5 =	vnsel vm6, $0x0, v63;
	[tilespmem:v10+s3+$0x0] =	vst.idx.msk vm13, v3  }
0x80: {  	[tilespmem:v61+s3+$0x0] =	vst.idx.msk vm14, v3  }
0x81: {  	[tilespmem:v62+s3+$0x0] =	vst.idx.msk vm15, v3  }
0x82: {  	[tilespmem:v8+s3+$0x0] =	vst.idx.msk vm4, v3  }
0x83: {  	[tilespmem:v4+s3+$0x0] =	vst.idx.msk vm5, v3  }
0x84: {  	[tilespmem:v5+s3+$0x0] =	vst.idx.msk vm6, v3  }
0x85: {  	_ =	swait.ge [sflag:s22], $0x1000  }
0x86: {  	[sflag:s22] =	ssyncset.done $0x0  }
0x87: {  	[sflag:s22] =	ssyncadd.s32 $0xFFFFF000  }
0x88: {  	_ =	swait.ge [sflag:s22], $0x1000  }
0x89: {  	s25 =	simm.s32 $0x18000;
	s29 =	sadd.s32 $0x0, s7;
	[sflag:s22] =	ssyncset.done $0x0  }
0x8a: {  	s28 =	simm.s32 $0x18100;
	s26 =	simm.s32 $0x80;
	[sflag:s22] =	ssyncadd.s32 $0xFFFFF000  }
.LBB2_14:
0x8b: {  	[tilespmem:s25], [sflag:$0x2] =	stream.linear.gather [hbm4b:s29+s3], $0x80, $0x38;
	[tilespmem:$0x1C000] =	vst v63  }
0x8c: {  	s29 =	smov.u32 s26;
	s25 =	smov.u32 s28;
	p0 =	sne.s32 s26, $0xF80  }
.Ltmp6:
0x8d: {  	s26 =	sadd.s32 $0x80, s26;
	(pc) =	sbr.rel @p0 .LBB2_14-.Ltmp6, $2  }
0x8e: {  	_ =	sdelay $0x2  }
0x8f: {  	s28 =	sadd.s32 $0x100, s28;
	s29 =	sadd.s32 s29, s7  }
0x90: {  	[tilespmem:s25], [sflag:$0x2] =	stream.linear.gather [hbm4b:s29+s3], $0x80, $0x38;
	[tilespmem:$0x1C000] =	vst v63  }
0x91: {  	s25 =	simm.s32 $0x0;
	s26 =	simm.s32 $0x1A000  }
.LBB2_16:
0x92: {  	p0 =	sne.s32 s25, $0xF80  }
.Ltmp7:
0x93: {  	_ = 	snop;
	(pc) =	sbr.rel @p0 .LBB2_16-.Ltmp7, $4  }
0x94: {  	_ = 	snop  }
0x95: {  	s28 =	sadd.s32 s25, s8  }
0x96: {  	[tilespmem:s26], [sflag:$0x2] =	stream.linear.gather [hbm4b:s28+s3], $0x80, $0x38;
	[tilespmem:$0x1C000] =	vst v63  }
0x97: {  	s25 =	sadd.s32 $0x80, s25;
	s26 =	sadd.s32 $0x100, s26  }
0x98: {  	s25 =	simm.s32 $0x180F0  }
0x99: {  	s26 =	simm.s32 $0x1A0F0;
	v4 =	vld [tilespmem:s25+$0x0]  }
0x9a: {  	v5 =	vld [tilespmem:s26+$0x0]  }
0x9b: {  	v6 =	vld [tilespmem:s25+$0xFFFFFFA0]  }
0x9c: {  	v7 =	vld [tilespmem:s25+$0xFFFFFFB0]  }
0x9d: {  	v8 =	vld [tilespmem:s25+$0xFFFFFFC0]  }
0x9e: {  	v9 =	vld [tilespmem:s25+$0xFFFFFFD0]  }
0x9f: {  	v10 =	vld [tilespmem:s25+$0xFFFFFFE0]  }
0xa0: {  	v11 =	vld [tilespmem:s25+$0xFFFFFFF0]  }
0xa1: {  	v12 =	vld [tilespmem:s25+$0xFFFFFF90]  }
0xa2: {  	v13 =	vld [tilespmem:s26+$0xFFFFFF90]  }
0xa3: {  	v15 =	vld [tilespmem:s26+$0xFFFFFFB0]  }
0xa4: {  	v16 =	vld [tilespmem:s26+$0xFFFFFFC0]  }
0xa5: {  	v17 =	vld [tilespmem:s26+$0xFFFFFFD0]  }
0xa6: {  	v18 =	vld [tilespmem:s26+$0xFFFFFFE0];
	v4 =	vshll.u32 v4, $0xB  }
0xa7: {  	s31 =	simm.s32 $0x181F0;
	v19 =	vld [tilespmem:s26+$0xFFFFFFF0];
	v6 =	vshll.u32 v6, $0xB;
	v12 =	vshll.u32 v12, $0xB;
	v7 =	vshll.u32 v7, $0xB  }
0xa8: {  	v21 =	vld [tilespmem:s31+$0xFFFFFFC0];
	v8 =	vshll.u32 v8, $0xB;
	v9 =	vshll.u32 v9, $0xB;
	v4 =	vadd.s32 v5, v4  }
0xa9: {  	s28 =	simm.s32 $0x11070;
	v10 =	vshll.u32 v10, $0xB;
	v11 =	vshll.u32 v11, $0xB;
	v5 =	vld [tilespmem:s26+$0xFFFFFFA0];
	v14 =	vsub.s32 v4, v0  }
0xaa: {  	s25 =	simm.s32 $0x1A1F0;
	v12 =	vadd.s32 v13, v12;
	v13 =	vld [tilespmem:s31+$0x0];
	v8 =	vadd.s32 v16, v8;
	[tilespmem:s28+$0x0] =	vst v4;
	vm0 =	vlt.u32 v14, $0x10000  }
0xab: {  	v20 =	vld [tilespmem:s25+$0x0];
	v7 =	vadd.s32 v15, v7;
	v9 =	vadd.s32 v17, v9;
	[tilespmem:s28+$0xFFFFFFC0] =	vst v8;
	v14 =	vnsel vm0, $0x0, v14  }
0xac: {  	v22 =	vld [tilespmem:s31+$0xFFFFFFD0];
	v10 =	vadd.s32 v18, v10;
	v11 =	vadd.s32 v19, v11;
	v4 =	vsub.s32 v12, v0;
	[tilespmem:s28+$0xFFFFFFD0] =	vst v9  }
0xad: {  	v23 =	vld [tilespmem:s31+$0xFFFFFFE0];
	v16 =	vsub.s32 v7, v0;
	v8 =	vsub.s32 v8, v0;
	v9 =	vsub.s32 v9, v0;
	[tilespmem:s28+$0xFFFFFFB0] =	vst v7  }
0xae: {  	v24 =	vld [tilespmem:s31+$0xFFFFFFF0];
	v7 =	vsub.s32 v10, v0;
	[tilespmem:s28+$0xFFFFFFE0] =	vst v10;
	v10 =	vsub.s32 v11, v0;
	vm5 =	vlt.u32 v4, $0x10000  }
0xaf: {  	v25 =	vld [tilespmem:s25+$0xFFFFFF90];
	[tilespmem:s28+$0xFFFFFF90] =	vst v12;
	vm4 =	vlt.u32 v16, $0x10000;
	v5 =	vadd.s32 v5, v6;
	v13 =	vshll.u32 v13, $0xB  }
0xb0: {  	v4 =	vnsel vm5, $0x0, v4;
	v6 =	vld [tilespmem:s31+$0xFFFFFFA0];
	v13 =	vadd.s32 v20, v13;
	[tilespmem:v14+s3+$0x0] =	vst.idx.msk vm0, v3;
	v14 =	vsub.s32 v5, v0  }
0xb1: {  	[tilespmem:s28+$0xFFFFFFF0] =	vst v11;
	v27 =	vnsel vm4, $0x0, v16;
	v20 =	vld [tilespmem:s31+$0xFFFFFF90];
	v12 =	vsub.s32 v13, v0;
	vm6 =	vlt.u32 v14, $0x10000  }
0xb2: {  	v15 =	vld [tilespmem:s31+$0xFFFFFFB0];
	v11 =	vshll.u32 v22, $0xB;
	[tilespmem:s28+$0xFFFFFFA0] =	vst v5;
	vm7 =	vlt.u32 v12, $0x10000;
	v5 =	vnsel vm6, $0x0, v14  }
0xb3: {  	s26 =	simm.s32 $0x110F0;
	vm1 =	vlt.u32 v8, $0x10000;
	vm3 =	vlt.u32 v7, $0x10000;
	v16 =	vld [tilespmem:s25+$0xFFFFFFA0];
	v26 =	vnsel vm7, $0x0, v12  }
0xb4: {  	v17 =	vld [tilespmem:s25+$0xFFFFFFB0];
	vm2 =	vlt.u32 v10, $0x10000;
	v18 =	vnsel vm3, $0x0, v7;
	[tilespmem:s26+$0x0] =	vst v13;
	v14 =	vnsel vm1, $0x0, v8  }
0xb5: {  	v19 =	vld [tilespmem:s25+$0xFFFFFFC0];
	v7 =	vshll.u32 v23, $0xB;
	vm0 =	vlt.u32 v9, $0x10000;
	[tilespmem:v4+s3+$0x0] =	vst.idx.msk vm5, v3;
	v12 =	vshll.u32 v21, $0xB  }
0xb6: {  	[tilespmem:v27+s3+$0x0] =	vst.idx.msk vm4, v3;
	v4 =	vnsel vm0, $0x0, v9;
	v28 =	vshll.u32 v6, $0xB;
	v8 =	vshll.u32 v20, $0xB;
	v20 =	vld [tilespmem:s25+$0xFFFFFFD0]  }
0xb7: {  	v6 =	vshll.u32 v15, $0xB;
	v15 =	vld [tilespmem:s25+$0xFFFFFFE0];
	[tilespmem:v5+s3+$0x0] =	vst.idx.msk vm6, v3;
	v5 =	vnsel vm2, $0x0, v10;
	v10 =	vadd.s32 v25, v8  }
0xb8: {  	s29 =	simm.s32 $0x182F0;
	s28 =	simm.s32 $0x80;
	v9 =	vadd.s32 v16, v28;
	v16 =	vld [tilespmem:s25+$0xFFFFFFF0];
	[tilespmem:v26+s3+$0x0] =	vst.idx.msk vm7, v3;
	v8 =	vshll.u32 v24, $0xB;
	v13 =	vsub.s32 v10, v0  }
.LBB2_18:
0xb9: {  	v21 =	vld [tilespmem:s29+$0x0];
	s28 =	sadd.s32 $0x80, s28;
	vm5 =	vlt.u32 v13, $0x10000;
	v22 =	vsub.s32 v9, v0;
	v17 =	vadd.s32 v17, v6;
	s25 =	sadd.s32 $0x100, s25;
	[tilespmem:v14+s3+$0x0] =	vst.idx.msk vm1, v3  }
0xba: {  	v6 =	vld [tilespmem:s25+$0x0];
	p0 =	slt.u32 s28, $0xF80;
	vm6 =	vlt.u32 v22, $0x10000;
	v14 =	vsub.s32 v17, v0;
	v12 =	vadd.s32 v19, v12;
	[tilespmem:v18+s3+$0x0] =	vst.idx.msk vm3, v3  }
0xbb: {  	v18 =	vld [tilespmem:s29+$0xFFFFFFA0];
	vm4 =	vlt.u32 v14, $0x10000;
	[tilespmem:s26+$0xFFFFFFC0] =	vst v12;
	v19 =	vsub.s32 v12, v0;
	v11 =	vadd.s32 v20, v11  }
0xbc: {  	v12 =	vld [tilespmem:s29+$0xFFFFFFB0];
	vm1 =	vlt.u32 v19, $0x10000;
	[tilespmem:s26+$0xFFFFFFD0] =	vst v11;
	v20 =	vsub.s32 v11, v0;
	v7 =	vadd.s32 v15, v7  }
0xbd: {  	v11 =	vld [tilespmem:s29+$0xFFFFFFC0];
	v15 =	vsub.s32 v7, v0;
	v8 =	vadd.s32 v16, v8;
	[tilespmem:v4+s3+$0x0] =	vst.idx.msk vm0, v3;
	vm0 =	vlt.u32 v20, $0x10000  }
0xbe: {  	v4 =	vld [tilespmem:s29+$0xFFFFFFD0];
	v16 =	vshll.u32 v21, $0xB;
	vm3 =	vlt.u32 v15, $0x10000;
	v21 =	vsub.s32 v8, v0;
	[tilespmem:v5+s3+$0x0] =	vst.idx.msk vm2, v3  }
0xbf: {  	v5 =	vld [tilespmem:s29+$0xFFFFFFE0];
	v16 =	vadd.s32 v6, v16;
	[tilespmem:s26+$0xFFFFFF90] =	vst v10;
	v10 =	vnsel vm5, $0x0, v13;
	vm2 =	vlt.u32 v21, $0x10000  }
0xc0: {  	v23 =	vshll.u32 v18, $0xB;
	v13 =	vld [tilespmem:s29+$0xFFFFFFF0];
	v18 =	vsub.s32 v16, v0;
	[tilespmem:s26+$0xFFFFFFA0] =	vst v9;
	v9 =	vnsel vm6, $0x0, v22  }
0xc1: {  	v24 =	vnsel vm4, $0x0, v14;
	v22 =	vld [tilespmem:s29+$0xFFFFFF90];
	v6 =	vshll.u32 v12, $0xB;
	vm7 =	vlt.u32 v18, $0x10000;
	[tilespmem:s26+$0xFFFFFFB0] =	vst v17  }
0xc2: {  	v14 =	vnsel vm1, $0x0, v19;
	v25 =	vld [tilespmem:s25+$0xFFFFFF90];
	v12 =	vshll.u32 v11, $0xB;
	v26 =	vnsel vm7, $0x0, v18;
	[tilespmem:s26+$0xFFFFFFE0] =	vst v7  }
0xc3: {  	v18 =	vnsel vm3, $0x0, v15;
	v27 =	vld [tilespmem:s25+$0xFFFFFFA0];
	v11 =	vshll.u32 v4, $0xB;
	v4 =	vnsel vm0, $0x0, v20;
	[tilespmem:s26+$0xFFFFFFF0] =	vst v8  }
.Ltmp8:
0xc4: {  	v17 =	vld [tilespmem:s25+$0xFFFFFFB0];
	v7 =	vshll.u32 v5, $0xB;
	[tilespmem:v10+s3+$0x0] =	vst.idx.msk vm5, v3;
	v5 =	vnsel vm2, $0x0, v21;
	(pc) =	sbr.rel @p0 .LBB2_18-.Ltmp8, $4  }
0xc5: {  	s26 =	sadd.s32 $0x80, s26;
	v19 =	vld [tilespmem:s25+$0xFFFFFFC0];
	v8 =	vshll.u32 v13, $0xB;
	[tilespmem:v9+s3+$0x0] =	vst.idx.msk vm6, v3  }
0xc6: {  	v9 =	vshll.u32 v22, $0xB;
	v20 =	vld [tilespmem:s25+$0xFFFFFFD0];
	[tilespmem:s26+$0x0] =	vst v16  }
0xc7: {  	v10 =	vadd.s32 v25, v9;
	v15 =	vld [tilespmem:s25+$0xFFFFFFE0];
	[tilespmem:v26+s3+$0x0] =	vst.idx.msk vm7, v3  }
0xc8: {  	s29 =	sadd.s32 $0x100, s29;
	v13 =	vsub.s32 v10, v0;
	v9 =	vadd.s32 v27, v23;
	v16 =	vld [tilespmem:s25+$0xFFFFFFF0];
	[tilespmem:v24+s3+$0x0] =	vst.idx.msk vm4, v3  }
0xc9: {  	_ =	sdelay $0x4  }
0xca: {  	[tilespmem:v14+s3+$0x0] =	vst.idx.msk vm1, v3  }
0xcb: {  	[tilespmem:v18+s3+$0x0] =	vst.idx.msk vm3, v3  }
0xcc: {  	[tilespmem:v4+s3+$0x0] =	vst.idx.msk vm0, v3  }
0xcd: {  	v56 =	vsub.s32 v9, v0;
	[tilespmem:v5+s3+$0x0] =	vst.idx.msk vm2, v3  }
0xce: {  	v6 =	vadd.s32 v17, v6;
	vm12 =	vlt.u32 v13, $0x10000;
	[tilespmem:s26+$0xFFFFFF90] =	vst v10;
	v12 =	vadd.s32 v19, v12  }
0xcf: {  	[tilespmem:s26+$0xFFFFFFA0] =	vst v9;
	vm13 =	vlt.u32 v56, $0x10000;
	v4 =	vsub.s32 v6, v0;
	v57 =	vnsel vm12, $0x0, v13  }
0xd0: {  	[tilespmem:s26+$0xFFFFFFB0] =	vst v6;
	v11 =	vadd.s32 v20, v11;
	vm14 =	vlt.u32 v4, $0x10000;
	v5 =	vsub.s32 v12, v0  }
0xd1: {  	[tilespmem:s26+$0xFFFFFFC0] =	vst v12;
	v58 =	vnsel vm13, $0x0, v56;
	vm15 =	vlt.u32 v5, $0x10000;
	v7 =	vadd.s32 v15, v7  }
0xd2: {  	[tilespmem:s26+$0xFFFFFFD0] =	vst v11;
	v11 =	vsub.s32 v11, v0;
	v4 =	vnsel vm14, $0x0, v4;
	v59 =	vsub.s32 v7, v0  }
0xd3: {  	v60 =	vadd.s32 v16, v8;
	v5 =	vnsel vm15, $0x0, v5;
	[tilespmem:s26+$0xFFFFFFE0] =	vst v7;
	vm5 =	vlt.u32 v11, $0x10000  }
0xd4: {  	vm4 =	vlt.u32 v59, $0x10000;
	v61 =	vsub.s32 v60, v0;
	[tilespmem:s26+$0xFFFFFFF0] =	vst v60;
	v63 =	vnsel vm5, $0x0, v11  }
0xd5: {  	v62 =	vnsel vm4, $0x0, v59;
	vm6 =	vlt.u32 v61, $0x10000;
	[tilespmem:v57+s3+$0x0] =	vst.idx.msk vm12, v3  }
0xd6: {  	v7 =	vnsel vm6, $0x0, v61;
	[tilespmem:v58+s3+$0x0] =	vst.idx.msk vm13, v3  }
0xd7: {  	[tilespmem:v4+s3+$0x0] =	vst.idx.msk vm14, v3  }
0xd8: {  	[tilespmem:v5+s3+$0x0] =	vst.idx.msk vm15, v3  }
0xd9: {  	[tilespmem:v63+s3+$0x0] =	vst.idx.msk vm5, v3  }
0xda: {  	[tilespmem:v62+s3+$0x0] =	vst.idx.msk vm4, v3  }
0xdb: {  	[tilespmem:v7+s3+$0x0] =	vst.idx.msk vm6, v3  }
0xdc: {  	_ =	swait.ge [sflag:s22], $0x1000  }
0xdd: {  	[sflag:s22] =	ssyncset.done $0x0  }
0xde: {  	[sflag:s22] =	ssyncadd.s32 $0xFFFFF000  }
0xdf: {  	_ =	swait.ge [sflag:s22], $0x1000  }
0xe0: {  	s25 =	simm.s32 $0x18080;
	s29 =	sadd.s32 $0x0, s9;
	[sflag:s22] =	ssyncset.done $0x0  }
0xe1: {  	s28 =	simm.s32 $0x18180;
	s26 =	simm.s32 $0x80;
	[sflag:s22] =	ssyncadd.s32 $0xFFFFF000  }
.LBB2_20:
0xe2: {  	[tilespmem:s25], [sflag:$0x2] =	stream.linear.gather [hbm4b:s29+s3], $0x80, $0x38;
	[tilespmem:$0x1C000] =	vst v63  }
0xe3: {  	s29 =	smov.u32 s26;
	s25 =	smov.u32 s28;
	p0 =	sne.s32 s26, $0xF80  }
.Ltmp9:
0xe4: {  	s26 =	sadd.s32 $0x80, s26;
	(pc) =	sbr.rel @p0 .LBB2_20-.Ltmp9, $2  }
0xe5: {  	_ =	sdelay $0x2  }
0xe6: {  	s28 =	sadd.s32 $0x100, s28;
	s29 =	sadd.s32 s29, s9  }
0xe7: {  	[tilespmem:s25], [sflag:$0x2] =	stream.linear.gather [hbm4b:s29+s3], $0x80, $0x38;
	[tilespmem:$0x1C000] =	vst v63  }
0xe8: {  	s25 =	simm.s32 $0x0;
	s26 =	simm.s32 $0x1A080  }
.LBB2_22:
0xe9: {  	p0 =	sne.s32 s25, $0xF80  }
.Ltmp10:
0xea: {  	_ = 	snop;
	(pc) =	sbr.rel @p0 .LBB2_22-.Ltmp10, $4  }
0xeb: {  	_ = 	snop  }
0xec: {  	s28 =	sadd.s32 s25, s10  }
0xed: {  	[tilespmem:s26], [sflag:$0x2] =	stream.linear.gather [hbm4b:s28+s3], $0x80, $0x38;
	[tilespmem:$0x1C000] =	vst v63  }
0xee: {  	s25 =	sadd.s32 $0x80, s25;
	s26 =	sadd.s32 $0x100, s26  }
0xef: {  	s25 =	simm.s32 $0x18040  }
0xf0: {  	s26 =	simm.s32 $0x1A040;
	v4 =	vld [tilespmem:s25+$0x30]  }
0xf1: {  	v5 =	vld [tilespmem:s26+$0x30]  }
0xf2: {  	v6 =	vld [tilespmem:s25+$0xFFFFFFD0]  }
0xf3: {  	v7 =	vld [tilespmem:s25+$0xFFFFFFE0]  }
0xf4: {  	v8 =	vld [tilespmem:s25+$0xFFFFFFF0]  }
0xf5: {  	v9 =	vld [tilespmem:s25+$0x0]  }
0xf6: {  	v10 =	vld [tilespmem:s25+$0x10]  }
0xf7: {  	v11 =	vld [tilespmem:s25+$0x20]  }
0xf8: {  	v12 =	vld [tilespmem:s25+$0xFFFFFFC0]  }
0xf9: {  	v13 =	vld [tilespmem:s26+$0xFFFFFFC0]  }
0xfa: {  	s31 =	simm.s32 $0x18140;
	v14 =	vld [tilespmem:s26+$0xFFFFFFD0]  }
0xfb: {  	v20 =	vld [tilespmem:s31+$0x30]  }
0xfc: {  	v16 =	vld [tilespmem:s26+$0xFFFFFFF0]  }
0xfd: {  	v17 =	vld [tilespmem:s26+$0x0];
	v4 =	vshll.u32 v4, $0xB  }
0xfe: {  	v18 =	vld [tilespmem:s26+$0x10];
	v6 =	vshll.u32 v6, $0xB;
	v7 =	vshll.u32 v7, $0xB;
	v8 =	vshll.u32 v8, $0xB  }
0xff: {  	v19 =	vld [tilespmem:s26+$0x20];
	v9 =	vshll.u32 v9, $0xB;
	v12 =	vshll.u32 v12, $0xB;
	v10 =	vshll.u32 v10, $0xB  }
0x100: {  	s25 =	simm.s32 $0x1A140;
	v21 =	vld [tilespmem:s31+$0xFFFFFFE0];
	v11 =	vshll.u32 v11, $0xB;
	v20 =	vshll.u32 v20, $0xB;
	v4 =	vadd.s32 v5, v4  }
0x101: {  	s28 =	simm.s32 $0x12070;
	v12 =	vadd.s32 v13, v12;
	v13 =	vld [tilespmem:s25+$0x30];
	v6 =	vadd.s32 v14, v6;
	v15 =	vsub.s32 v4, v0  }
0x102: {  	v5 =	vld [tilespmem:s26+$0xFFFFFFE0];
	v8 =	vadd.s32 v16, v8;
	v9 =	vadd.s32 v17, v9;
	[tilespmem:s28+$0x0] =	vst v4;
	vm0 =	vlt.u32 v15, $0x10000  }
0x103: {  	v22 =	vld [tilespmem:s31+$0x10];
	v4 =	vsub.s32 v12, v0;
	v14 =	vsub.s32 v6, v0;
	[tilespmem:s28+$0xFFFFFF90] =	vst v12;
	v15 =	vnsel vm0, $0x0, v15  }
0x104: {  	v23 =	vld [tilespmem:s31+$0x20];
	v12 =	vsub.s32 v8, v0;
	[tilespmem:s28+$0xFFFFFFC0] =	vst v8;
	v8 =	vadd.s32 v18, v10;
	v10 =	vadd.s32 v19, v11  }
0x105: {  	v16 =	vld [tilespmem:s31+$0xFFFFFFF0];
	[tilespmem:s28+$0xFFFFFFA0] =	vst v6;
	vm6 =	vlt.u32 v4, $0x10000;
	vm5 =	vlt.u32 v14, $0x10000;
	v26 =	vsub.s32 v10, v0  }
0x106: {  	v17 =	vld [tilespmem:s31+$0x0];
	[tilespmem:s28+$0xFFFFFFD0] =	vst v9;
	v4 =	vnsel vm6, $0x0, v4;
	v24 =	vnsel vm5, $0x0, v14;
	v20 =	vadd.s32 v13, v20  }
0x107: {  	v18 =	vld [tilespmem:s31+$0xFFFFFFC0];
	[tilespmem:s28+$0xFFFFFFE0] =	vst v8;
	vm3 =	vlt.u32 v26, $0x10000;
	v5 =	vadd.s32 v5, v7;
	v6 =	vsub.s32 v20, v0  }
0x108: {  	v7 =	vld [tilespmem:s31+$0xFFFFFFD0];
	vm7 =	vlt.u32 v6, $0x10000;
	[tilespmem:v15+s3+$0x0] =	vst.idx.msk vm0, v3;
	v15 =	vsub.s32 v5, v0;
	vm0 =	vlt.u32 v12, $0x10000  }
0x109: {  	v11 =	vld [tilespmem:s25+$0xFFFFFFC0];
	[tilespmem:s28+$0xFFFFFFB0] =	vst v5;
	v5 =	vsub.s32 v9, v0;
	v25 =	vnsel vm7, $0x0, v6;
	vm4 =	vlt.u32 v15, $0x10000  }
0x10a: {  	v28 =	vld [tilespmem:s25+$0xFFFFFFD0];
	s26 =	simm.s32 $0x120F0;
	[tilespmem:s28+$0xFFFFFFF0] =	vst v10;
	v9 =	vsub.s32 v8, v0;
	v8 =	vshll.u32 v21, $0xB;
	v27 =	vnsel vm4, $0x0, v15  }
0x10b: {  	v19 =	vld [tilespmem:s25+$0xFFFFFFE0];
	[tilespmem:s26+$0x0] =	vst v20;
	v6 =	vshll.u32 v16, $0xB;
	vm1 =	vlt.u32 v5, $0x10000;
	v13 =	vnsel vm0, $0x0, v12  }
0x10c: {  	v14 =	vld [tilespmem:s25+$0xFFFFFFF0];
	[tilespmem:v4+s3+$0x0] =	vst.idx.msk vm6, v3;
	v4 =	vshll.u32 v17, $0xB;
	vm2 =	vlt.u32 v9, $0x10000;
	v16 =	vnsel vm1, $0x0, v5  }
0x10d: {  	[tilespmem:v24+s3+$0x0] =	vst.idx.msk vm5, v3;
	v17 =	vld [tilespmem:s25+$0x0];
	v29 =	vshll.u32 v7, $0xB;
	v10 =	vnsel vm2, $0x0, v9;
	v5 =	vshll.u32 v18, $0xB  }
0x10e: {  	v12 =	vld [tilespmem:s25+$0x10];
	v7 =	vshll.u32 v22, $0xB;
	v15 =	vnsel vm3, $0x0, v26;
	v20 =	vadd.s32 v11, v5;
	[tilespmem:v25+s3+$0x0] =	vst.idx.msk vm7, v3  }
0x10f: {  	s29 =	simm.s32 $0x18240;
	s28 =	simm.s32 $0x80;
	v5 =	vshll.u32 v23, $0xB;
	v18 =	vadd.s32 v28, v29;
	v11 =	vld [tilespmem:s25+$0x20];
	v9 =	vsub.s32 v20, v0;
	[tilespmem:v27+s3+$0x0] =	vst.idx.msk vm4, v3  }
.LBB2_24:
0x110: {  	v21 =	vld [tilespmem:s29+$0x30];
	s28 =	sadd.s32 $0x80, s28;
	vm5 =	vlt.u32 v9, $0x10000;
	v22 =	vsub.s32 v18, v0;
	v8 =	vadd.s32 v19, v8;
	s25 =	sadd.s32 $0x100, s25;
	[tilespmem:v13+s3+$0x0] =	vst.idx.msk vm0, v3  }
0x111: {  	v13 =	vld [tilespmem:s25+$0x30];
	p0 =	slt.u32 s28, $0xF80;
	vm6 =	vlt.u32 v22, $0x10000;
	v19 =	vsub.s32 v8, v0;
	v6 =	vadd.s32 v14, v6;
	[tilespmem:v16+s3+$0x0] =	vst.idx.msk vm1, v3  }
0x112: {  	v14 =	vld [tilespmem:s29+$0xFFFFFFD0];
	vm4 =	vlt.u32 v19, $0x10000;
	v16 =	vsub.s32 v6, v0;
	v4 =	vadd.s32 v17, v4;
	[tilespmem:v10+s3+$0x0] =	vst.idx.msk vm2, v3  }
0x113: {  	v10 =	vld [tilespmem:s29+$0xFFFFFFE0];
	vm0 =	vlt.u32 v16, $0x10000;
	v17 =	vsub.s32 v4, v0;
	v7 =	vadd.s32 v12, v7;
	[tilespmem:v15+s3+$0x0] =	vst.idx.msk vm3, v3  }
0x114: {  	v12 =	vld [tilespmem:s29+$0xFFFFFFF0];
	[tilespmem:s26+$0xFFFFFF90] =	vst v20;
	vm1 =	vlt.u32 v17, $0x10000;
	v15 =	vsub.s32 v7, v0;
	v5 =	vadd.s32 v11, v5  }
0x115: {  	v11 =	vld [tilespmem:s29+$0x0];
	v20 =	vshll.u32 v21, $0xB;
	[tilespmem:s26+$0xFFFFFFA0] =	vst v18;
	vm2 =	vlt.u32 v15, $0x10000;
	v18 =	vsub.s32 v5, v0  }
0x116: {  	v9 =	vnsel vm5, $0x0, v9;
	v21 =	vld [tilespmem:s29+$0x10];
	v20 =	vadd.s32 v13, v20;
	[tilespmem:s26+$0xFFFFFFB0] =	vst v8;
	vm3 =	vlt.u32 v18, $0x10000  }
0x117: {  	v22 =	vnsel vm6, $0x0, v22;
	v23 =	vshll.u32 v14, $0xB;
	v24 =	vld [tilespmem:s29+$0x20];
	v13 =	vsub.s32 v20, v0;
	[tilespmem:s26+$0xFFFFFFC0] =	vst v6  }
0x118: {  	v26 =	vnsel vm4, $0x0, v19;
	v25 =	vld [tilespmem:s29+$0xFFFFFFC0];
	v8 =	vshll.u32 v10, $0xB;
	vm7 =	vlt.u32 v13, $0x10000;
	[tilespmem:s26+$0xFFFFFFD0] =	vst v4  }
0x119: {  	v27 =	vld [tilespmem:s25+$0xFFFFFFC0];
	v6 =	vshll.u32 v12, $0xB;
	v28 =	vnsel vm7, $0x0, v13;
	v13 =	vnsel vm0, $0x0, v16;
	[tilespmem:s26+$0xFFFFFFE0] =	vst v7  }
0x11a: {  	v10 =	vnsel vm2, $0x0, v15;
	v16 =	vnsel vm1, $0x0, v17;
	v29 =	vld [tilespmem:s25+$0xFFFFFFD0];
	v4 =	vshll.u32 v11, $0xB;
	[tilespmem:s26+$0xFFFFFFF0] =	vst v5  }
.Ltmp11:
0x11b: {  	v15 =	vnsel vm3, $0x0, v18;
	v19 =	vld [tilespmem:s25+$0xFFFFFFE0];
	v7 =	vshll.u32 v21, $0xB;
	[tilespmem:v9+s3+$0x0] =	vst.idx.msk vm5, v3;
	(pc) =	sbr.rel @p0 .LBB2_24-.Ltmp11, $4  }
0x11c: {  	s26 =	sadd.s32 $0x80, s26;
	v14 =	vld [tilespmem:s25+$0xFFFFFFF0];
	v5 =	vshll.u32 v24, $0xB;
	[tilespmem:v22+s3+$0x0] =	vst.idx.msk vm6, v3  }
0x11d: {  	v9 =	vshll.u32 v25, $0xB;
	v17 =	vld [tilespmem:s25+$0x0];
	[tilespmem:s26+$0x0] =	vst v20  }
0x11e: {  	v20 =	vadd.s32 v27, v9;
	v12 =	vld [tilespmem:s25+$0x10];
	[tilespmem:v28+s3+$0x0] =	vst.idx.msk vm7, v3  }
0x11f: {  	s29 =	sadd.s32 $0x100, s29;
	v9 =	vsub.s32 v20, v0;
	v18 =	vadd.s32 v29, v23;
	v11 =	vld [tilespmem:s25+$0x20];
	[tilespmem:v26+s3+$0x0] =	vst.idx.msk vm4, v3  }
0x120: {  	_ =	sdelay $0x4  }
0x121: {  	[tilespmem:v13+s3+$0x0] =	vst.idx.msk vm0, v3  }
0x122: {  	[tilespmem:v16+s3+$0x0] =	vst.idx.msk vm1, v3  }
0x123: {  	[tilespmem:v10+s3+$0x0] =	vst.idx.msk vm2, v3  }
0x124: {  	v8 =	vadd.s32 v19, v8;
	[tilespmem:v15+s3+$0x0] =	vst.idx.msk vm3, v3  }
0x125: {  	vm12 =	vlt.u32 v9, $0x10000;
	v57 =	vsub.s32 v18, v0;
	[tilespmem:s26+$0xFFFFFF90] =	vst v20;
	v58 =	vsub.s32 v8, v0  }
0x126: {  	[tilespmem:s26+$0xFFFFFFA0] =	vst v18;
	vm13 =	vlt.u32 v57, $0x10000;
	v6 =	vadd.s32 v14, v6;
	v9 =	vnsel vm12, $0x0, v9  }
0x127: {  	[tilespmem:s26+$0xFFFFFFB0] =	vst v8;
	vm14 =	vlt.u32 v58, $0x10000;
	v14 =	vsub.s32 v6, v0;
	v4 =	vadd.s32 v17, v4  }
0x128: {  	v10 =	vnsel vm13, $0x0, v57;
	[tilespmem:s26+$0xFFFFFFC0] =	vst v6;
	vm15 =	vlt.u32 v14, $0x10000;
	v59 =	vsub.s32 v4, v0  }
0x129: {  	v60 =	vadd.s32 v12, v7;
	v61 =	vnsel vm14, $0x0, v58;
	[tilespmem:s26+$0xFFFFFFD0] =	vst v4;
	vm4 =	vlt.u32 v59, $0x10000  }
0x12a: {  	v4 =	vsub.s32 v60, v0;
	v5 =	vadd.s32 v11, v5;
	v62 =	vnsel vm15, $0x0, v14;
	[tilespmem:s26+$0xFFFFFFE0] =	vst v60  }
0x12b: {  	vm5 =	vlt.u32 v4, $0x10000;
	v63 =	vsub.s32 v5, v0;
	v8 =	vnsel vm4, $0x0, v59;
	[tilespmem:s26+$0xFFFFFFF0] =	vst v5  }
0x12c: {  	vm6 =	vlt.u32 v63, $0x10000;
	v4 =	vnsel vm5, $0x0, v4;
	[tilespmem:v9+s3+$0x0] =	vst.idx.msk vm12, v3  }
0x12d: {  	v5 =	vnsel vm6, $0x0, v63;
	[tilespmem:v10+s3+$0x0] =	vst.idx.msk vm13, v3  }
0x12e: {  	[tilespmem:v61+s3+$0x0] =	vst.idx.msk vm14, v3  }
0x12f: {  	[tilespmem:v62+s3+$0x0] =	vst.idx.msk vm15, v3  }
0x130: {  	[tilespmem:v8+s3+$0x0] =	vst.idx.msk vm4, v3  }
0x131: {  	[tilespmem:v4+s3+$0x0] =	vst.idx.msk vm5, v3  }
0x132: {  	[tilespmem:v5+s3+$0x0] =	vst.idx.msk vm6, v3  }
0x133: {  	_ =	swait.ge [sflag:s22], $0x1000  }
0x134: {  	[sflag:s22] =	ssyncset.done $0x0  }
0x135: {  	[sflag:s22] =	ssyncadd.s32 $0xFFFFF000  }
0x136: {  	_ =	swait.ge [sflag:s22], $0x1000  }
0x137: {  	s25 =	simm.s32 $0x18000;
	s29 =	sadd.s32 $0x0, s11;
	[sflag:s22] =	ssyncset.done $0x0  }
0x138: {  	s28 =	simm.s32 $0x18100;
	s26 =	simm.s32 $0x80;
	[sflag:s22] =	ssyncadd.s32 $0xFFFFF000  }
.LBB2_26:
0x139: {  	[tilespmem:s25], [sflag:$0x2] =	stream.linear.gather [hbm4b:s29+s3], $0x80, $0x38;
	[tilespmem:$0x1C000] =	vst v63  }
0x13a: {  	s29 =	smov.u32 s26;
	s25 =	smov.u32 s28;
	p0 =	sne.s32 s26, $0xF80  }
.Ltmp12:
0x13b: {  	s26 =	sadd.s32 $0x80, s26;
	(pc) =	sbr.rel @p0 .LBB2_26-.Ltmp12, $2  }
0x13c: {  	_ =	sdelay $0x2  }
0x13d: {  	s28 =	sadd.s32 $0x100, s28;
	s29 =	sadd.s32 s29, s11  }
0x13e: {  	[tilespmem:s25], [sflag:$0x2] =	stream.linear.gather [hbm4b:s29+s3], $0x80, $0x38;
	[tilespmem:$0x1C000] =	vst v63  }
0x13f: {  	s25 =	simm.s32 $0x0;
	s26 =	simm.s32 $0x1A000  }
.LBB2_28:
0x140: {  	p0 =	sne.s32 s25, $0xF80  }
.Ltmp13:
0x141: {  	_ = 	snop;
	(pc) =	sbr.rel @p0 .LBB2_28-.Ltmp13, $4  }
0x142: {  	_ = 	snop  }
0x143: {  	s28 =	sadd.s32 s25, s12  }
0x144: {  	[tilespmem:s26], [sflag:$0x2] =	stream.linear.gather [hbm4b:s28+s3], $0x80, $0x38;
	[tilespmem:$0x1C000] =	vst v63  }
0x145: {  	s25 =	sadd.s32 $0x80, s25;
	s26 =	sadd.s32 $0x100, s26  }
0x146: {  	s25 =	simm.s32 $0x180F0  }
0x147: {  	s26 =	simm.s32 $0x1A0F0;
	v4 =	vld [tilespmem:s25+$0x0]  }
0x148: {  	v5 =	vld [tilespmem:s26+$0x0]  }
0x149: {  	v6 =	vld [tilespmem:s25+$0xFFFFFFA0]  }
0x14a: {  	v7 =	vld [tilespmem:s25+$0xFFFFFFB0]  }
0x14b: {  	v8 =	vld [tilespmem:s25+$0xFFFFFFC0]  }
0x14c: {  	v9 =	vld [tilespmem:s25+$0xFFFFFFD0]  }
0x14d: {  	v10 =	vld [tilespmem:s25+$0xFFFFFFE0]  }
0x14e: {  	v11 =	vld [tilespmem:s25+$0xFFFFFFF0]  }
0x14f: {  	v12 =	vld [tilespmem:s25+$0xFFFFFF90]  }
0x150: {  	v13 =	vld [tilespmem:s26+$0xFFFFFF90]  }
0x151: {  	v15 =	vld [tilespmem:s26+$0xFFFFFFB0]  }
0x152: {  	v16 =	vld [tilespmem:s26+$0xFFFFFFC0]  }
0x153: {  	v17 =	vld [tilespmem:s26+$0xFFFFFFD0]  }
0x154: {  	v18 =	vld [tilespmem:s26+$0xFFFFFFE0];
	v4 =	vshll.u32 v4, $0xB  }
0x155: {  	s31 =	simm.s32 $0x181F0;
	v19 =	vld [tilespmem:s26+$0xFFFFFFF0];
	v6 =	vshll.u32 v6, $0xB;
	v12 =	vshll.u32 v12, $0xB;
	v7 =	vshll.u32 v7, $0xB  }
0x156: {  	v21 =	vld [tilespmem:s31+$0xFFFFFFC0];
	v8 =	vshll.u32 v8, $0xB;
	v9 =	vshll.u32 v9, $0xB;
	v4 =	vadd.s32 v5, v4  }
0x157: {  	s28 =	simm.s32 $0x13070;
	v10 =	vshll.u32 v10, $0xB;
	v11 =	vshll.u32 v11, $0xB;
	v5 =	vld [tilespmem:s26+$0xFFFFFFA0];
	v14 =	vsub.s32 v4, v0  }
0x158: {  	s25 =	simm.s32 $0x1A1F0;
	v12 =	vadd.s32 v13, v12;
	v13 =	vld [tilespmem:s31+$0x0];
	v8 =	vadd.s32 v16, v8;
	[tilespmem:s28+$0x0] =	vst v4;
	vm0 =	vlt.u32 v14, $0x10000  }
0x159: {  	v20 =	vld [tilespmem:s25+$0x0];
	v7 =	vadd.s32 v15, v7;
	v9 =	vadd.s32 v17, v9;
	[tilespmem:s28+$0xFFFFFFC0] =	vst v8;
	v14 =	vnsel vm0, $0x0, v14  }
0x15a: {  	v22 =	vld [tilespmem:s31+$0xFFFFFFD0];
	v10 =	vadd.s32 v18, v10;
	v11 =	vadd.s32 v19, v11;
	v4 =	vsub.s32 v12, v0;
	[tilespmem:s28+$0xFFFFFFD0] =	vst v9  }
0x15b: {  	v23 =	vld [tilespmem:s31+$0xFFFFFFE0];
	v16 =	vsub.s32 v7, v0;
	v8 =	vsub.s32 v8, v0;
	v9 =	vsub.s32 v9, v0;
	[tilespmem:s28+$0xFFFFFFB0] =	vst v7  }
0x15c: {  	v24 =	vld [tilespmem:s31+$0xFFFFFFF0];
	v7 =	vsub.s32 v10, v0;
	[tilespmem:s28+$0xFFFFFFE0] =	vst v10;
	v10 =	vsub.s32 v11, v0;
	vm5 =	vlt.u32 v4, $0x10000  }
0x15d: {  	v25 =	vld [tilespmem:s25+$0xFFFFFF90];
	[tilespmem:s28+$0xFFFFFF90] =	vst v12;
	vm4 =	vlt.u32 v16, $0x10000;
	v5 =	vadd.s32 v5, v6;
	v13 =	vshll.u32 v13, $0xB  }
0x15e: {  	v4 =	vnsel vm5, $0x0, v4;
	v6 =	vld [tilespmem:s31+$0xFFFFFFA0];
	v13 =	vadd.s32 v20, v13;
	[tilespmem:v14+s3+$0x0] =	vst.idx.msk vm0, v3;
	v14 =	vsub.s32 v5, v0  }
0x15f: {  	[tilespmem:s28+$0xFFFFFFF0] =	vst v11;
	v27 =	vnsel vm4, $0x0, v16;
	v20 =	vld [tilespmem:s31+$0xFFFFFF90];
	v12 =	vsub.s32 v13, v0;
	vm6 =	vlt.u32 v14, $0x10000  }
0x160: {  	v15 =	vld [tilespmem:s31+$0xFFFFFFB0];
	v11 =	vshll.u32 v22, $0xB;
	[tilespmem:s28+$0xFFFFFFA0] =	vst v5;
	vm7 =	vlt.u32 v12, $0x10000;
	v5 =	vnsel vm6, $0x0, v14  }
0x161: {  	s26 =	simm.s32 $0x130F0;
	vm1 =	vlt.u32 v8, $0x10000;
	vm3 =	vlt.u32 v7, $0x10000;
	v16 =	vld [tilespmem:s25+$0xFFFFFFA0];
	v26 =	vnsel vm7, $0x0, v12  }
0x162: {  	v17 =	vld [tilespmem:s25+$0xFFFFFFB0];
	vm2 =	vlt.u32 v10, $0x10000;
	v18 =	vnsel vm3, $0x0, v7;
	[tilespmem:s26+$0x0] =	vst v13;
	v14 =	vnsel vm1, $0x0, v8  }
0x163: {  	v19 =	vld [tilespmem:s25+$0xFFFFFFC0];
	v7 =	vshll.u32 v23, $0xB;
	vm0 =	vlt.u32 v9, $0x10000;
	[tilespmem:v4+s3+$0x0] =	vst.idx.msk vm5, v3;
	v12 =	vshll.u32 v21, $0xB  }
0x164: {  	[tilespmem:v27+s3+$0x0] =	vst.idx.msk vm4, v3;
	v4 =	vnsel vm0, $0x0, v9;
	v28 =	vshll.u32 v6, $0xB;
	v8 =	vshll.u32 v20, $0xB;
	v20 =	vld [tilespmem:s25+$0xFFFFFFD0]  }
0x165: {  	v6 =	vshll.u32 v15, $0xB;
	v15 =	vld [tilespmem:s25+$0xFFFFFFE0];
	[tilespmem:v5+s3+$0x0] =	vst.idx.msk vm6, v3;
	v5 =	vnsel vm2, $0x0, v10;
	v10 =	vadd.s32 v25, v8  }
0x166: {  	s29 =	simm.s32 $0x182F0;
	s28 =	simm.s32 $0x80;
	v9 =	vadd.s32 v16, v28;
	v16 =	vld [tilespmem:s25+$0xFFFFFFF0];
	[tilespmem:v26+s3+$0x0] =	vst.idx.msk vm7, v3;
	v8 =	vshll.u32 v24, $0xB;
	v13 =	vsub.s32 v10, v0  }
.LBB2_30:
0x167: {  	v21 =	vld [tilespmem:s29+$0x0];
	s28 =	sadd.s32 $0x80, s28;
	vm5 =	vlt.u32 v13, $0x10000;
	v22 =	vsub.s32 v9, v0;
	v17 =	vadd.s32 v17, v6;
	s25 =	sadd.s32 $0x100, s25;
	[tilespmem:v14+s3+$0x0] =	vst.idx.msk vm1, v3  }
0x168: {  	v6 =	vld [tilespmem:s25+$0x0];
	p0 =	slt.u32 s28, $0xF80;
	vm6 =	vlt.u32 v22, $0x10000;
	v14 =	vsub.s32 v17, v0;
	v12 =	vadd.s32 v19, v12;
	[tilespmem:v18+s3+$0x0] =	vst.idx.msk vm3, v3  }
0x169: {  	v18 =	vld [tilespmem:s29+$0xFFFFFFA0];
	vm4 =	vlt.u32 v14, $0x10000;
	[tilespmem:s26+$0xFFFFFFC0] =	vst v12;
	v19 =	vsub.s32 v12, v0;
	v11 =	vadd.s32 v20, v11  }
0x16a: {  	v12 =	vld [tilespmem:s29+$0xFFFFFFB0];
	vm1 =	vlt.u32 v19, $0x10000;
	[tilespmem:s26+$0xFFFFFFD0] =	vst v11;
	v20 =	vsub.s32 v11, v0;
	v7 =	vadd.s32 v15, v7  }
0x16b: {  	v11 =	vld [tilespmem:s29+$0xFFFFFFC0];
	v15 =	vsub.s32 v7, v0;
	v8 =	vadd.s32 v16, v8;
	[tilespmem:v4+s3+$0x0] =	vst.idx.msk vm0, v3;
	vm0 =	vlt.u32 v20, $0x10000  }
0x16c: {  	v4 =	vld [tilespmem:s29+$0xFFFFFFD0];
	v16 =	vshll.u32 v21, $0xB;
	vm3 =	vlt.u32 v15, $0x10000;
	v21 =	vsub.s32 v8, v0;
	[tilespmem:v5+s3+$0x0] =	vst.idx.msk vm2, v3  }
0x16d: {  	v5 =	vld [tilespmem:s29+$0xFFFFFFE0];
	v16 =	vadd.s32 v6, v16;
	[tilespmem:s26+$0xFFFFFF90] =	vst v10;
	v10 =	vnsel vm5, $0x0, v13;
	vm2 =	vlt.u32 v21, $0x10000  }
0x16e: {  	v23 =	vshll.u32 v18, $0xB;
	v13 =	vld [tilespmem:s29+$0xFFFFFFF0];
	v18 =	vsub.s32 v16, v0;
	[tilespmem:s26+$0xFFFFFFA0] =	vst v9;
	v9 =	vnsel vm6, $0x0, v22  }
0x16f: {  	v24 =	vnsel vm4, $0x0, v14;
	v22 =	vld [tilespmem:s29+$0xFFFFFF90];
	v6 =	vshll.u32 v12, $0xB;
	vm7 =	vlt.u32 v18, $0x10000;
	[tilespmem:s26+$0xFFFFFFB0] =	vst v17  }
0x170: {  	v14 =	vnsel vm1, $0x0, v19;
	v25 =	vld [tilespmem:s25+$0xFFFFFF90];
	v12 =	vshll.u32 v11, $0xB;
	v26 =	vnsel vm7, $0x0, v18;
	[tilespmem:s26+$0xFFFFFFE0] =	vst v7  }
0x171: {  	v18 =	vnsel vm3, $0x0, v15;
	v27 =	vld [tilespmem:s25+$0xFFFFFFA0];
	v11 =	vshll.u32 v4, $0xB;
	v4 =	vnsel vm0, $0x0, v20;
	[tilespmem:s26+$0xFFFFFFF0] =	vst v8  }
.Ltmp14:
0x172: {  	v17 =	vld [tilespmem:s25+$0xFFFFFFB0];
	v7 =	vshll.u32 v5, $0xB;
	[tilespmem:v10+s3+$0x0] =	vst.idx.msk vm5, v3;
	v5 =	vnsel vm2, $0x0, v21;
	(pc) =	sbr.rel @p0 .LBB2_30-.Ltmp14, $4  }
0x173: {  	s26 =	sadd.s32 $0x80, s26;
	v19 =	vld [tilespmem:s25+$0xFFFFFFC0];
	v8 =	vshll.u32 v13, $0xB;
	[tilespmem:v9+s3+$0x0] =	vst.idx.msk vm6, v3  }
0x174: {  	v9 =	vshll.u32 v22, $0xB;
	v20 =	vld [tilespmem:s25+$0xFFFFFFD0];
	[tilespmem:s26+$0x0] =	vst v16  }
0x175: {  	v10 =	vadd.s32 v25, v9;
	v15 =	vld [tilespmem:s25+$0xFFFFFFE0];
	[tilespmem:v26+s3+$0x0] =	vst.idx.msk vm7, v3  }
0x176: {  	s29 =	sadd.s32 $0x100, s29;
	v13 =	vsub.s32 v10, v0;
	v9 =	vadd.s32 v27, v23;
	v16 =	vld [tilespmem:s25+$0xFFFFFFF0];
	[tilespmem:v24+s3+$0x0] =	vst.idx.msk vm4, v3  }
0x177: {  	_ =	sdelay $0x4  }
0x178: {  	[tilespmem:v14+s3+$0x0] =	vst.idx.msk vm1, v3  }
0x179: {  	[tilespmem:v18+s3+$0x0] =	vst.idx.msk vm3, v3  }
0x17a: {  	[tilespmem:v4+s3+$0x0] =	vst.idx.msk vm0, v3  }
0x17b: {  	v56 =	vsub.s32 v9, v0;
	[tilespmem:v5+s3+$0x0] =	vst.idx.msk vm2, v3  }
0x17c: {  	v6 =	vadd.s32 v17, v6;
	vm12 =	vlt.u32 v13, $0x10000;
	[tilespmem:s26+$0xFFFFFF90] =	vst v10;
	v12 =	vadd.s32 v19, v12  }
0x17d: {  	[tilespmem:s26+$0xFFFFFFA0] =	vst v9;
	vm13 =	vlt.u32 v56, $0x10000;
	v4 =	vsub.s32 v6, v0;
	v57 =	vnsel vm12, $0x0, v13  }
0x17e: {  	[tilespmem:s26+$0xFFFFFFB0] =	vst v6;
	v11 =	vadd.s32 v20, v11;
	vm14 =	vlt.u32 v4, $0x10000;
	v5 =	vsub.s32 v12, v0  }
0x17f: {  	[tilespmem:s26+$0xFFFFFFC0] =	vst v12;
	v58 =	vnsel vm13, $0x0, v56;
	vm15 =	vlt.u32 v5, $0x10000;
	v7 =	vadd.s32 v15, v7  }
0x180: {  	[tilespmem:s26+$0xFFFFFFD0] =	vst v11;
	v11 =	vsub.s32 v11, v0;
	v4 =	vnsel vm14, $0x0, v4;
	v59 =	vsub.s32 v7, v0  }
0x181: {  	v60 =	vadd.s32 v16, v8;
	v5 =	vnsel vm15, $0x0, v5;
	[tilespmem:s26+$0xFFFFFFE0] =	vst v7;
	vm5 =	vlt.u32 v11, $0x10000  }
0x182: {  	vm4 =	vlt.u32 v59, $0x10000;
	v61 =	vsub.s32 v60, v0;
	[tilespmem:s26+$0xFFFFFFF0] =	vst v60;
	v63 =	vnsel vm5, $0x0, v11  }
0x183: {  	v62 =	vnsel vm4, $0x0, v59;
	vm6 =	vlt.u32 v61, $0x10000;
	[tilespmem:v57+s3+$0x0] =	vst.idx.msk vm12, v3  }
0x184: {  	v7 =	vnsel vm6, $0x0, v61;
	[tilespmem:v58+s3+$0x0] =	vst.idx.msk vm13, v3  }
0x185: {  	[tilespmem:v4+s3+$0x0] =	vst.idx.msk vm14, v3  }
0x186: {  	[tilespmem:v5+s3+$0x0] =	vst.idx.msk vm15, v3  }
0x187: {  	[tilespmem:v63+s3+$0x0] =	vst.idx.msk vm5, v3  }
0x188: {  	[tilespmem:v62+s3+$0x0] =	vst.idx.msk vm4, v3  }
0x189: {  	[tilespmem:v7+s3+$0x0] =	vst.idx.msk vm6, v3  }
0x18a: {  	_ =	swait.ge [sflag:s22], $0x1000  }
0x18b: {  	[sflag:s22] =	ssyncset.done $0x0  }
0x18c: {  	[sflag:s22] =	ssyncadd.s32 $0xFFFFF000  }
0x18d: {  	_ =	swait.ge [sflag:s22], $0x1000  }
0x18e: {  	s25 =	simm.s32 $0x18080;
	s29 =	sadd.s32 $0x0, s13;
	[sflag:s22] =	ssyncset.done $0x0  }
0x18f: {  	s28 =	simm.s32 $0x18180;
	s26 =	simm.s32 $0x80;
	[sflag:s22] =	ssyncadd.s32 $0xFFFFF000  }
.LBB2_32:
0x190: {  	[tilespmem:s25], [sflag:$0x2] =	stream.linear.gather [hbm4b:s29+s3], $0x80, $0x38;
	[tilespmem:$0x1C000] =	vst v63  }
0x191: {  	s29 =	smov.u32 s26;
	s25 =	smov.u32 s28;
	p0 =	sne.s32 s26, $0xF80  }
.Ltmp15:
0x192: {  	s26 =	sadd.s32 $0x80, s26;
	(pc) =	sbr.rel @p0 .LBB2_32-.Ltmp15, $2  }
0x193: {  	_ =	sdelay $0x2  }
0x194: {  	s28 =	sadd.s32 $0x100, s28;
	s29 =	sadd.s32 s29, s13  }
0x195: {  	[tilespmem:s25], [sflag:$0x2] =	stream.linear.gather [hbm4b:s29+s3], $0x80, $0x38;
	[tilespmem:$0x1C000] =	vst v63  }
0x196: {  	s25 =	simm.s32 $0x0;
	s26 =	simm.s32 $0x1A080  }
.LBB2_34:
0x197: {  	p0 =	sne.s32 s25, $0xF80  }
.Ltmp16:
0x198: {  	_ = 	snop;
	(pc) =	sbr.rel @p0 .LBB2_34-.Ltmp16, $4  }
0x199: {  	_ = 	snop  }
0x19a: {  	s28 =	sadd.s32 s25, s14  }
0x19b: {  	[tilespmem:s26], [sflag:$0x2] =	stream.linear.gather [hbm4b:s28+s3], $0x80, $0x38;
	[tilespmem:$0x1C000] =	vst v63  }
0x19c: {  	s25 =	sadd.s32 $0x80, s25;
	s26 =	sadd.s32 $0x100, s26  }
0x19d: {  	s25 =	simm.s32 $0x18040  }
0x19e: {  	s26 =	simm.s32 $0x1A040;
	v4 =	vld [tilespmem:s25+$0x30]  }
0x19f: {  	v5 =	vld [tilespmem:s26+$0x30]  }
0x1a0: {  	v6 =	vld [tilespmem:s25+$0xFFFFFFD0]  }
0x1a1: {  	v7 =	vld [tilespmem:s25+$0xFFFFFFE0]  }
0x1a2: {  	v8 =	vld [tilespmem:s25+$0xFFFFFFF0]  }
0x1a3: {  	v9 =	vld [tilespmem:s25+$0x0]  }
0x1a4: {  	v10 =	vld [tilespmem:s25+$0x10]  }
0x1a5: {  	v11 =	vld [tilespmem:s25+$0x20]  }
0x1a6: {  	v12 =	vld [tilespmem:s25+$0xFFFFFFC0]  }
0x1a7: {  	v13 =	vld [tilespmem:s26+$0xFFFFFFC0]  }
0x1a8: {  	v14 =	vld [tilespmem:s26+$0xFFFFFFD0]  }
0x1a9: {  	v16 =	vld [tilespmem:s26+$0xFFFFFFF0]  }
0x1aa: {  	v17 =	vld [tilespmem:s26+$0x0]  }
0x1ab: {  	v19 =	vld [tilespmem:s26+$0x20];
	v4 =	vshll.u32 v4, $0xB;
	v6 =	vshll.u32 v6, $0xB;
	v7 =	vshll.u32 v7, $0xB  }
0x1ac: {  	s31 =	simm.s32 $0x18140;
	v18 =	vld [tilespmem:s26+$0x10];
	v8 =	vshll.u32 v8, $0xB;
	v12 =	vshll.u32 v12, $0xB;
	v4 =	vadd.s32 v5, v4  }
0x1ad: {  	v22 =	vld [tilespmem:s31+$0x0];
	v9 =	vshll.u32 v9, $0xB;
	v10 =	vshll.u32 v10, $0xB;
	v15 =	vsub.s32 v4, v0  }
0x1ae: {  	s28 =	simm.s32 $0x14070;
	v11 =	vshll.u32 v11, $0xB;
	v5 =	vld [tilespmem:s26+$0xFFFFFFE0];
	v12 =	vadd.s32 v13, v12;
	vm0 =	vlt.u32 v15, $0x10000  }
0x1af: {  	s25 =	simm.s32 $0x1A140;
	v13 =	vld [tilespmem:s31+$0x30];
	v6 =	vadd.s32 v14, v6;
	v8 =	vadd.s32 v16, v8;
	[tilespmem:s28+$0x0] =	vst v4;
	v15 =	vnsel vm0, $0x0, v15  }
0x1b0: {  	v14 =	vld [tilespmem:s25+$0x30];
	v9 =	vadd.s32 v17, v9;
	v11 =	vadd.s32 v19, v11;
	v20 =	vsub.s32 v12, v0;
	[tilespmem:s28+$0xFFFFFF90] =	vst v12  }
0x1b1: {  	v16 =	vld [tilespmem:s31+$0xFFFFFFE0];
	v4 =	vsub.s32 v6, v0;
	v12 =	vsub.s32 v8, v0;
	[tilespmem:s28+$0xFFFFFFA0] =	vst v6;
	v21 =	vsub.s32 v9, v0  }
0x1b2: {  	v23 =	vld [tilespmem:s25+$0xFFFFFFC0];
	[tilespmem:s28+$0xFFFFFFC0] =	vst v8;
	v19 =	vsub.s32 v11, v0;
	vm2 =	vlt.u32 v20, $0x10000;
	vm3 =	vlt.u32 v4, $0x10000  }
0x1b3: {  	v17 =	vld [tilespmem:s31+$0xFFFFFFF0];
	[tilespmem:s28+$0xFFFFFFD0] =	vst v9;
	vm5 =	vlt.u32 v21, $0x10000;
	v8 =	vnsel vm3, $0x0, v4;
	v5 =	vadd.s32 v5, v7  }
0x1b4: {  	v9 =	vld [tilespmem:s31+$0xFFFFFFC0];
	vm1 =	vlt.u32 v19, $0x10000;
	v6 =	vshll.u32 v13, $0xB;
	[tilespmem:v15+s3+$0x0] =	vst.idx.msk vm0, v3;
	v15 =	vsub.s32 v5, v0  }
0x1b5: {  	v7 =	vld [tilespmem:s31+$0xFFFFFFD0];
	[tilespmem:s28+$0xFFFFFFB0] =	vst v5;
	v5 =	vadd.s32 v18, v10;
	v18 =	vadd.s32 v14, v6;
	v14 =	vnsel vm2, $0x0, v20  }
0x1b6: {  	[tilespmem:s28+$0xFFFFFFF0] =	vst v11;
	v11 =	vshll.u32 v16, $0xB;
	v10 =	vld [tilespmem:s31+$0x10];
	vm4 =	vlt.u32 v15, $0x10000;
	v6 =	vsub.s32 v18, v0  }
0x1b7: {  	vm0 =	vlt.u32 v12, $0x10000;
	v20 =	vld [tilespmem:s31+$0x20];
	vm6 =	vlt.u32 v6, $0x10000;
	v26 =	vnsel vm4, $0x0, v15  }
0x1b8: {  	v27 =	vld [tilespmem:s25+$0xFFFFFFD0];
	[tilespmem:v8+s3+$0x0] =	vst.idx.msk vm3, v3;
	vm3 =	vmmov vm5;
	v4 =	vsub.s32 v5, v0;
	v24 =	vnsel vm6, $0x0, v6  }
0x1b9: {  	[tilespmem:s28+$0xFFFFFFE0] =	vst v5;
	v13 =	vnsel vm0, $0x0, v12;
	v5 =	vnsel vm5, $0x0, v21;
	v6 =	vshll.u32 v17, $0xB;
	v17 =	vld [tilespmem:s25+$0xFFFFFFE0]  }
0x1ba: {  	s26 =	simm.s32 $0x140F0;
	v12 =	vshll.u32 v9, $0xB;
	vm7 =	vlt.u32 v4, $0x10000;
	v25 =	vshll.u32 v7, $0xB;
	[tilespmem:v14+s3+$0x0] =	vst.idx.msk vm2, v3;
	v14 =	vld [tilespmem:s25+$0xFFFFFFF0]  }
0x1bb: {  	v16 =	vld [tilespmem:s25+$0x0];
	[tilespmem:s26+$0x0] =	vst v18;
	v7 =	vshll.u32 v22, $0xB;
	v4 =	vnsel vm7, $0x0, v4;
	v8 =	vshll.u32 v10, $0xB  }
0x1bc: {  	v15 =	vld [tilespmem:s25+$0x10];
	v10 =	vnsel vm1, $0x0, v19;
	v9 =	vshll.u32 v20, $0xB;
	v19 =	vadd.s32 v23, v12;
	[tilespmem:v26+s3+$0x0] =	vst.idx.msk vm4, v3  }
0x1bd: {  	s29 =	simm.s32 $0x18240;
	s28 =	simm.s32 $0x80;
	v18 =	vld [tilespmem:s25+$0x20];
	vm2 =	vmmov vm7;
	v20 =	vadd.s32 v27, v25;
	v12 =	vsub.s32 v19, v0;
	[tilespmem:v24+s3+$0x0] =	vst.idx.msk vm6, v3  }
.LBB2_36:
0x1be: {  	v21 =	vld [tilespmem:s29+$0x30];
	s28 =	sadd.s32 $0x80, s28;
	vm5 =	vlt.u32 v12, $0x10000;
	v22 =	vsub.s32 v20, v0;
	v11 =	vadd.s32 v17, v11;
	s25 =	sadd.s32 $0x100, s25;
	[tilespmem:v13+s3+$0x0] =	vst.idx.msk vm0, v3  }
0x1bf: {  	v13 =	vld [tilespmem:s25+$0x30];
	p0 =	slt.u32 s28, $0xF80;
	[tilespmem:s26+$0xFFFFFF90] =	vst v19;
	vm6 =	vlt.u32 v22, $0x10000;
	v17 =	vsub.s32 v11, v0;
	v6 =	vadd.s32 v14, v6  }
0x1c0: {  	v14 =	vld [tilespmem:s29+$0xFFFFFFD0];
	[tilespmem:s26+$0xFFFFFFA0] =	vst v20;
	vm4 =	vlt.u32 v17, $0x10000;
	v19 =	vsub.s32 v6, v0;
	v7 =	vadd.s32 v16, v7  }
0x1c1: {  	v16 =	vld [tilespmem:s29+$0xFFFFFFE0];
	[tilespmem:s26+$0xFFFFFFB0] =	vst v11;
	vm0 =	vlt.u32 v19, $0x10000;
	v20 =	vsub.s32 v7, v0;
	v8 =	vadd.s32 v15, v8  }
0x1c2: {  	v15 =	vld [tilespmem:s29+$0xFFFFFFF0];
	vm7 =	vlt.u32 v20, $0x10000;
	v23 =	vsub.s32 v8, v0;
	v9 =	vadd.s32 v18, v9;
	[tilespmem:v10+s3+$0x0] =	vst.idx.msk vm1, v3  }
0x1c3: {  	v10 =	vld [tilespmem:s29+$0x0];
	v11 =	vshll.u32 v21, $0xB;
	[tilespmem:s26+$0xFFFFFFC0] =	vst v6;
	vm8 =	vlt.u32 v23, $0x10000;
	v18 =	vsub.s32 v9, v0  }
0x1c4: {  	v12 =	vnsel vm5, $0x0, v12;
	v21 =	vld [tilespmem:s29+$0x10];
	v24 =	vadd.s32 v13, v11;
	[tilespmem:s26+$0xFFFFFFD0] =	vst v7;
	vm1 =	vlt.u32 v18, $0x10000  }
0x1c5: {  	v22 =	vnsel vm6, $0x0, v22;
	v25 =	vshll.u32 v14, $0xB;
	v26 =	vld [tilespmem:s29+$0x20];
	v7 =	vsub.s32 v24, v0;
	[tilespmem:v5+s3+$0x0] =	vst.idx.msk vm3, v3  }
0x1c6: {  	v28 =	vnsel vm4, $0x0, v17;
	v27 =	vld [tilespmem:s29+$0xFFFFFFC0];
	v11 =	vshll.u32 v16, $0xB;
	vm9 =	vlt.u32 v7, $0x10000;
	[tilespmem:s26+$0xFFFFFFE0] =	vst v8  }
0x1c7: {  	v13 =	vnsel vm0, $0x0, v19;
	v29 =	vld [tilespmem:s25+$0xFFFFFFC0];
	v6 =	vshll.u32 v15, $0xB;
	v30 =	vnsel vm9, $0x0, v7;
	[tilespmem:v4+s3+$0x0] =	vst.idx.msk vm2, v3  }
0x1c8: {  	v5 =	vnsel vm7, $0x0, v20;
	v4 =	vnsel vm8, $0x0, v23;
	v31 =	vld [tilespmem:s25+$0xFFFFFFD0];
	v7 =	vshll.u32 v10, $0xB;
	[tilespmem:s26+$0xFFFFFFF0] =	vst v9  }
.Ltmp17:
0x1c9: {  	vm3 =	vmmov vm7;
	v10 =	vnsel vm1, $0x0, v18;
	v17 =	vld [tilespmem:s25+$0xFFFFFFE0];
	v8 =	vshll.u32 v21, $0xB;
	[tilespmem:v12+s3+$0x0] =	vst.idx.msk vm5, v3;
	(pc) =	sbr.rel @p0 .LBB2_36-.Ltmp17, $4  }
0x1ca: {  	vm2 =	vmmov vm8;
	s26 =	sadd.s32 $0x80, s26;
	v14 =	vld [tilespmem:s25+$0xFFFFFFF0];
	v9 =	vshll.u32 v26, $0xB;
	[tilespmem:v22+s3+$0x0] =	vst.idx.msk vm6, v3  }
0x1cb: {  	v12 =	vshll.u32 v27, $0xB;
	v16 =	vld [tilespmem:s25+$0x0];
	[tilespmem:s26+$0x0] =	vst v24  }
0x1cc: {  	v19 =	vadd.s32 v29, v12;
	v15 =	vld [tilespmem:s25+$0x10];
	[tilespmem:v30+s3+$0x0] =	vst.idx.msk vm9, v3  }
0x1cd: {  	s29 =	sadd.s32 $0x100, s29;
	v12 =	vsub.s32 v19, v0;
	v20 =	vadd.s32 v31, v25;
	v18 =	vld [tilespmem:s25+$0x20];
	[tilespmem:v28+s3+$0x0] =	vst.idx.msk vm4, v3  }
0x1ce: {  	_ =	sdelay $0x4  }
0x1cf: {  	[tilespmem:v13+s3+$0x0] =	vst.idx.msk vm0, v3  }
0x1d0: {  	[tilespmem:s26+$0xFFFFFF90] =	vst v19  }
0x1d1: {  	[tilespmem:s26+$0xFFFFFFA0] =	vst v20  }
0x1d2: {  	v11 =	vadd.s32 v17, v11;
	v57 =	vsub.s32 v20, v0;
	[tilespmem:v10+s3+$0x0] =	vst.idx.msk vm1, v3  }
0x1d3: {  	vm11 =	vlt.u32 v12, $0x10000;
	[tilespmem:s26+$0xFFFFFFB0] =	vst v11;
	vm4 =	vlt.u32 v57, $0x10000;
	v11 =	vsub.s32 v11, v0  }
0x1d4: {  	[tilespmem:v5+s3+$0x0] =	vst.idx.msk vm3, v3;
	v6 =	vadd.s32 v14, v6;
	v12 =	vnsel vm11, $0x0, v12;
	vm12 =	vlt.u32 v11, $0x10000  }
0x1d5: {  	[tilespmem:v4+s3+$0x0] =	vst.idx.msk vm2, v3;
	v58 =	vsub.s32 v6, v0;
	v7 =	vadd.s32 v16, v7;
	v62 =	vnsel vm4, $0x0, v57  }
0x1d6: {  	[tilespmem:s26+$0xFFFFFFC0] =	vst v6;
	vm5 =	vlt.u32 v58, $0x10000;
	v59 =	vsub.s32 v7, v0;
	v60 =	vadd.s32 v15, v8  }
0x1d7: {  	[tilespmem:s26+$0xFFFFFFD0] =	vst v7;
	v11 =	vnsel vm12, $0x0, v11;
	v61 =	vadd.s32 v18, v9;
	v7 =	vsub.s32 v60, v0  }
0x1d8: {  	[tilespmem:s26+$0xFFFFFFE0] =	vst v60;
	v10 =	vnsel vm5, $0x0, v58;
	v5 =	vsub.s32 v61, v0;
	vm14 =	vlt.u32 v7, $0x10000  }
0x1d9: {  	[tilespmem:s26+$0xFFFFFFF0] =	vst v61;
	vm6 =	vlt.u32 v5, $0x10000;
	v63 =	vnsel vm14, $0x0, v7  }
0x1da: {  	vm13 =	vlt.u32 v59, $0x10000;
	[tilespmem:v12+s3+$0x0] =	vst.idx.msk vm11, v3;
	v4 =	vnsel vm6, $0x0, v5  }
0x1db: {  	v5 =	vnsel vm13, $0x0, v59;
	[tilespmem:v62+s3+$0x0] =	vst.idx.msk vm4, v3  }
0x1dc: {  	[tilespmem:v11+s3+$0x0] =	vst.idx.msk vm12, v3  }
0x1dd: {  	[tilespmem:v10+s3+$0x0] =	vst.idx.msk vm5, v3  }
0x1de: {  	[tilespmem:v63+s3+$0x0] =	vst.idx.msk vm14, v3  }
0x1df: {  	[tilespmem:v4+s3+$0x0] =	vst.idx.msk vm6, v3  }
0x1e0: {  	[tilespmem:v5+s3+$0x0] =	vst.idx.msk vm13, v3  }
0x1e1: {  	_ =	swait.ge [sflag:s22], $0x1000  }
0x1e2: {  	[sflag:s22] =	ssyncset.done $0x0  }
0x1e3: {  	[sflag:s22] =	ssyncadd.s32 $0xFFFFF000  }
0x1e4: {  	_ =	swait.ge [sflag:s22], $0x1000  }
0x1e5: {  	s25 =	simm.s32 $0x18000;
	s29 =	sadd.s32 $0x0, s15;
	[sflag:s22] =	ssyncset.done $0x0  }
0x1e6: {  	s28 =	simm.s32 $0x18100;
	vm7 =	vmmov vm13;
	s26 =	simm.s32 $0x80;
	vm15 =	vmmov vm14;
	[sflag:s22] =	ssyncadd.s32 $0xFFFFF000  }
.LBB2_38:
0x1e7: {  	[tilespmem:s25], [sflag:$0x2] =	stream.linear.gather [hbm4b:s29+s3], $0x80, $0x38;
	[tilespmem:$0x1C000] =	vst v63  }
0x1e8: {  	s29 =	smov.u32 s26;
	s25 =	smov.u32 s28;
	p0 =	sne.s32 s26, $0xF80  }
.Ltmp18:
0x1e9: {  	s26 =	sadd.s32 $0x80, s26;
	(pc) =	sbr.rel @p0 .LBB2_38-.Ltmp18, $2  }
0x1ea: {  	_ =	sdelay $0x2  }
0x1eb: {  	s28 =	sadd.s32 $0x100, s28;
	s29 =	sadd.s32 s29, s15  }
0x1ec: {  	[tilespmem:s25], [sflag:$0x2] =	stream.linear.gather [hbm4b:s29+s3], $0x80, $0x38;
	[tilespmem:$0x1C000] =	vst v63  }
0x1ed: {  	s25 =	simm.s32 $0x0;
	s26 =	simm.s32 $0x1A000  }
.LBB2_40:
0x1ee: {  	p0 =	sne.s32 s25, $0xF80  }
.Ltmp19:
0x1ef: {  	_ = 	snop;
	(pc) =	sbr.rel @p0 .LBB2_40-.Ltmp19, $4  }
0x1f0: {  	_ = 	snop  }
0x1f1: {  	s28 =	sadd.s32 s25, s16  }
0x1f2: {  	[tilespmem:s26], [sflag:$0x2] =	stream.linear.gather [hbm4b:s28+s3], $0x80, $0x38;
	[tilespmem:$0x1C000] =	vst v63  }
0x1f3: {  	s25 =	sadd.s32 $0x80, s25;
	s26 =	sadd.s32 $0x100, s26  }
0x1f4: {  	s25 =	simm.s32 $0x180F0  }
0x1f5: {  	s26 =	simm.s32 $0x1A0F0;
	v4 =	vld [tilespmem:s25+$0x0]  }
0x1f6: {  	v5 =	vld [tilespmem:s26+$0x0]  }
0x1f7: {  	v6 =	vld [tilespmem:s25+$0xFFFFFFA0]  }
0x1f8: {  	v7 =	vld [tilespmem:s25+$0xFFFFFFB0]  }
0x1f9: {  	v8 =	vld [tilespmem:s25+$0xFFFFFFC0]  }
0x1fa: {  	v9 =	vld [tilespmem:s25+$0xFFFFFFD0]  }
0x1fb: {  	v10 =	vld [tilespmem:s25+$0xFFFFFFE0]  }
0x1fc: {  	v11 =	vld [tilespmem:s25+$0xFFFFFFF0]  }
0x1fd: {  	v12 =	vld [tilespmem:s25+$0xFFFFFF90]  }
0x1fe: {  	v13 =	vld [tilespmem:s26+$0xFFFFFF90]  }
0x1ff: {  	s31 =	simm.s32 $0x181F0;
	v14 =	vld [tilespmem:s26+$0xFFFFFFA0]  }
0x200: {  	v20 =	vld [tilespmem:s31+$0x0]  }
0x201: {  	v16 =	vld [tilespmem:s26+$0xFFFFFFC0]  }
0x202: {  	v17 =	vld [tilespmem:s26+$0xFFFFFFD0];
	v4 =	vshll.u32 v4, $0xB  }
0x203: {  	v19 =	vld [tilespmem:s26+$0xFFFFFFF0];
	v6 =	vshll.u32 v6, $0xB;
	v7 =	vshll.u32 v7, $0xB;
	v8 =	vshll.u32 v8, $0xB  }
0x204: {  	v18 =	vld [tilespmem:s26+$0xFFFFFFE0];
	v9 =	vshll.u32 v9, $0xB;
	v12 =	vshll.u32 v12, $0xB;
	v10 =	vshll.u32 v10, $0xB  }
0x205: {  	s25 =	simm.s32 $0x1A1F0;
	v21 =	vld [tilespmem:s31+$0xFFFFFFB0];
	v11 =	vshll.u32 v11, $0xB;
	v20 =	vshll.u32 v20, $0xB;
	v4 =	vadd.s32 v5, v4  }
0x206: {  	s28 =	simm.s32 $0x15070;
	v12 =	vadd.s32 v13, v12;
	v13 =	vld [tilespmem:s25+$0x0];
	v6 =	vadd.s32 v14, v6;
	v15 =	vsub.s32 v4, v0  }
0x207: {  	v5 =	vld [tilespmem:s26+$0xFFFFFFB0];
	v8 =	vadd.s32 v16, v8;
	v9 =	vadd.s32 v17, v9;
	[tilespmem:s28+$0x0] =	vst v4;
	vm0 =	vlt.u32 v15, $0x10000  }
0x208: {  	v22 =	vld [tilespmem:s31+$0xFFFFFFE0];
	v11 =	vadd.s32 v19, v11;
	v4 =	vsub.s32 v12, v0;
	[tilespmem:s28+$0xFFFFFF90] =	vst v12;
	v15 =	vnsel vm0, $0x0, v15  }
0x209: {  	v23 =	vld [tilespmem:s31+$0xFFFFFFF0];
	v14 =	vsub.s32 v6, v0;
	v16 =	vsub.s32 v8, v0;
	[tilespmem:s28+$0xFFFFFFC0] =	vst v8;
	v8 =	vadd.s32 v18, v10  }
0x20a: {  	v17 =	vld [tilespmem:s31+$0xFFFFFFD0];
	[tilespmem:s28+$0xFFFFFFA0] =	vst v6;
	v25 =	vsub.s32 v11, v0;
	vm6 =	vlt.u32 v4, $0x10000;
	vm5 =	vlt.u32 v14, $0x10000  }
0x20b: {  	v12 =	vld [tilespmem:s31+$0xFFFFFFC0];
	[tilespmem:s28+$0xFFFFFFD0] =	vst v9;
	vm2 =	vlt.u32 v25, $0x10000;
	v4 =	vnsel vm6, $0x0, v4;
	v13 =	vadd.s32 v13, v20  }
0x20c: {  	v10 =	vld [tilespmem:s31+$0xFFFFFF90];
	[tilespmem:s28+$0xFFFFFFF0] =	vst v11;
	v5 =	vadd.s32 v5, v7;
	v20 =	vnsel vm5, $0x0, v14;
	v6 =	vsub.s32 v13, v0  }
0x20d: {  	v7 =	vld [tilespmem:s31+$0xFFFFFFA0];
	vm7 =	vlt.u32 v6, $0x10000;
	[tilespmem:v15+s3+$0x0] =	vst.idx.msk vm0, v3;
	v15 =	vsub.s32 v5, v0;
	vm0 =	vlt.u32 v16, $0x10000  }
0x20e: {  	v18 =	vld [tilespmem:s25+$0xFFFFFF90];
	[tilespmem:s28+$0xFFFFFFB0] =	vst v5;
	v5 =	vsub.s32 v9, v0;
	v24 =	vnsel vm7, $0x0, v6;
	vm4 =	vlt.u32 v15, $0x10000  }
0x20f: {  	v27 =	vld [tilespmem:s25+$0xFFFFFFA0];
	s26 =	simm.s32 $0x150F0;
	[tilespmem:s28+$0xFFFFFFE0] =	vst v8;
	v9 =	vsub.s32 v8, v0;
	v8 =	vshll.u32 v21, $0xB;
	v26 =	vnsel vm4, $0x0, v15  }
0x210: {  	v19 =	vld [tilespmem:s25+$0xFFFFFFB0];
	[tilespmem:s26+$0x0] =	vst v13;
	v6 =	vshll.u32 v12, $0xB;
	vm1 =	vlt.u32 v5, $0x10000;
	v14 =	vnsel vm0, $0x0, v16  }
0x211: {  	[tilespmem:v4+s3+$0x0] =	vst.idx.msk vm6, v3;
	v4 =	vshll.u32 v17, $0xB;
	vm3 =	vlt.u32 v9, $0x10000;
	v15 =	vld [tilespmem:s25+$0xFFFFFFC0];
	v16 =	vnsel vm1, $0x0, v5  }
0x212: {  	v17 =	vld [tilespmem:s25+$0xFFFFFFD0];
	v28 =	vshll.u32 v7, $0xB;
	[tilespmem:v20+s3+$0x0] =	vst.idx.msk vm5, v3;
	v11 =	vnsel vm3, $0x0, v9;
	v7 =	vshll.u32 v10, $0xB  }
0x213: {  	v12 =	vld [tilespmem:s25+$0xFFFFFFE0];
	v5 =	vshll.u32 v22, $0xB;
	v9 =	vnsel vm2, $0x0, v25;
	v20 =	vadd.s32 v18, v7;
	[tilespmem:v24+s3+$0x0] =	vst.idx.msk vm7, v3  }
0x214: {  	s29 =	simm.s32 $0x182F0;
	s28 =	simm.s32 $0x80;
	v13 =	vld [tilespmem:s25+$0xFFFFFFF0];
	v7 =	vshll.u32 v23, $0xB;
	v18 =	vadd.s32 v27, v28;
	v10 =	vsub.s32 v20, v0;
	[tilespmem:v26+s3+$0x0] =	vst.idx.msk vm4, v3  }
.LBB2_42:
0x215: {  	v21 =	vld [tilespmem:s29+$0x0];
	s28 =	sadd.s32 $0x80, s28;
	vm5 =	vlt.u32 v10, $0x10000;
	v22 =	vsub.s32 v18, v0;
	v8 =	vadd.s32 v19, v8;
	s25 =	sadd.s32 $0x100, s25;
	[tilespmem:v14+s3+$0x0] =	vst.idx.msk vm0, v3  }
0x216: {  	v14 =	vld [tilespmem:s25+$0x0];
	p0 =	slt.u32 s28, $0xF80;
	vm6 =	vlt.u32 v22, $0x10000;
	v19 =	vsub.s32 v8, v0;
	v6 =	vadd.s32 v15, v6;
	[tilespmem:v16+s3+$0x0] =	vst.idx.msk vm1, v3  }
0x217: {  	v15 =	vld [tilespmem:s29+$0xFFFFFFA0];
	vm4 =	vlt.u32 v19, $0x10000;
	v16 =	vsub.s32 v6, v0;
	v4 =	vadd.s32 v17, v4;
	[tilespmem:v11+s3+$0x0] =	vst.idx.msk vm3, v3  }
0x218: {  	v11 =	vld [tilespmem:s29+$0xFFFFFFB0];
	[tilespmem:s26+$0xFFFFFF90] =	vst v20;
	vm0 =	vlt.u32 v16, $0x10000;
	v17 =	vsub.s32 v4, v0;
	v5 =	vadd.s32 v12, v5  }
0x219: {  	v12 =	vld [tilespmem:s29+$0xFFFFFFC0];
	vm1 =	vlt.u32 v17, $0x10000;
	v20 =	vsub.s32 v5, v0;
	v7 =	vadd.s32 v13, v7;
	[tilespmem:v9+s3+$0x0] =	vst.idx.msk vm2, v3  }
0x21a: {  	v9 =	vld [tilespmem:s29+$0xFFFFFFD0];
	v13 =	vshll.u32 v21, $0xB;
	[tilespmem:s26+$0xFFFFFFA0] =	vst v18;
	vm3 =	vlt.u32 v20, $0x10000;
	v18 =	vsub.s32 v7, v0  }
0x21b: {  	v10 =	vnsel vm5, $0x0, v10;
	v21 =	vld [tilespmem:s29+$0xFFFFFFE0];
	v13 =	vadd.s32 v14, v13;
	[tilespmem:s26+$0xFFFFFFB0] =	vst v8;
	vm2 =	vlt.u32 v18, $0x10000  }
0x21c: {  	v22 =	vnsel vm6, $0x0, v22;
	v23 =	vshll.u32 v15, $0xB;
	v24 =	vld [tilespmem:s29+$0xFFFFFFF0];
	v14 =	vsub.s32 v13, v0;
	[tilespmem:s26+$0xFFFFFFC0] =	vst v6  }
0x21d: {  	v26 =	vnsel vm4, $0x0, v19;
	v25 =	vld [tilespmem:s29+$0xFFFFFF90];
	v8 =	vshll.u32 v11, $0xB;
	vm7 =	vlt.u32 v14, $0x10000;
	[tilespmem:s26+$0xFFFFFFD0] =	vst v4  }
0x21e: {  	v27 =	vld [tilespmem:s25+$0xFFFFFF90];
	v6 =	vshll.u32 v12, $0xB;
	v28 =	vnsel vm7, $0x0, v14;
	v14 =	vnsel vm0, $0x0, v16;
	[tilespmem:s26+$0xFFFFFFE0] =	vst v5  }
0x21f: {  	v11 =	vnsel vm3, $0x0, v20;
	v16 =	vnsel vm1, $0x0, v17;
	v29 =	vld [tilespmem:s25+$0xFFFFFFA0];
	v4 =	vshll.u32 v9, $0xB;
	[tilespmem:s26+$0xFFFFFFF0] =	vst v7  }
.Ltmp20:
0x220: {  	v9 =	vnsel vm2, $0x0, v18;
	v19 =	vld [tilespmem:s25+$0xFFFFFFB0];
	v5 =	vshll.u32 v21, $0xB;
	[tilespmem:v10+s3+$0x0] =	vst.idx.msk vm5, v3;
	(pc) =	sbr.rel @p0 .LBB2_42-.Ltmp20, $4  }
0x221: {  	s26 =	sadd.s32 $0x80, s26;
	v15 =	vld [tilespmem:s25+$0xFFFFFFC0];
	v7 =	vshll.u32 v24, $0xB;
	[tilespmem:v22+s3+$0x0] =	vst.idx.msk vm6, v3  }
0x222: {  	v10 =	vshll.u32 v25, $0xB;
	v17 =	vld [tilespmem:s25+$0xFFFFFFD0];
	[tilespmem:s26+$0x0] =	vst v13  }
0x223: {  	v20 =	vadd.s32 v27, v10;
	v12 =	vld [tilespmem:s25+$0xFFFFFFE0];
	[tilespmem:v28+s3+$0x0] =	vst.idx.msk vm7, v3  }
0x224: {  	s29 =	sadd.s32 $0x100, s29;
	v10 =	vsub.s32 v20, v0;
	v18 =	vadd.s32 v29, v23;
	v13 =	vld [tilespmem:s25+$0xFFFFFFF0];
	[tilespmem:v26+s3+$0x0] =	vst.idx.msk vm4, v3  }
0x225: {  	_ =	sdelay $0x4  }
0x226: {  	[tilespmem:v14+s3+$0x0] =	vst.idx.msk vm0, v3  }
0x227: {  	[tilespmem:v16+s3+$0x0] =	vst.idx.msk vm1, v3  }
0x228: {  	[tilespmem:v11+s3+$0x0] =	vst.idx.msk vm3, v3  }
0x229: {  	v8 =	vadd.s32 v19, v8;
	[tilespmem:s26+$0xFFFFFF90] =	vst v20  }
0x22a: {  	vm12 =	vlt.u32 v10, $0x10000;
	v59 =	vsub.s32 v18, v0;
	[tilespmem:v9+s3+$0x0] =	vst.idx.msk vm2, v3;
	v60 =	vsub.s32 v8, v0  }
0x22b: {  	[tilespmem:s26+$0xFFFFFFA0] =	vst v18;
	vm13 =	vlt.u32 v59, $0x10000;
	v6 =	vadd.s32 v15, v6;
	v10 =	vnsel vm12, $0x0, v10  }
0x22c: {  	[tilespmem:s26+$0xFFFFFFB0] =	vst v8;
	vm14 =	vlt.u32 v60, $0x10000;
	v61 =	vsub.s32 v6, v0;
	v4 =	vadd.s32 v17, v4  }
0x22d: {  	v11 =	vnsel vm13, $0x0, v59;
	[tilespmem:s26+$0xFFFFFFC0] =	vst v6;
	vm15 =	vlt.u32 v61, $0x10000;
	v62 =	vsub.s32 v4, v0  }
0x22e: {  	v5 =	vadd.s32 v12, v5;
	v63 =	vnsel vm14, $0x0, v60;
	[tilespmem:s26+$0xFFFFFFD0] =	vst v4;
	vm4 =	vlt.u32 v62, $0x10000  }
0x22f: {  	v4 =	vsub.s32 v5, v0;
	v7 =	vadd.s32 v13, v7;
	v9 =	vnsel vm15, $0x0, v61;
	[tilespmem:s26+$0xFFFFFFE0] =	vst v5  }
0x230: {  	vm5 =	vlt.u32 v4, $0x10000;
	v5 =	vsub.s32 v7, v0;
	v8 =	vnsel vm4, $0x0, v62;
	[tilespmem:s26+$0xFFFFFFF0] =	vst v7  }
0x231: {  	vm6 =	vlt.u32 v5, $0x10000;
	v4 =	vnsel vm5, $0x0, v4;
	[tilespmem:v10+s3+$0x0] =	vst.idx.msk vm12, v3  }
0x232: {  	v5 =	vnsel vm6, $0x0, v5;
	[tilespmem:v11+s3+$0x0] =	vst.idx.msk vm13, v3  }
0x233: {  	[tilespmem:v63+s3+$0x0] =	vst.idx.msk vm14, v3  }
0x234: {  	[tilespmem:v9+s3+$0x0] =	vst.idx.msk vm15, v3  }
0x235: {  	[tilespmem:v8+s3+$0x0] =	vst.idx.msk vm4, v3  }
0x236: {  	[tilespmem:v4+s3+$0x0] =	vst.idx.msk vm5, v3  }
0x237: {  	[tilespmem:v5+s3+$0x0] =	vst.idx.msk vm6, v3  }
0x238: {  	_ =	swait.ge [sflag:s22], $0x1000  }
0x239: {  	[sflag:s22] =	ssyncset.done $0x0  }
0x23a: {  	[sflag:s22] =	ssyncadd.s32 $0xFFFFF000  }
0x23b: {  	_ =	swait.ge [sflag:s22], $0x1000  }
0x23c: {  	s25 =	simm.s32 $0x18080;
	s29 =	sadd.s32 $0x0, s17;
	[sflag:s22] =	ssyncset.done $0x0  }
0x23d: {  	s28 =	simm.s32 $0x18180;
	s26 =	simm.s32 $0x80;
	[sflag:s22] =	ssyncadd.s32 $0xFFFFF000  }
.LBB2_44:
0x23e: {  	[tilespmem:s25], [sflag:$0x2] =	stream.linear.gather [hbm4b:s29+s3], $0x80, $0x38;
	[tilespmem:$0x1C000] =	vst v63  }
0x23f: {  	s29 =	smov.u32 s26;
	s25 =	smov.u32 s28;
	p0 =	sne.s32 s26, $0xF80  }
.Ltmp21:
0x240: {  	s26 =	sadd.s32 $0x80, s26;
	(pc) =	sbr.rel @p0 .LBB2_44-.Ltmp21, $2  }
0x241: {  	_ =	sdelay $0x2  }
0x242: {  	s28 =	sadd.s32 $0x100, s28;
	s29 =	sadd.s32 s29, s17  }
0x243: {  	[tilespmem:s25], [sflag:$0x2] =	stream.linear.gather [hbm4b:s29+s3], $0x80, $0x38;
	[tilespmem:$0x1C000] =	vst v63  }
0x244: {  	s25 =	simm.s32 $0x0;
	s26 =	simm.s32 $0x1A080  }
.LBB2_46:
0x245: {  	p0 =	sne.s32 s25, $0xF80  }
.Ltmp22:
0x246: {  	_ = 	snop;
	(pc) =	sbr.rel @p0 .LBB2_46-.Ltmp22, $4  }
0x247: {  	_ = 	snop  }
0x248: {  	s28 =	sadd.s32 s25, s18  }
0x249: {  	[tilespmem:s26], [sflag:$0x2] =	stream.linear.gather [hbm4b:s28+s3], $0x80, $0x38;
	[tilespmem:$0x1C000] =	vst v63  }
0x24a: {  	s25 =	sadd.s32 $0x80, s25;
	s26 =	sadd.s32 $0x100, s26  }
0x24b: {  	s25 =	simm.s32 $0x18040  }
0x24c: {  	s26 =	simm.s32 $0x1A040;
	v4 =	vld [tilespmem:s25+$0x30]  }
0x24d: {  	v5 =	vld [tilespmem:s26+$0x30]  }
0x24e: {  	v6 =	vld [tilespmem:s25+$0xFFFFFFD0]  }
0x24f: {  	v7 =	vld [tilespmem:s25+$0xFFFFFFE0]  }
0x250: {  	v8 =	vld [tilespmem:s25+$0xFFFFFFF0]  }
0x251: {  	v9 =	vld [tilespmem:s25+$0x0]  }
0x252: {  	v10 =	vld [tilespmem:s25+$0x10]  }
0x253: {  	v11 =	vld [tilespmem:s25+$0x20]  }
0x254: {  	v12 =	vld [tilespmem:s25+$0xFFFFFFC0]  }
0x255: {  	v13 =	vld [tilespmem:s26+$0xFFFFFFC0]  }
0x256: {  	v14 =	vld [tilespmem:s26+$0xFFFFFFD0]  }
0x257: {  	v16 =	vld [tilespmem:s26+$0xFFFFFFF0]  }
0x258: {  	v17 =	vld [tilespmem:s26+$0x0]  }
0x259: {  	v19 =	vld [tilespmem:s26+$0x20];
	v4 =	vshll.u32 v4, $0xB;
	v6 =	vshll.u32 v6, $0xB;
	v7 =	vshll.u32 v7, $0xB  }
0x25a: {  	s31 =	simm.s32 $0x18140;
	v18 =	vld [tilespmem:s26+$0x10];
	v8 =	vshll.u32 v8, $0xB;
	v12 =	vshll.u32 v12, $0xB;
	v4 =	vadd.s32 v5, v4  }
0x25b: {  	v22 =	vld [tilespmem:s31+$0x0];
	v9 =	vshll.u32 v9, $0xB;
	v10 =	vshll.u32 v10, $0xB;
	v15 =	vsub.s32 v4, v0  }
0x25c: {  	s28 =	simm.s32 $0x16070;
	v11 =	vshll.u32 v11, $0xB;
	v5 =	vld [tilespmem:s26+$0xFFFFFFE0];
	v12 =	vadd.s32 v13, v12;
	vm0 =	vlt.u32 v15, $0x10000  }
0x25d: {  	s25 =	simm.s32 $0x1A140;
	v13 =	vld [tilespmem:s31+$0x30];
	v6 =	vadd.s32 v14, v6;
	v8 =	vadd.s32 v16, v8;
	[tilespmem:s28+$0x0] =	vst v4;
	v15 =	vnsel vm0, $0x0, v15  }
0x25e: {  	v14 =	vld [tilespmem:s25+$0x30];
	v9 =	vadd.s32 v17, v9;
	v11 =	vadd.s32 v19, v11;
	v20 =	vsub.s32 v12, v0;
	[tilespmem:s28+$0xFFFFFF90] =	vst v12  }
0x25f: {  	v16 =	vld [tilespmem:s31+$0xFFFFFFE0];
	v4 =	vsub.s32 v6, v0;
	v12 =	vsub.s32 v8, v0;
	[tilespmem:s28+$0xFFFFFFA0] =	vst v6;
	v21 =	vsub.s32 v9, v0  }
0x260: {  	v23 =	vld [tilespmem:s25+$0xFFFFFFC0];
	[tilespmem:s28+$0xFFFFFFC0] =	vst v8;
	v19 =	vsub.s32 v11, v0;
	vm2 =	vlt.u32 v20, $0x10000;
	vm3 =	vlt.u32 v4, $0x10000  }
0x261: {  	v17 =	vld [tilespmem:s31+$0xFFFFFFF0];
	[tilespmem:s28+$0xFFFFFFD0] =	vst v9;
	vm5 =	vlt.u32 v21, $0x10000;
	v8 =	vnsel vm3, $0x0, v4;
	v5 =	vadd.s32 v5, v7  }
0x262: {  	v9 =	vld [tilespmem:s31+$0xFFFFFFC0];
	vm1 =	vlt.u32 v19, $0x10000;
	v6 =	vshll.u32 v13, $0xB;
	[tilespmem:v15+s3+$0x0] =	vst.idx.msk vm0, v3;
	v15 =	vsub.s32 v5, v0  }
0x263: {  	v7 =	vld [tilespmem:s31+$0xFFFFFFD0];
	[tilespmem:s28+$0xFFFFFFB0] =	vst v5;
	v5 =	vadd.s32 v18, v10;
	v18 =	vadd.s32 v14, v6;
	v14 =	vnsel vm2, $0x0, v20  }
0x264: {  	[tilespmem:s28+$0xFFFFFFF0] =	vst v11;
	v11 =	vshll.u32 v16, $0xB;
	v10 =	vld [tilespmem:s31+$0x10];
	vm4 =	vlt.u32 v15, $0x10000;
	v6 =	vsub.s32 v18, v0  }
0x265: {  	vm0 =	vlt.u32 v12, $0x10000;
	v20 =	vld [tilespmem:s31+$0x20];
	vm6 =	vlt.u32 v6, $0x10000;
	v26 =	vnsel vm4, $0x0, v15  }
0x266: {  	v27 =	vld [tilespmem:s25+$0xFFFFFFD0];
	[tilespmem:v8+s3+$0x0] =	vst.idx.msk vm3, v3;
	vm3 =	vmmov vm5;
	v4 =	vsub.s32 v5, v0;
	v24 =	vnsel vm6, $0x0, v6  }
0x267: {  	[tilespmem:s28+$0xFFFFFFE0] =	vst v5;
	v13 =	vnsel vm0, $0x0, v12;
	v5 =	vnsel vm5, $0x0, v21;
	v6 =	vshll.u32 v17, $0xB;
	v17 =	vld [tilespmem:s25+$0xFFFFFFE0]  }
0x268: {  	s26 =	simm.s32 $0x160F0;
	v12 =	vshll.u32 v9, $0xB;
	vm7 =	vlt.u32 v4, $0x10000;
	v25 =	vshll.u32 v7, $0xB;
	[tilespmem:v14+s3+$0x0] =	vst.idx.msk vm2, v3;
	v14 =	vld [tilespmem:s25+$0xFFFFFFF0]  }
0x269: {  	v16 =	vld [tilespmem:s25+$0x0];
	[tilespmem:s26+$0x0] =	vst v18;
	v7 =	vshll.u32 v22, $0xB;
	v4 =	vnsel vm7, $0x0, v4;
	v8 =	vshll.u32 v10, $0xB  }
0x26a: {  	v15 =	vld [tilespmem:s25+$0x10];
	v10 =	vnsel vm1, $0x0, v19;
	v9 =	vshll.u32 v20, $0xB;
	v19 =	vadd.s32 v23, v12;
	[tilespmem:v26+s3+$0x0] =	vst.idx.msk vm4, v3  }
0x26b: {  	s29 =	simm.s32 $0x18240;
	s28 =	simm.s32 $0x80;
	v18 =	vld [tilespmem:s25+$0x20];
	vm2 =	vmmov vm7;
	v20 =	vadd.s32 v27, v25;
	v12 =	vsub.s32 v19, v0;
	[tilespmem:v24+s3+$0x0] =	vst.idx.msk vm6, v3  }
.LBB2_48:
0x26c: {  	v21 =	vld [tilespmem:s29+$0x30];
	s28 =	sadd.s32 $0x80, s28;
	vm5 =	vlt.u32 v12, $0x10000;
	v22 =	vsub.s32 v20, v0;
	v11 =	vadd.s32 v17, v11;
	s25 =	sadd.s32 $0x100, s25;
	[tilespmem:v13+s3+$0x0] =	vst.idx.msk vm0, v3  }
0x26d: {  	v13 =	vld [tilespmem:s25+$0x30];
	p0 =	slt.u32 s28, $0xF80;
	[tilespmem:s26+$0xFFFFFF90] =	vst v19;
	vm6 =	vlt.u32 v22, $0x10000;
	v17 =	vsub.s32 v11, v0;
	v6 =	vadd.s32 v14, v6  }
0x26e: {  	v14 =	vld [tilespmem:s29+$0xFFFFFFD0];
	[tilespmem:s26+$0xFFFFFFA0] =	vst v20;
	vm4 =	vlt.u32 v17, $0x10000;
	v19 =	vsub.s32 v6, v0;
	v7 =	vadd.s32 v16, v7  }
0x26f: {  	v16 =	vld [tilespmem:s29+$0xFFFFFFE0];
	[tilespmem:s26+$0xFFFFFFB0] =	vst v11;
	vm0 =	vlt.u32 v19, $0x10000;
	v20 =	vsub.s32 v7, v0;
	v8 =	vadd.s32 v15, v8  }
0x270: {  	v15 =	vld [tilespmem:s29+$0xFFFFFFF0];
	vm7 =	vlt.u32 v20, $0x10000;
	v23 =	vsub.s32 v8, v0;
	v9 =	vadd.s32 v18, v9;
	[tilespmem:v10+s3+$0x0] =	vst.idx.msk vm1, v3  }
0x271: {  	v10 =	vld [tilespmem:s29+$0x0];
	v11 =	vshll.u32 v21, $0xB;
	[tilespmem:s26+$0xFFFFFFC0] =	vst v6;
	vm8 =	vlt.u32 v23, $0x10000;
	v18 =	vsub.s32 v9, v0  }
0x272: {  	v12 =	vnsel vm5, $0x0, v12;
	v21 =	vld [tilespmem:s29+$0x10];
	v24 =	vadd.s32 v13, v11;
	[tilespmem:s26+$0xFFFFFFD0] =	vst v7;
	vm1 =	vlt.u32 v18, $0x10000  }
0x273: {  	v22 =	vnsel vm6, $0x0, v22;
	v25 =	vshll.u32 v14, $0xB;
	v26 =	vld [tilespmem:s29+$0x20];
	v7 =	vsub.s32 v24, v0;
	[tilespmem:v5+s3+$0x0] =	vst.idx.msk vm3, v3  }
0x274: {  	v28 =	vnsel vm4, $0x0, v17;
	v27 =	vld [tilespmem:s29+$0xFFFFFFC0];
	v11 =	vshll.u32 v16, $0xB;
	vm9 =	vlt.u32 v7, $0x10000;
	[tilespmem:s26+$0xFFFFFFE0] =	vst v8  }
0x275: {  	v13 =	vnsel vm0, $0x0, v19;
	v29 =	vld [tilespmem:s25+$0xFFFFFFC0];
	v6 =	vshll.u32 v15, $0xB;
	v30 =	vnsel vm9, $0x0, v7;
	[tilespmem:v4+s3+$0x0] =	vst.idx.msk vm2, v3  }
0x276: {  	v5 =	vnsel vm7, $0x0, v20;
	v4 =	vnsel vm8, $0x0, v23;
	v31 =	vld [tilespmem:s25+$0xFFFFFFD0];
	v7 =	vshll.u32 v10, $0xB;
	[tilespmem:s26+$0xFFFFFFF0] =	vst v9  }
.Ltmp23:
0x277: {  	vm3 =	vmmov vm7;
	v10 =	vnsel vm1, $0x0, v18;
	v17 =	vld [tilespmem:s25+$0xFFFFFFE0];
	v8 =	vshll.u32 v21, $0xB;
	[tilespmem:v12+s3+$0x0] =	vst.idx.msk vm5, v3;
	(pc) =	sbr.rel @p0 .LBB2_48-.Ltmp23, $4  }
0x278: {  	vm2 =	vmmov vm8;
	s26 =	sadd.s32 $0x80, s26;
	v14 =	vld [tilespmem:s25+$0xFFFFFFF0];
	v9 =	vshll.u32 v26, $0xB;
	[tilespmem:v22+s3+$0x0] =	vst.idx.msk vm6, v3  }
0x279: {  	v12 =	vshll.u32 v27, $0xB;
	v16 =	vld [tilespmem:s25+$0x0];
	[tilespmem:s26+$0x0] =	vst v24  }
0x27a: {  	v19 =	vadd.s32 v29, v12;
	v15 =	vld [tilespmem:s25+$0x10];
	[tilespmem:v30+s3+$0x0] =	vst.idx.msk vm9, v3  }
0x27b: {  	s29 =	sadd.s32 $0x100, s29;
	v12 =	vsub.s32 v19, v0;
	v20 =	vadd.s32 v31, v25;
	v18 =	vld [tilespmem:s25+$0x20];
	[tilespmem:v28+s3+$0x0] =	vst.idx.msk vm4, v3  }
0x27c: {  	_ =	sdelay $0x4  }
0x27d: {  	[tilespmem:v13+s3+$0x0] =	vst.idx.msk vm0, v3  }
0x27e: {  	[tilespmem:s26+$0xFFFFFF90] =	vst v19  }
0x27f: {  	[tilespmem:s26+$0xFFFFFFA0] =	vst v20  }
0x280: {  	v11 =	vadd.s32 v17, v11;
	v13 =	vsub.s32 v20, v0;
	[tilespmem:v10+s3+$0x0] =	vst.idx.msk vm1, v3  }
0x281: {  	vm0 =	vlt.u32 v12, $0x10000;
	[tilespmem:s26+$0xFFFFFFB0] =	vst v11;
	vm4 =	vlt.u32 v13, $0x10000;
	v11 =	vsub.s32 v11, v0  }
0x282: {  	[tilespmem:v5+s3+$0x0] =	vst.idx.msk vm3, v3;
	v6 =	vadd.s32 v14, v6;
	v12 =	vnsel vm0, $0x0, v12;
	v7 =	vadd.s32 v16, v7  }
0x283: {  	vm1 =	vlt.u32 v11, $0x10000;
	v10 =	vsub.s32 v6, v0;
	[tilespmem:s26+$0xFFFFFFC0] =	vst v6;
	v6 =	vsub.s32 v7, v0  }
0x284: {  	[tilespmem:s26+$0xFFFFFFD0] =	vst v7;
	v7 =	vadd.s32 v15, v8;
	v11 =	vnsel vm1, $0x0, v11;
	v8 =	vadd.s32 v18, v9  }
0x285: {  	[tilespmem:v4+s3+$0x0] =	vst.idx.msk vm2, v3;
	vm5 =	vlt.u32 v10, $0x10000;
	v9 =	vnsel vm4, $0x0, v13;
	v5 =	vsub.s32 v8, v0  }
0x286: {  	[tilespmem:s26+$0xFFFFFFE0] =	vst v7;
	v10 =	vnsel vm5, $0x0, v10;
	vm6 =	vlt.u32 v5, $0x10000  }
0x287: {  	vm3 =	vlt.u32 v6, $0x10000;
	v7 =	vsub.s32 v7, v0;
	[tilespmem:s26+$0xFFFFFFF0] =	vst v8;
	v4 =	vnsel vm6, $0x0, v5  }
0x288: {  	vm2 =	vlt.u32 v7, $0x10000;
	[tilespmem:v12+s3+$0x0] =	vst.idx.msk vm0, v3;
	v5 =	vnsel vm3, $0x0, v6  }
0x289: {  	v6 =	vnsel vm2, $0x0, v7;
	[tilespmem:v11+s3+$0x0] =	vst.idx.msk vm1, v3  }
0x28a: {  	[tilespmem:v9+s3+$0x0] =	vst.idx.msk vm4, v3  }
0x28b: {  	[tilespmem:v10+s3+$0x0] =	vst.idx.msk vm5, v3  }
0x28c: {  	[tilespmem:v4+s3+$0x0] =	vst.idx.msk vm6, v3  }
0x28d: {  	[tilespmem:v5+s3+$0x0] =	vst.idx.msk vm3, v3  }
0x28e: {  	[tilespmem:v6+s3+$0x0] =	vst.idx.msk vm2, v3  }
0x28f: {  	_ =	swait.ge [sflag:s22], $0x1000  }
0x290: {  	[sflag:s22] =	ssyncset.done $0x0  }
0x291: {  	[sflag:s22] =	ssyncadd.s32 $0xFFFFF000  }
0x292: {  	_ =	swait.ge [sflag:s22], $0x1000  }
0x293: {  	[sflag:s22] =	ssyncset.done $0x0  }
0x294: {  	s25 =	simm.s32 $0x180F0;
	[sflag:s22] =	ssyncadd.s32 $0xFFFFF000  }
0x295: {  	s30 =	simm.s32 $0x1A0F0;
	v4 =	vld [tilespmem:s25+$0x0]  }
0x296: {  	v5 =	vld [tilespmem:s30+$0x0]  }
0x297: {  	v6 =	vld [tilespmem:s25+$0xFFFFFFA0]  }
0x298: {  	v7 =	vld [tilespmem:s25+$0xFFFFFFB0]  }
0x299: {  	v8 =	vld [tilespmem:s25+$0xFFFFFFC0]  }
0x29a: {  	v9 =	vld [tilespmem:s25+$0xFFFFFFD0]  }
0x29b: {  	v10 =	vld [tilespmem:s25+$0xFFFFFFE0]  }
0x29c: {  	v11 =	vld [tilespmem:s25+$0xFFFFFFF0]  }
0x29d: {  	v12 =	vld [tilespmem:s25+$0xFFFFFF90]  }
0x29e: {  	v13 =	vld [tilespmem:s30+$0xFFFFFF90]  }
0x29f: {  	s31 =	simm.s32 $0x181F0;
	v14 =	vld [tilespmem:s30+$0xFFFFFFA0]  }
0x2a0: {  	v20 =	vld [tilespmem:s31+$0x0]  }
0x2a1: {  	v16 =	vld [tilespmem:s30+$0xFFFFFFC0]  }
0x2a2: {  	vm7 =	vmmov vm3;
	vm0 =	vmmov vm2;
	v17 =	vld [tilespmem:s30+$0xFFFFFFD0];
	v4 =	vshll.u32 v4, $0xB  }
0x2a3: {  	v19 =	vld [tilespmem:s30+$0xFFFFFFF0];
	v6 =	vshll.u32 v6, $0xB;
	v7 =	vshll.u32 v7, $0xB;
	v8 =	vshll.u32 v8, $0xB  }
0x2a4: {  	v18 =	vld [tilespmem:s30+$0xFFFFFFE0];
	v9 =	vshll.u32 v9, $0xB;
	v12 =	vshll.u32 v12, $0xB;
	v10 =	vshll.u32 v10, $0xB  }
0x2a5: {  	s25 =	simm.s32 $0x1A1F0;
	v21 =	vld [tilespmem:s31+$0xFFFFFFB0];
	v11 =	vshll.u32 v11, $0xB;
	v20 =	vshll.u32 v20, $0xB;
	v4 =	vadd.s32 v5, v4  }
0x2a6: {  	s28 =	simm.s32 $0x17070;
	v12 =	vadd.s32 v13, v12;
	v13 =	vld [tilespmem:s25+$0x0];
	v6 =	vadd.s32 v14, v6;
	v15 =	vsub.s32 v4, v0  }
0x2a7: {  	v5 =	vld [tilespmem:s30+$0xFFFFFFB0];
	v8 =	vadd.s32 v16, v8;
	v9 =	vadd.s32 v17, v9;
	[tilespmem:s28+$0x0] =	vst v4;
	vm0 =	vlt.u32 v15, $0x10000  }
0x2a8: {  	v22 =	vld [tilespmem:s31+$0xFFFFFFE0];
	v11 =	vadd.s32 v19, v11;
	v4 =	vsub.s32 v12, v0;
	[tilespmem:s28+$0xFFFFFF90] =	vst v12;
	v15 =	vnsel vm0, $0x0, v15  }
0x2a9: {  	v23 =	vld [tilespmem:s31+$0xFFFFFFF0];
	v14 =	vsub.s32 v6, v0;
	v16 =	vsub.s32 v8, v0;
	[tilespmem:s28+$0xFFFFFFC0] =	vst v8;
	v8 =	vadd.s32 v18, v10  }
0x2aa: {  	v17 =	vld [tilespmem:s31+$0xFFFFFFD0];
	[tilespmem:s28+$0xFFFFFFA0] =	vst v6;
	v25 =	vsub.s32 v11, v0;
	vm15 =	vlt.u32 v4, $0x10000;
	vm5 =	vlt.u32 v14, $0x10000  }
0x2ab: {  	v12 =	vld [tilespmem:s31+$0xFFFFFFC0];
	[tilespmem:s28+$0xFFFFFFD0] =	vst v9;
	vm2 =	vlt.u32 v25, $0x10000;
	v4 =	vnsel vm15, $0x0, v4;
	v13 =	vadd.s32 v13, v20  }
0x2ac: {  	v10 =	vld [tilespmem:s31+$0xFFFFFF90];
	[tilespmem:s28+$0xFFFFFFF0] =	vst v11;
	v5 =	vadd.s32 v5, v7;
	v20 =	vnsel vm5, $0x0, v14;
	v6 =	vsub.s32 v13, v0  }
0x2ad: {  	v7 =	vld [tilespmem:s31+$0xFFFFFFA0];
	vm7 =	vlt.u32 v6, $0x10000;
	[tilespmem:v15+s3+$0x0] =	vst.idx.msk vm0, v3;
	v15 =	vsub.s32 v5, v0;
	vm0 =	vlt.u32 v16, $0x10000  }
0x2ae: {  	v18 =	vld [tilespmem:s25+$0xFFFFFF90];
	[tilespmem:s28+$0xFFFFFFB0] =	vst v5;
	v5 =	vsub.s32 v9, v0;
	v24 =	vnsel vm7, $0x0, v6;
	vm4 =	vlt.u32 v15, $0x10000  }
0x2af: {  	s26 =	simm.s32 $0x170F0;
	v27 =	vld [tilespmem:s25+$0xFFFFFFA0];
	[tilespmem:s28+$0xFFFFFFE0] =	vst v8;
	v9 =	vsub.s32 v8, v0;
	v8 =	vshll.u32 v21, $0xB;
	v26 =	vnsel vm4, $0x0, v15  }
0x2b0: {  	v19 =	vld [tilespmem:s25+$0xFFFFFFB0];
	[tilespmem:s26+$0x0] =	vst v13;
	v6 =	vshll.u32 v12, $0xB;
	vm1 =	vlt.u32 v5, $0x10000;
	v14 =	vnsel vm0, $0x0, v16  }
0x2b1: {  	[tilespmem:v4+s3+$0x0] =	vst.idx.msk vm15, v3;
	v4 =	vshll.u32 v17, $0xB;
	vm3 =	vlt.u32 v9, $0x10000;
	v15 =	vld [tilespmem:s25+$0xFFFFFFC0];
	v16 =	vnsel vm1, $0x0, v5  }
0x2b2: {  	v17 =	vld [tilespmem:s25+$0xFFFFFFD0];
	v28 =	vshll.u32 v7, $0xB;
	[tilespmem:v20+s3+$0x0] =	vst.idx.msk vm5, v3;
	v11 =	vnsel vm3, $0x0, v9;
	v7 =	vshll.u32 v10, $0xB  }
0x2b3: {  	v12 =	vld [tilespmem:s25+$0xFFFFFFE0];
	v5 =	vshll.u32 v22, $0xB;
	v9 =	vnsel vm2, $0x0, v25;
	v20 =	vadd.s32 v18, v7;
	[tilespmem:v24+s3+$0x0] =	vst.idx.msk vm7, v3  }
0x2b4: {  	s29 =	simm.s32 $0x182F0;
	s28 =	simm.s32 $0x80;
	v13 =	vld [tilespmem:s25+$0xFFFFFFF0];
	v7 =	vshll.u32 v23, $0xB;
	v18 =	vadd.s32 v27, v28;
	v10 =	vsub.s32 v20, v0;
	[tilespmem:v26+s3+$0x0] =	vst.idx.msk vm4, v3  }
.LBB2_50:
0x2b5: {  	v21 =	vld [tilespmem:s29+$0x0];
	s28 =	sadd.s32 $0x80, s28;
	vm5 =	vlt.u32 v10, $0x10000;
	v22 =	vsub.s32 v18, v0;
	v8 =	vadd.s32 v19, v8;
	s25 =	sadd.s32 $0x100, s25;
	[tilespmem:v14+s3+$0x0] =	vst.idx.msk vm0, v3  }
0x2b6: {  	v14 =	vld [tilespmem:s25+$0x0];
	p0 =	slt.u32 s28, $0xF80;
	vm6 =	vlt.u32 v22, $0x10000;
	v19 =	vsub.s32 v8, v0;
	v6 =	vadd.s32 v15, v6;
	[tilespmem:v16+s3+$0x0] =	vst.idx.msk vm1, v3  }
0x2b7: {  	v15 =	vld [tilespmem:s29+$0xFFFFFFA0];
	vm4 =	vlt.u32 v19, $0x10000;
	v16 =	vsub.s32 v6, v0;
	v4 =	vadd.s32 v17, v4;
	[tilespmem:v11+s3+$0x0] =	vst.idx.msk vm3, v3  }
0x2b8: {  	v11 =	vld [tilespmem:s29+$0xFFFFFFB0];
	[tilespmem:s26+$0xFFFFFF90] =	vst v20;
	vm0 =	vlt.u32 v16, $0x10000;
	v17 =	vsub.s32 v4, v0;
	v5 =	vadd.s32 v12, v5  }
0x2b9: {  	v12 =	vld [tilespmem:s29+$0xFFFFFFC0];
	vm1 =	vlt.u32 v17, $0x10000;
	v20 =	vsub.s32 v5, v0;
	v7 =	vadd.s32 v13, v7;
	[tilespmem:v9+s3+$0x0] =	vst.idx.msk vm2, v3  }
0x2ba: {  	v9 =	vld [tilespmem:s29+$0xFFFFFFD0];
	v13 =	vshll.u32 v21, $0xB;
	[tilespmem:s26+$0xFFFFFFA0] =	vst v18;
	vm3 =	vlt.u32 v20, $0x10000;
	v18 =	vsub.s32 v7, v0  }
0x2bb: {  	v10 =	vnsel vm5, $0x0, v10;
	v21 =	vld [tilespmem:s29+$0xFFFFFFE0];
	v13 =	vadd.s32 v14, v13;
	[tilespmem:s26+$0xFFFFFFB0] =	vst v8;
	vm2 =	vlt.u32 v18, $0x10000  }
0x2bc: {  	v22 =	vnsel vm6, $0x0, v22;
	v23 =	vshll.u32 v15, $0xB;
	v24 =	vld [tilespmem:s29+$0xFFFFFFF0];
	v14 =	vsub.s32 v13, v0;
	[tilespmem:s26+$0xFFFFFFC0] =	vst v6  }
0x2bd: {  	v26 =	vnsel vm4, $0x0, v19;
	v25 =	vld [tilespmem:s29+$0xFFFFFF90];
	v8 =	vshll.u32 v11, $0xB;
	vm7 =	vlt.u32 v14, $0x10000;
	[tilespmem:s26+$0xFFFFFFD0] =	vst v4  }
0x2be: {  	v27 =	vld [tilespmem:s25+$0xFFFFFF90];
	v6 =	vshll.u32 v12, $0xB;
	v28 =	vnsel vm7, $0x0, v14;
	v14 =	vnsel vm0, $0x0, v16;
	[tilespmem:s26+$0xFFFFFFE0] =	vst v5  }
0x2bf: {  	v11 =	vnsel vm3, $0x0, v20;
	v16 =	vnsel vm1, $0x0, v17;
	v29 =	vld [tilespmem:s25+$0xFFFFFFA0];
	v4 =	vshll.u32 v9, $0xB;
	[tilespmem:s26+$0xFFFFFFF0] =	vst v7  }
.Ltmp24:
0x2c0: {  	v9 =	vnsel vm2, $0x0, v18;
	v19 =	vld [tilespmem:s25+$0xFFFFFFB0];
	v5 =	vshll.u32 v21, $0xB;
	[tilespmem:v10+s3+$0x0] =	vst.idx.msk vm5, v3;
	(pc) =	sbr.rel @p0 .LBB2_50-.Ltmp24, $4  }
0x2c1: {  	s26 =	sadd.s32 $0x80, s26;
	v15 =	vld [tilespmem:s25+$0xFFFFFFC0];
	v7 =	vshll.u32 v24, $0xB;
	[tilespmem:v22+s3+$0x0] =	vst.idx.msk vm6, v3  }
0x2c2: {  	v10 =	vshll.u32 v25, $0xB;
	v17 =	vld [tilespmem:s25+$0xFFFFFFD0];
	[tilespmem:s26+$0x0] =	vst v13  }
0x2c3: {  	v20 =	vadd.s32 v27, v10;
	v12 =	vld [tilespmem:s25+$0xFFFFFFE0];
	[tilespmem:v28+s3+$0x0] =	vst.idx.msk vm7, v3  }
0x2c4: {  	s29 =	sadd.s32 $0x100, s29;
	v10 =	vsub.s32 v20, v0;
	v18 =	vadd.s32 v29, v23;
	v13 =	vld [tilespmem:s25+$0xFFFFFFF0];
	[tilespmem:v26+s3+$0x0] =	vst.idx.msk vm4, v3  }
0x2c5: {  	_ =	sdelay $0x4  }
0x2c6: {  	[tilespmem:v14+s3+$0x0] =	vst.idx.msk vm0, v3  }
0x2c7: {  	[tilespmem:v16+s3+$0x0] =	vst.idx.msk vm1, v3  }
0x2c8: {  	[tilespmem:v11+s3+$0x0] =	vst.idx.msk vm3, v3  }
0x2c9: {  	v8 =	vadd.s32 v19, v8;
	[tilespmem:s26+$0xFFFFFF90] =	vst v20  }
0x2ca: {  	vm12 =	vlt.u32 v10, $0x10000;
	v59 =	vsub.s32 v18, v0;
	[tilespmem:v9+s3+$0x0] =	vst.idx.msk vm2, v3;
	v60 =	vsub.s32 v8, v0  }
0x2cb: {  	[tilespmem:s26+$0xFFFFFFA0] =	vst v18;
	vm13 =	vlt.u32 v59, $0x10000;
	v6 =	vadd.s32 v15, v6;
	v10 =	vnsel vm12, $0x0, v10  }
0x2cc: {  	[tilespmem:s26+$0xFFFFFFB0] =	vst v8;
	vm14 =	vlt.u32 v60, $0x10000;
	v61 =	vsub.s32 v6, v0;
	v4 =	vadd.s32 v17, v4  }
0x2cd: {  	v11 =	vnsel vm13, $0x0, v59;
	[tilespmem:s26+$0xFFFFFFC0] =	vst v6;
	vm15 =	vlt.u32 v61, $0x10000;
	v62 =	vsub.s32 v4, v0  }
0x2ce: {  	v5 =	vadd.s32 v12, v5;
	v63 =	vnsel vm14, $0x0, v60;
	[tilespmem:s26+$0xFFFFFFD0] =	vst v4;
	vm4 =	vlt.u32 v62, $0x10000  }
0x2cf: {  	v4 =	vsub.s32 v5, v0;
	v7 =	vadd.s32 v13, v7;
	v9 =	vnsel vm15, $0x0, v61;
	[tilespmem:s26+$0xFFFFFFE0] =	vst v5  }
0x2d0: {  	vm5 =	vlt.u32 v4, $0x10000;
	v5 =	vsub.s32 v7, v0;
	v8 =	vnsel vm4, $0x0, v62;
	[tilespmem:s26+$0xFFFFFFF0] =	vst v7  }
0x2d1: {  	vm6 =	vlt.u32 v5, $0x10000;
	v4 =	vnsel vm5, $0x0, v4;
	[tilespmem:v10+s3+$0x0] =	vst.idx.msk vm12, v3  }
0x2d2: {  	v5 =	vnsel vm6, $0x0, v5;
	[tilespmem:v11+s3+$0x0] =	vst.idx.msk vm13, v3  }
0x2d3: {  	[tilespmem:v63+s3+$0x0] =	vst.idx.msk vm14, v3  }
0x2d4: {  	[tilespmem:v9+s3+$0x0] =	vst.idx.msk vm15, v3  }
0x2d5: {  	[tilespmem:v8+s3+$0x0] =	vst.idx.msk vm4, v3  }
0x2d6: {  	[tilespmem:v4+s3+$0x0] =	vst.idx.msk vm5, v3  }
0x2d7: {  	[tilespmem:v5+s3+$0x0] =	vst.idx.msk vm6, v3  }
0x2d8: {  	[hbm4b:s19+s3] =	stream.linear.scatter [tilespmem:s3], [sflag:$0x1], $0x10000, $0x38;
	[tilespmem:$0x1C000] =	vst v63  }
0x2d9: {  	_ =	swait.ge [sflag:s23], $0x10000  }
0x2da: {  	[sflag:s23] =	ssyncset.done $0x0  }
0x2db: {  	s25 =	simm.s32 $0x40;
	[sflag:s23] =	ssyncadd.s32 $0xFFFF0000  }
0x2dc: {  	[tilespmem:s25+$0xFFFFFFC0] =	vst v2  }
0x2dd: {  	[tilespmem:s25+$0x30] =	vst v2  }
0x2de: {  	[tilespmem:s25+$0x20] =	vst v2  }
0x2df: {  	[tilespmem:s25+$0x10] =	vst v2  }
0x2e0: {  	[tilespmem:s25+$0x0] =	vst v2  }
0x2e1: {  	[tilespmem:s25+$0xFFFFFFF0] =	vst v2  }
0x2e2: {  	s26 =	simm.s32 $0x0;
	[tilespmem:s25+$0xFFFFFFE0] =	vst v2  }
.LBB2_52:
0x2e3: {  	s26 =	sadd.s32 $0x80, s26;
	[tilespmem:s25+$0xFFFFFFD0] =	vst v2;
	s25 =	sadd.s32 $0x80, s25  }
0x2e4: {  	[tilespmem:s25+$0xFFFFFFC0] =	vst v2;
	p0 =	slt.u32 s26, $0xFF80  }
0x2e5: {  	[tilespmem:s25+$0x30] =	vst v2  }
.Ltmp25:
0x2e6: {  	[tilespmem:s25+$0x20] =	vst v2;
	(pc) =	sbr.rel @p0 .LBB2_52-.Ltmp25, $4  }
0x2e7: {  	[tilespmem:s25+$0x10] =	vst v2  }
0x2e8: {  	[tilespmem:s25+$0x0] =	vst v2  }
0x2e9: {  	[tilespmem:s25+$0xFFFFFFF0] =	vst v2  }
0x2ea: {  	[tilespmem:s25+$0xFFFFFFE0] =	vst v2  }
0x2eb: {  	[tilespmem:s25+$0xFFFFFFD0] =	vst v2;
	s31 =	simm.s32 $0x10040  }
0x2ec: {  	v4 =	vld [tilespmem:s31+$0x30]  }
0x2ed: {  	v5 =	vld [tilespmem:s31+$0xFFFFFFD0]  }
0x2ee: {  	v6 =	vld [tilespmem:s31+$0xFFFFFFE0]  }
0x2ef: {  	v7 =	vld [tilespmem:s31+$0xFFFFFFF0]  }
0x2f0: {  	v8 =	vld [tilespmem:s31+$0x0]  }
0x2f1: {  	v9 =	vld [tilespmem:s31+$0x10];
	v4 =	vsub.s32 v4, v1  }
0x2f2: {  	v10 =	vld [tilespmem:s31+$0x20];
	v5 =	vsub.s32 v5, v1;
	vm2 =	vlt.u32 v4, $0x10000  }
0x2f3: {  	s26 =	simm.s32 $0x100C0;
	v11 =	vld [tilespmem:s31+$0xFFFFFFC0];
	v6 =	vsub.s32 v6, v1;
	vm4 =	vlt.u32 v5, $0x10000;
	v12 =	vnsel vm2, $0x0, v4  }
0x2f4: {  	v13 =	vld [tilespmem:s26+$0x30];
	vm5 =	vlt.u32 v6, $0x10000;
	v14 =	vnsel vm4, $0x0, v5;
	v4 =	vsub.s32 v7, v1  }
0x2f5: {  	v15 =	vld [tilespmem:s26+$0xFFFFFFD0];
	v16 =	vnsel vm5, $0x0, v6;
	v6 =	vsub.s32 v8, v1;
	vm6 =	vlt.u32 v4, $0x10000  }
0x2f6: {  	v17 =	vld [tilespmem:s26+$0xFFFFFFE0];
	v7 =	vsub.s32 v9, v1;
	vm1 =	vlt.u32 v6, $0x10000;
	v18 =	vnsel vm6, $0x0, v4  }
0x2f7: {  	v5 =	vld [tilespmem:s26+$0xFFFFFFF0];
	v9 =	vsub.s32 v10, v1;
	vm0 =	vlt.u32 v7, $0x10000;
	v6 =	vnsel vm1, $0x0, v6  }
0x2f8: {  	v10 =	vsub.s32 v11, v1;
	vm3 =	vlt.u32 v9, $0x10000;
	v4 =	vld [tilespmem:s26+$0x0];
	v8 =	vnsel vm0, $0x0, v7;
	[tilespmem:v12+s3+$0x0] =	vst.idx.msk vm2, v3  }
0x2f9: {  	v13 =	vsub.s32 v13, v1;
	v7 =	vld [tilespmem:s26+$0x10];
	v11 =	vnsel vm3, $0x0, v9;
	vm2 =	vlt.u32 v10, $0x10000;
	[tilespmem:v14+s3+$0x0] =	vst.idx.msk vm4, v3  }
0x2fa: {  	v9 =	vld [tilespmem:s26+$0x20];
	v14 =	vsub.s32 v15, v1;
	vm4 =	vlt.u32 v13, $0x10000;
	[tilespmem:v16+s3+$0x0] =	vst.idx.msk vm5, v3;
	v10 =	vnsel vm2, $0x0, v10  }
0x2fb: {  	s25 =	simm.s32 $0x80;
	v12 =	vld [tilespmem:s26+$0xFFFFFFC0];
	v15 =	vsub.s32 v17, v1;
	s26 =	simm.s32 $0x10140;
	vm5 =	vlt.u32 v14, $0x10000;
	v13 =	vnsel vm4, $0x0, v13;
	[tilespmem:v18+s3+$0x0] =	vst.idx.msk vm6, v3  }
.LBB2_54:
0x2fc: {  	v16 =	vld [tilespmem:s26+$0x30];
	s25 =	sadd.s32 $0x80, s25;
	v14 =	vnsel vm5, $0x0, v14;
	vm6 =	vlt.u32 v15, $0x10000;
	v5 =	vsub.s32 v5, v1;
	[tilespmem:v6+s3+$0x0] =	vst.idx.msk vm1, v3  }
0x2fd: {  	v17 =	vld [tilespmem:s26+$0xFFFFFFD0];
	p0 =	slt.u32 s25, $0x7F80;
	v15 =	vnsel vm6, $0x0, v15;
	vm7 =	vlt.u32 v5, $0x10000;
	v4 =	vsub.s32 v4, v1;
	[tilespmem:v8+s3+$0x0] =	vst.idx.msk vm0, v3  }
0x2fe: {  	v18 =	vld [tilespmem:s26+$0xFFFFFFE0];
	v19 =	vnsel vm7, $0x0, v5;
	vm1 =	vlt.u32 v4, $0x10000;
	v7 =	vsub.s32 v7, v1;
	[tilespmem:v11+s3+$0x0] =	vst.idx.msk vm3, v3  }
.Ltmp26:
0x2ff: {  	v5 =	vld [tilespmem:s26+$0xFFFFFFF0];
	v6 =	vnsel vm1, $0x0, v4;
	vm0 =	vlt.u32 v7, $0x10000;
	v9 =	vsub.s32 v9, v1;
	[tilespmem:v10+s3+$0x0] =	vst.idx.msk vm2, v3;
	(pc) =	sbr.rel @p0 .LBB2_54-.Ltmp26, $4  }
0x300: {  	v4 =	vld [tilespmem:s26+$0x0];
	v10 =	vsub.s32 v12, v1;
	v8 =	vnsel vm0, $0x0, v7;
	vm3 =	vlt.u32 v9, $0x10000;
	[tilespmem:v13+s3+$0x0] =	vst.idx.msk vm4, v3  }
0x301: {  	v7 =	vld [tilespmem:s26+$0x10];
	v13 =	vsub.s32 v16, v1;
	vm2 =	vlt.u32 v10, $0x10000;
	[tilespmem:v14+s3+$0x0] =	vst.idx.msk vm5, v3;
	v11 =	vnsel vm3, $0x0, v9  }
0x302: {  	v14 =	vsub.s32 v17, v1;
	v9 =	vld [tilespmem:s26+$0x20];
	vm4 =	vlt.u32 v13, $0x10000;
	v10 =	vnsel vm2, $0x0, v10;
	[tilespmem:v15+s3+$0x0] =	vst.idx.msk vm6, v3  }
0x303: {  	v12 =	vld [tilespmem:s26+$0xFFFFFFC0];
	vm5 =	vlt.u32 v14, $0x10000;
	v15 =	vsub.s32 v18, v1;
	v13 =	vnsel vm4, $0x0, v13;
	s26 =	sadd.s32 $0x80, s26;
	[tilespmem:v19+s3+$0x0] =	vst.idx.msk vm7, v3  }
0x304: {  	_ =	sdelay $0x4  }
0x305: {  	v14 =	vnsel vm5, $0x0, v14;
	vm6 =	vlt.u32 v15, $0x10000;
	v5 =	vsub.s32 v5, v1;
	[tilespmem:v6+s3+$0x0] =	vst.idx.msk vm1, v3  }
0x306: {  	[tilespmem:v8+s3+$0x0] =	vst.idx.msk vm0, v3;
	v61 =	vnsel vm6, $0x0, v15;
	vm11 =	vlt.u32 v5, $0x10000;
	v4 =	vsub.s32 v4, v1  }
0x307: {  	[tilespmem:v11+s3+$0x0] =	vst.idx.msk vm3, v3;
	v5 =	vnsel vm11, $0x0, v5;
	vm12 =	vlt.u32 v4, $0x10000;
	v7 =	vsub.s32 v7, v1  }
0x308: {  	[tilespmem:v10+s3+$0x0] =	vst.idx.msk vm2, v3;
	v4 =	vnsel vm12, $0x0, v4;
	vm13 =	vlt.u32 v7, $0x10000;
	v62 =	vsub.s32 v9, v1  }
0x309: {  	[tilespmem:v13+s3+$0x0] =	vst.idx.msk vm4, v3;
	v63 =	vsub.s32 v12, v1;
	v7 =	vnsel vm13, $0x0, v7;
	vm14 =	vlt.u32 v62, $0x10000  }
0x30a: {  	vm15 =	vlt.u32 v63, $0x10000;
	[tilespmem:v14+s3+$0x0] =	vst.idx.msk vm5, v3;
	v8 =	vnsel vm14, $0x0, v62  }
0x30b: {  	v9 =	vnsel vm15, $0x0, v63;
	[tilespmem:v61+s3+$0x0] =	vst.idx.msk vm6, v3  }
0x30c: {  	[tilespmem:v5+s3+$0x0] =	vst.idx.msk vm11, v3  }
0x30d: {  	[tilespmem:v4+s3+$0x0] =	vst.idx.msk vm12, v3  }
0x30e: {  	s24 =	sadd.s32 $0x1, s24;
	[tilespmem:v7+s3+$0x0] =	vst.idx.msk vm13, v3  }
0x30f: {  	p0 =	sne.s32 s24, s21;
	[tilespmem:v8+s3+$0x0] =	vst.idx.msk vm14, v3  }
.Ltmp27:
0x310: {  	[tilespmem:v9+s3+$0x0] =	vst.idx.msk vm15, v3;
	(pc) =	sbr.rel @p0 .LBB2_1-.Ltmp27, $4  }
0x311: {  	[hbm4b:s20+s3] =	stream.linear.scatter [tilespmem:s3], [sflag:$0x1], $0x10000, $0x38;
	[tilespmem:$0x1C000] =	vst v63  }
0x312: {  	_ =	swait.ge [sflag:s23], $0x10000  }
0x313: {  	[sflag:s23] =	ssyncset.done $0x0  }
0x314: {  	[sflag:s23] =	ssyncadd.s32 $0xFFFF0000  }
0x315: {  	_ =	sfence.sel $0x180000  }
0x316: {  	[bflag:$0x0] =	sbarrier.arrive $0xFFFF  }
0x317: {  	p0 =	sne.s32 s1, $0x0;
	_ =	strace $0x90000047  }
0x318: {  	s0 =	sadd.s32 @!p0 $0x100000, s0;
	[bflag:$0x2] =	sbarrier.arrive $0xFFFF  }
0x319: {  	[sflag:s0] =	ssyncadd.tile.s32 @!p0 $0x1;
	_ =	shalt  }
.Lfunc_end2:
_tile_overlayer_lowered:
.L_overlay_start_2:
0x31a: {  	(tag) =	ssettag $0x2  }
0x31b: {  	s0 =	rddreg [dreg:$0x0];
	s2 =	stileid.u32  }
0x31c: {  	s1 =	rddreg [dreg:$0x1];
	p0 =	sne.s32 s2, $0x0  }
0x31d: {  	s3 =	rddreg [dreg:$0x2];
	[bflag:$0x3] =	sbarrier.arrive $0xFFFF;
	s2 =	simm.s32 @!p0 $0x1C03  }
0x31e: {  	[timem:s3], [sflag:s2] =	dma.local @!p0 [hbm:s0], s1  }
0x31f: {  	s0 =	simm.s32 @!p0 $0x3  }
0x320: {  	_ =	swait.ge @!p0 [sflag:s0], s1  }
0x321: {  	s1 =	ssub.s32 @!p0 $0x0, s1;
	[sflag:s0] =	ssyncset.done @!p0 $0x0  }
0x322: {  	[sflag:s0] =	ssyncadd.s32 @!p0 s1  }
0x323: {  	[bflag:$0x3] =	sbarrier.arrive $0xFFFF  }
0x324: {  	_ =	shalt  }

</sc_bundles>
